<compile_context>
chip_gen: v7x
topology: tpu7x:2x2x1
jax: 0.10.2.dev20260603
libtpu: 0.0.44.dev20260713+nightly
codegen_flags: <defaults>
</compile_context>

<pallas_src>
import jax
import jax.numpy as jnp
from jax import lax
from jax.experimental import pallas as pl
from jax.experimental.pallas import tpu as pltpu
from jax.experimental.pallas import tpu_sc as plsc

_N, _E, _DIN, _HID, _LAT, _PTS = 10000, 160000, 384, 128, 64, 1280
_NC, _NS = 2, 16
_NW = _NC * _NS
_CHUNK = 128
_CPT = 40
_NSPLIT = 2
_EPAD = _NW * _CHUNK * _CPT
_EPT = _CPT * _CHUNK
_NACC = 10240
_RPT = _NACC // _NS
_DEGP = _NACC
_BN = 1000
_NBUF = 2

_F32 = jnp.float32

def _eps():
    return jax.random.normal(jax.random.key(42), (_N, _LAT), _F32)

_sc_mesh = plsc.VectorSubcoreMesh(core_axis_name="c", subcore_axis_name="s")



_EREAL = _E // _NW


def _deg_body(ei_hbm, out_hbm, rowp_hbm, colp_hbm, rowv, colv, deg):
    cid = lax.axis_index("c")
    sid = lax.axis_index("s")
    wid = sid * _NC + cid

    padr = jnp.zeros((16,), jnp.int32)
    padc = jnp.full((16,), _N, jnp.int32)

    def pbody(i, c):
        rowv[pl.ds(4992 + i * 16, 16)] = padr
        colv[pl.ds(4992 + i * 16, 16)] = padc
        return c

    lax.fori_loop(0, (_EPT - 4992) // 16, pbody, 0)
    pltpu.sync_copy(ei_hbm.at[pl.ds(wid * _EREAL, _EREAL)],
                    rowv.at[pl.ds(0, _EREAL)])
    pltpu.sync_copy(ei_hbm.at[pl.ds(_E + wid * _EREAL, _EREAL)],
                    colv.at[pl.ds(0, _EREAL)])

    zeros16 = jnp.zeros((16,), _F32)
    ones16 = jnp.ones((16,), _F32)

    def zbody(i, c):
        deg[pl.ds(i * 16, 16)] = zeros16
        return c

    lax.fori_loop(0, _DEGP // 16, zbody, 0)

    def hbody(i, c):
        idx = colv[pl.ds(i * 16, 16)]
        plsc.addupdate_scatter(deg, [idx], ones16)
        return c

    lax.fori_loop(0, _EPT // 16, hbody, 0)
    pltpu.sync_copy(deg, out_hbm.at[wid])
    pltpu.sync_copy(rowv, rowp_hbm.at[pl.ds(wid * _EPT, _EPT)])
    pltpu.sync_copy(colv, colp_hbm.at[pl.ds(wid * _EPT, _EPT)])


_deg_kernel = pl.kernel(
    _deg_body,
    out_type=[
        jax.ShapeDtypeStruct((_NW, _DEGP), _F32),
        jax.ShapeDtypeStruct((_EPAD,), jnp.int32),
        jax.ShapeDtypeStruct((_EPAD,), jnp.int32),
    ],
    mesh=_sc_mesh,
    compiler_params=pltpu.CompilerParams(needs_layout_passes=False),
    scratch_types=[
        pltpu.VMEM((_EPT,), jnp.int32),
        pltpu.VMEM((_EPT,), jnp.int32),
        pltpu.VMEM((_DEGP,), _F32),
    ],
)


def _agg_body(y_hbm, rows_hbm, cols_hbm, out_hbm, rowv, colv, msg, acc,
              *gsems):
    cid = lax.axis_index("c")
    sid = lax.axis_index("s")
    wid = sid * _NC + cid
    pltpu.sync_copy(rows_hbm.at[pl.ds(wid * _CPT, _CPT)], rowv)
    pltpu.sync_copy(cols_hbm.at[pl.ds(wid * _CPT, _CPT)], colv)

    zeros16 = jnp.zeros((16,), _F32)

    def zb(r, c):
        for k in range(_HID // 16):
            msg[0, r, pl.ds(k * 16, 16)] = zeros16
        return c

    lax.fori_loop(0, _CHUNK, zb, 0)

    def zc(k, c):
        pltpu.sync_copy(msg.at[0],
                        acc.at[pl.ds(sid * _RPT + k * _CHUNK, _CHUNK)])
        return c

    lax.fori_loop(0, _RPT // _CHUNK, zc, 0)
    plsc.subcore_barrier()

    _G = _CHUNK // _NSPLIT

    def start_gather(j, b):
        for s in range(_NSPLIT):
            pltpu.async_copy(
                y_hbm.at[rowv.at[j].at[pl.ds(s * _G, _G)]],
                msg.at[b].at[pl.ds(s * _G, _G)],
                gsems[b * _NSPLIT + s])

    def wait_gather(b):
        for s in range(_NSPLIT):
            pltpu.make_async_copy(
                y_hbm.at[pl.ds(0, _G)], msg.at[b].at[pl.ds(s * _G, _G)],
                gsems[b * _NSPLIT + s]).wait()

    for b in range(_NBUF):
        start_gather(b, b)

    def eb(i, c):
        j0 = i * _NBUF
        for b in range(_NBUF):
            wait_gather(b)
            pltpu.sync_copy(msg.at[b], acc.at[colv.at[j0 + b]], add=True)

            @pl.when(i < _CPT // _NBUF - 1)
            def _():
                start_gather(j0 + b + _NBUF, b)

        return c

    lax.fori_loop(0, _CPT // _NBUF, eb, 0)
    plsc.subcore_barrier()
    pltpu.sync_copy(
        acc.at[pl.ds(sid * _RPT, _RPT)],
        out_hbm.at[cid, pl.ds(sid * _RPT, _RPT)],
    )


_agg_kernel = pl.kernel(
    _agg_body,
    out_type=jax.ShapeDtypeStruct((_NC, _NACC, _HID), _F32),
    mesh=_sc_mesh,
    scratch_types=[
        pltpu.VMEM((_CPT, _CHUNK), jnp.int32),
        pltpu.VMEM((_CPT, _CHUNK), jnp.int32),
        pltpu.VMEM((_NBUF, _CHUNK, _HID), _F32),
        pltpu.VMEM_SHARED((_NACC, _HID), _F32),
    ] + [pltpu.SemaphoreType.DMA] * (_NBUF * _NSPLIT),
)



def _dis_body(degp_ref, dis_ref):
    ones = jnp.ones((_NW, 1), _F32)
    deg = lax.dot_general(degp_ref[...], ones,
                          (((0,), (0,)), ((), ())),
                          preferred_element_type=_F32) + 1.0
    dis_ref[...] = lax.rsqrt(deg)


_dis_kernel = pl.pallas_call(
    _dis_body,
    grid=(8,),
    in_specs=[pl.BlockSpec((_NW, _DEGP // 8), lambda i: (0, i))],
    out_specs=pl.BlockSpec((_DEGP // 8, 1), lambda i: (i, 0)),
    out_shape=jax.ShapeDtypeStruct((_DEGP, 1), _F32),
)


def _enc1_body(dis_ref, x_ref, w_ref, y_ref):
    xw = jnp.dot(x_ref[...], w_ref[...], preferred_element_type=_F32)
    y_ref[...] = dis_ref[...] * xw


_enc1_kernel = pl.pallas_call(
    _enc1_body,
    grid=(_N // _BN,),
    in_specs=[
        pl.BlockSpec((_BN, 1), lambda i: (i, 0)),
        pl.BlockSpec((_BN, _DIN), lambda i: (i, 0)),
        pl.BlockSpec((_DIN, _HID), lambda i: (0, 0)),
    ],
    out_specs=pl.BlockSpec((_BN, _HID), lambda i: (i, 0)),
    out_shape=jax.ShapeDtypeStruct((_N, _HID), _F32),
)


def _enc2_body(p_ref, y1_ref, dis_ref, b1_ref, w2_ref, y2_ref):
    dis = dis_ref[...]
    agg = p_ref[0] + p_ref[1] + y1_ref[...]
    h = jnp.maximum(dis * agg + b1_ref[...], 0.0)
    y2_ref[...] = dis * jnp.dot(h, w2_ref[...], preferred_element_type=_F32)


_enc2_kernel = pl.pallas_call(
    _enc2_body,
    grid=(_N // _BN,),
    in_specs=[
        pl.BlockSpec((_NC, _BN, _HID), lambda i: (0, i, 0)),
        pl.BlockSpec((_BN, _HID), lambda i: (i, 0)),
        pl.BlockSpec((_BN, 1), lambda i: (i, 0)),
        pl.BlockSpec((1, _HID), lambda i: (0, 0)),
        pl.BlockSpec((_HID, _HID), lambda i: (0, 0)),
    ],
    out_specs=pl.BlockSpec((_BN, _HID), lambda i: (i, 0)),
    out_shape=jax.ShapeDtypeStruct((_N, _HID), _F32),
)


def _dec_body(p_ref, y2_ref, dis_ref, b2_ref, eps_ref, w3_ref, b3_ref,
              w4_ref, b4_ref, rec_ref, mean_ref, logvar_ref):
    dis = dis_ref[...]
    h2 = dis * (p_ref[0] + p_ref[1] + y2_ref[...]) + b2_ref[...]
    mean = h2[:, :_LAT]
    logvar = h2[:, _LAT:]
    std = jnp.exp(0.5 * logvar)
    z = mean + eps_ref[...] * std
    h3 = jnp.maximum(
        jnp.dot(z, w3_ref[...], preferred_element_type=_F32) + b3_ref[...], 0.0
    )
    for c in range(3):
        rc = jnp.dot(h3, w4_ref[c], preferred_element_type=_F32) + b4_ref[c]
        rec_ref[c] = rc.reshape(_BND // 10, _PTS)
    mean_ref[...] = mean
    logvar_ref[...] = logvar


_BND = 2000

_dec_kernel = pl.pallas_call(
    _dec_body,
    grid=(_N // _BND,),
    in_specs=[
        pl.BlockSpec((_NC, _BND, _HID), lambda i: (0, i, 0)),
        pl.BlockSpec((_BND, _HID), lambda i: (i, 0)),
        pl.BlockSpec((_BND, 1), lambda i: (i, 0)),
        pl.BlockSpec((1, _HID), lambda i: (0, 0)),
        pl.BlockSpec((_BND, _LAT), lambda i: (i, 0)),
        pl.BlockSpec((_LAT, _HID), lambda i: (0, 0)),
        pl.BlockSpec((1, _HID), lambda i: (0, 0)),
        pl.BlockSpec((3, _HID, _DIN // 3), lambda i: (0, 0, 0)),
        pl.BlockSpec((3, 1, _DIN // 3), lambda i: (0, 0, 0)),
    ],
    out_specs=[
        pl.BlockSpec((3, _BND // 10, _PTS), lambda i: (0, i, 0)),
        pl.BlockSpec((_BND, _LAT), lambda i: (i, 0)),
        pl.BlockSpec((_BND, _LAT), lambda i: (i, 0)),
    ],
    out_shape=[
        jax.ShapeDtypeStruct((3, _N // 10, _PTS), _F32),
        jax.ShapeDtypeStruct((_N, _LAT), _F32),
        jax.ShapeDtypeStruct((_N, _LAT), _F32),
    ],
)



def kernel(x, edge_index, conv1_W, conv1_b, conv2_W, conv2_b,
           fc1_W, fc1_b, fc2_W, fc2_b):
    deg_parts, rowf, colf = _deg_kernel(edge_index.reshape(2 * _E))
    rowp = rowf.reshape(_NW * _CPT, _CHUNK)
    colp = colf.reshape(_NW * _CPT, _CHUNK)

    dis = _dis_kernel(deg_parts)
    y1 = _enc1_kernel(dis, x, conv1_W)
    p1 = _agg_kernel(y1, rowp, colp)
    y2 = _enc2_kernel(p1, y1, dis, conv1_b.reshape(1, _HID), conv2_W)
    p2 = _agg_kernel(y2, rowp, colp)
    w4s = jnp.stack([fc2_W[:, c::3] for c in range(3)])
    b4s = jnp.stack([fc2_b[c::3].reshape(1, -1) for c in range(3)])
    rec2, mean, logvar = _dec_kernel(
        p2, y2, dis, conv2_b.reshape(1, _HID), _eps(),
        fc1_W, fc1_b.reshape(1, _HID), w4s, b4s)
    recon = jnp.transpose(rec2, (1, 2, 0))
    return recon, mean, logvar

# --- scband reference (transcript-rebuilt; emitter-appended) ---
"""Pipeline reference for scband-graph-vae-53420803228324 (READ-ONLY COPY).

The authoritative reference and input builder live on the scoring server;
editing this copy changes nothing except your own understanding.
"""

import jax, jax.numpy as jnp
import numpy as np

N = 10000
E = 160000
D_IN = 384
HID = 128
LATENT = 64
CFG_POINTS = 1280  # CFG.POINTS; N*D_IN = 3_840_000 = 1000*1280*3


def _kaiming(key, fan_in, shape):
    return jax.random.normal(key, shape, jnp.float32) * jnp.sqrt(2.0 / fan_in)


def setup_inputs(seed: int = 0) -> dict:
    key = jax.random.key(seed)
    ks = jax.random.split(key, 8)
    x = jax.random.normal(ks[0], (N, D_IN), jnp.float32)
    edge_index = jax.random.randint(ks[1], (2, E), 0, N, dtype=jnp.int32)
    # GCNConv weights stored as [in, out] (applied as x @ W); PyG lin has no bias,
    # conv bias added after aggregation.
    conv1_W = _kaiming(ks[2], D_IN, (D_IN, HID))
    conv1_b = jnp.zeros((HID,), jnp.float32)
    conv2_W = _kaiming(ks[3], HID, (HID, 2 * LATENT))
    conv2_b = jnp.zeros((2 * LATENT,), jnp.float32)
    fc1_W = _kaiming(ks[4], LATENT, (LATENT, HID))
    fc1_b = jnp.zeros((HID,), jnp.float32)
    fc2_W = _kaiming(ks[5], HID, (HID, D_IN))
    fc2_b = jnp.zeros((D_IN,), jnp.float32)
    return {
        "x": x, "edge_index": edge_index,
        "conv1_W": conv1_W, "conv1_b": conv1_b,
        "conv2_W": conv2_W, "conv2_b": conv2_b,
        "fc1_W": fc1_W, "fc1_b": fc1_b,
        "fc2_W": fc2_W, "fc2_b": fc2_b,
    }


def gcn_conv(x, edge_index, W, b):
    # PyG GCNConv: add self-loops, symmetric normalization, linear, scatter-add, bias
    n = x.shape[0]
    sl = jnp.arange(n, dtype=edge_index.dtype)
    row = jnp.concatenate([edge_index[0], sl])  # source
    col = jnp.concatenate([edge_index[1], sl])  # target (aggregation index)
    deg = jnp.zeros((n,), x.dtype).at[col].add(1.0)
    deg_inv_sqrt = jnp.where(deg > 0, 1.0 / jnp.sqrt(jnp.where(deg > 0, deg, 1.0)), 0.0)
    norm = deg_inv_sqrt[row] * deg_inv_sqrt[col]
    xw = x @ W
    msgs = norm[:, None] * jnp.take(xw, row, axis=0)
    out = jnp.zeros((n, W.shape[1]), x.dtype).at[col].add(msgs)
    return out + b


def reference(x, edge_index, conv1_W, conv1_b, conv2_W, conv2_b, fc1_W, fc1_b, fc2_W, fc2_b):
    # Encoder
    h = jax.nn.relu(gcn_conv(x, edge_index, conv1_W, conv1_b))
    h = gcn_conv(h, edge_index, conv2_W, conv2_b)
    mean, logvar = jnp.split(h, 2, axis=-1)
    # Reparameterize (eps fixed by key; torch.randn_like analog)
    std = jnp.exp(0.5 * logvar)
    eps = jax.random.normal(jax.random.key(42), std.shape, std.dtype)
    z = mean + eps * std
    # Decoder
    h2 = jax.nn.relu(z @ fc1_W + fc1_b)
    recon = h2 @ fc2_W + fc2_b
    recon = recon.reshape(-1, CFG_POINTS, 3)
    return recon, mean, logvar


if False:  # reference __main__ guard neutralized (emitter)
    inp = setup_inputs()
    out = reference(**inp)
    print(out[0].shape, out[1].shape, out[2].shape)

if __name__ == "__main__":
    import jax
    _d = setup_inputs()
    print(jax.jit(kernel)(*tuple(_d.values())))

</pallas_src>

<mosaic_0001>
#map = affine_map<(d0, d1) -> (0, 0)>
#map1 = affine_map<(d0, d1) -> (0, 0, 0)>
module attributes {stable_mosaic.version = 14 : i64} {
  func.func @_agg_body(%arg0: i32, %arg1: i32, %arg2: memref<10000x128xf32, #tpu.memory_space<hbm>>, %arg3: memref<1280x128xi32, #tpu.memory_space<hbm>>, %arg4: memref<1280x128xi32, #tpu.memory_space<hbm>>, %arg5: memref<2x10240x128xf32, #tpu.memory_space<hbm>>, %arg6: memref<40x128xi32, #tpu.memory_space<vmem>>, %arg7: memref<40x128xi32, #tpu.memory_space<vmem>>, %arg8: memref<2x128x128xf32, #tpu.memory_space<vmem>>, %arg9: memref<10240x128xf32, #tpu.memory_space<vmem_shared>>, %arg10: memref<!tpu.dma_semaphore, #tpu.memory_space<semaphore_mem>>, %arg11: memref<!tpu.dma_semaphore, #tpu.memory_space<semaphore_mem>>, %arg12: memref<!tpu.dma_semaphore, #tpu.memory_space<semaphore_mem>>, %arg13: memref<!tpu.dma_semaphore, #tpu.memory_space<semaphore_mem>>) attributes {dimension_semantics = [#tpu.dimension_semantics<core_parallel>, #tpu.dimension_semantics<subcore_parallel>], iteration_bounds = array<i64: 2, 16>, scalar_prefetch = 0 : i64, scratch_operands = 8 : i64, tpu.core_type = #tpu.core_type<sc_vector_subcore>, window_params = [{transform_indices = #map}, {transform_indices = #map}, {transform_indices = #map}, {transform_indices = #map1}]} {
    %mul3A = arith.constant 2 : i32
    %mul3A_0 = arith.muli %arg1, %mul3A : i32
    %add3A = arith.addi %mul3A_0, %arg0 : i32
    %mul3A_1 = arith.constant 40 : i32
    %mul3A_2 = arith.muli %add3A, %mul3A_1 : i32
    "tpu.region"() ({
      %run_scoped3A = tpu.sem_alloc : memref<!tpu.dma_semaphore, #tpu.memory_space<semaphore_mem>>
      %dma_start3A_95 = arith.constant 0 : i32
      %dma_start3A_96 = tpu.memref_slice %arg3[%mul3A_2, %dma_start3A_95] : memref<1280x128xi32, #tpu.memory_space<hbm>> -> memref<40x128xi32, #tpu.memory_space<hbm>>
      %dma_start3A_97 = arith.constant 0 : i32
      %dma_start3A_98 = tpu.memref_slice %arg3[%mul3A_2, %dma_start3A_97] : memref<1280x128xi32, #tpu.memory_space<hbm>> -> memref<40x128xi32, #tpu.memory_space<hbm>>
      tpu.enqueue_dma source(%dma_start3A_98 : memref<40x128xi32, #tpu.memory_space<hbm>>) target(%arg6 : memref<40x128xi32, #tpu.memory_space<vmem>>) target_semaphore(%run_scoped3A : memref<!tpu.dma_semaphore, #tpu.memory_space<semaphore_mem>>)
      %dma_wait3A = arith.constant 0 : i32
      %dma_wait3A_99 = tpu.memref_slice %arg3[%mul3A_2, %dma_wait3A] : memref<1280x128xi32, #tpu.memory_space<hbm>> -> memref<40x128xi32, #tpu.memory_space<hbm>>
      %dma_wait3A_100 = arith.constant 0 : i32
      %dma_wait3A_101 = tpu.memref_slice %arg3[%mul3A_2, %dma_wait3A_100] : memref<1280x128xi32, #tpu.memory_space<hbm>> -> memref<40x128xi32, #tpu.memory_space<hbm>>
      tpu.wait_dma2 semaphore(%run_scoped3A : memref<!tpu.dma_semaphore, #tpu.memory_space<semaphore_mem>>) src(%dma_wait3A_101 : memref<40x128xi32, #tpu.memory_space<hbm>>) dst(%arg6 : memref<40x128xi32, #tpu.memory_space<vmem>>)
      tpu.yield
    }) : () -> ()
    %mul3A_3 = arith.constant 40 : i32
    %mul3A_4 = arith.muli %add3A, %mul3A_3 : i32
    "tpu.region"() ({
      %run_scoped3A = tpu.sem_alloc : memref<!tpu.dma_semaphore, #tpu.memory_space<semaphore_mem>>
      %dma_start3A_95 = arith.constant 0 : i32
      %dma_start3A_96 = tpu.memref_slice %arg4[%mul3A_4, %dma_start3A_95] : memref<1280x128xi32, #tpu.memory_space<hbm>> -> memref<40x128xi32, #tpu.memory_space<hbm>>
      %dma_start3A_97 = arith.constant 0 : i32
      %dma_start3A_98 = tpu.memref_slice %arg4[%mul3A_4, %dma_start3A_97] : memref<1280x128xi32, #tpu.memory_space<hbm>> -> memref<40x128xi32, #tpu.memory_space<hbm>>
      tpu.enqueue_dma source(%dma_start3A_98 : memref<40x128xi32, #tpu.memory_space<hbm>>) target(%arg7 : memref<40x128xi32, #tpu.memory_space<vmem>>) target_semaphore(%run_scoped3A : memref<!tpu.dma_semaphore, #tpu.memory_space<semaphore_mem>>)
      %dma_wait3A = arith.constant 0 : i32
      %dma_wait3A_99 = tpu.memref_slice %arg4[%mul3A_4, %dma_wait3A] : memref<1280x128xi32, #tpu.memory_space<hbm>> -> memref<40x128xi32, #tpu.memory_space<hbm>>
      %dma_wait3A_100 = arith.constant 0 : i32
      %dma_wait3A_101 = tpu.memref_slice %arg4[%mul3A_4, %dma_wait3A_100] : memref<1280x128xi32, #tpu.memory_space<hbm>> -> memref<40x128xi32, #tpu.memory_space<hbm>>
      tpu.wait_dma2 semaphore(%run_scoped3A : memref<!tpu.dma_semaphore, #tpu.memory_space<semaphore_mem>>) src(%dma_wait3A_101 : memref<40x128xi32, #tpu.memory_space<hbm>>) dst(%arg7 : memref<40x128xi32, #tpu.memory_space<vmem>>)
      tpu.yield
    }) : () -> ()
    %broadcast_in_dim3A = arith.constant 0.000000e+00 : f32
    %broadcast_in_dim3A_5 = vector.broadcast %broadcast_in_dim3A : f32 to vector<16xf32>
    %scan3A = arith.constant 0 : i32
    %scan3A_6 = arith.constant 0 : i32
    %scan3A_7 = arith.constant 128 : i32
    %scan3A_8 = arith.addi %scan3A_6, %scan3A_7 : i32
    %scan3A_9 = arith.constant 1 : i32
    scf.for %scan3A_95 = %scan3A_6 to %scan3A_8 step %scan3A_9  : i32 {
      %swap3A = arith.constant 0 : i32
      %swap3A_96 = arith.index_cast %swap3A : i32 to index
      %swap3A_97 = arith.index_cast %scan3A_95 : i32 to index
      %swap3A_98 = arith.constant 0 : index
      %swap3A_99 = tpu.vector_load %arg8[%swap3A_96, %swap3A_97, %swap3A_98] {strides = array<i32>} : memref<2x128x128xf32, #tpu.memory_space<vmem>>, vector<1x1x16xf32>,
      %swap3A_100 = vector.shape_cast %swap3A_99 : vector<1x1x16xf32> to vector<16xf32>
      %swap3A_101 = vector.shape_cast %broadcast_in_dim3A_5 : vector<16xf32> to vector<1x1x16xf32>
      tpu.vector_store %arg8[%swap3A_96, %swap3A_97, %swap3A_98], %swap3A_101 {strides = array<i32>} : memref<2x128x128xf32, #tpu.memory_space<vmem>>, vector<1x1x16xf32>,
      %swap3A_102 = arith.constant 0 : i32
      %swap3A_103 = arith.index_cast %swap3A_102 : i32 to index
      %swap3A_104 = arith.index_cast %scan3A_95 : i32 to index
      %swap3A_105 = arith.constant 16 : index
      %swap3A_106 = tpu.vector_load %arg8[%swap3A_103, %swap3A_104, %swap3A_105] {strides = array<i32>} : memref<2x128x128xf32, #tpu.memory_space<vmem>>, vector<1x1x16xf32>,
      %swap3A_107 = vector.shape_cast %swap3A_106 : vector<1x1x16xf32> to vector<16xf32>
      %swap3A_108 = vector.shape_cast %broadcast_in_dim3A_5 : vector<16xf32> to vector<1x1x16xf32>
      tpu.vector_store %arg8[%swap3A_103, %swap3A_104, %swap3A_105], %swap3A_108 {strides = array<i32>} : memref<2x128x128xf32, #tpu.memory_space<vmem>>, vector<1x1x16xf32>,
      %swap3A_109 = arith.constant 0 : i32
      %swap3A_110 = arith.index_cast %swap3A_109 : i32 to index
      %swap3A_111 = arith.index_cast %scan3A_95 : i32 to index
      %swap3A_112 = arith.constant 32 : index
      %swap3A_113 = tpu.vector_load %arg8[%swap3A_110, %swap3A_111, %swap3A_112] {strides = array<i32>} : memref<2x128x128xf32, #tpu.memory_space<vmem>>, vector<1x1x16xf32>,
      %swap3A_114 = vector.shape_cast %swap3A_113 : vector<1x1x16xf32> to vector<16xf32>
      %swap3A_115 = vector.shape_cast %broadcast_in_dim3A_5 : vector<16xf32> to vector<1x1x16xf32>
      tpu.vector_store %arg8[%swap3A_110, %swap3A_111, %swap3A_112], %swap3A_115 {strides = array<i32>} : memref<2x128x128xf32, #tpu.memory_space<vmem>>, vector<1x1x16xf32>,
      %swap3A_116 = arith.constant 0 : i32
      %swap3A_117 = arith.index_cast %swap3A_116 : i32 to index
      %swap3A_118 = arith.index_cast %scan3A_95 : i32 to index
      %swap3A_119 = arith.constant 48 : index
      %swap3A_120 = tpu.vector_load %arg8[%swap3A_117, %swap3A_118, %swap3A_119] {strides = array<i32>} : memref<2x128x128xf32, #tpu.memory_space<vmem>>, vector<1x1x16xf32>,
      %swap3A_121 = vector.shape_cast %swap3A_120 : vector<1x1x16xf32> to vector<16xf32>
      %swap3A_122 = vector.shape_cast %broadcast_in_dim3A_5 : vector<16xf32> to vector<1x1x16xf32>
      tpu.vector_store %arg8[%swap3A_117, %swap3A_118, %swap3A_119], %swap3A_122 {strides = array<i32>} : memref<2x128x128xf32, #tpu.memory_space<vmem>>, vector<1x1x16xf32>,
      %swap3A_123 = arith.constant 0 : i32
      %swap3A_124 = arith.index_cast %swap3A_123 : i32 to index
      %swap3A_125 = arith.index_cast %scan3A_95 : i32 to index
      %swap3A_126 = arith.constant 64 : index
      %swap3A_127 = tpu.vector_load %arg8[%swap3A_124, %swap3A_125, %swap3A_126] {strides = array<i32>} : memref<2x128x128xf32, #tpu.memory_space<vmem>>, vector<1x1x16xf32>,
      %swap3A_128 = vector.shape_cast %swap3A_127 : vector<1x1x16xf32> to vector<16xf32>
      %swap3A_129 = vector.shape_cast %broadcast_in_dim3A_5 : vector<16xf32> to vector<1x1x16xf32>
      tpu.vector_store %arg8[%swap3A_124, %swap3A_125, %swap3A_126], %swap3A_129 {strides = array<i32>} : memref<2x128x128xf32, #tpu.memory_space<vmem>>, vector<1x1x16xf32>,
      %swap3A_130 = arith.constant 0 : i32
      %swap3A_131 = arith.index_cast %swap3A_130 : i32 to index
      %swap3A_132 = arith.index_cast %scan3A_95 : i32 to index
      %swap3A_133 = arith.constant 80 : index
      %swap3A_134 = tpu.vector_load %arg8[%swap3A_131, %swap3A_132, %swap3A_133] {strides = array<i32>} : memref<2x128x128xf32, #tpu.memory_space<vmem>>, vector<1x1x16xf32>,
      %swap3A_135 = vector.shape_cast %swap3A_134 : vector<1x1x16xf32> to vector<16xf32>
      %swap3A_136 = vector.shape_cast %broadcast_in_dim3A_5 : vector<16xf32> to vector<1x1x16xf32>
      tpu.vector_store %arg8[%swap3A_131, %swap3A_132, %swap3A_133], %swap3A_136 {strides = array<i32>} : memref<2x128x128xf32, #tpu.memory_space<vmem>>, vector<1x1x16xf32>,
      %swap3A_137 = arith.constant 0 : i32
      %swap3A_138 = arith.index_cast %swap3A_137 : i32 to index
      %swap3A_139 = arith.index_cast %scan3A_95 : i32 to index
      %swap3A_140 = arith.constant 96 : index
      %swap3A_141 = tpu.vector_load %arg8[%swap3A_138, %swap3A_139, %swap3A_140] {strides = array<i32>} : memref<2x128x128xf32, #tpu.memory_space<vmem>>, vector<1x1x16xf32>,
      %swap3A_142 = vector.shape_cast %swap3A_141 : vector<1x1x16xf32> to vector<16xf32>
      %swap3A_143 = vector.shape_cast %broadcast_in_dim3A_5 : vector<16xf32> to vector<1x1x16xf32>
      tpu.vector_store %arg8[%swap3A_138, %swap3A_139, %swap3A_140], %swap3A_143 {strides = array<i32>} : memref<2x128x128xf32, #tpu.memory_space<vmem>>, vector<1x1x16xf32>,
      %swap3A_144 = arith.constant 0 : i32
      %swap3A_145 = arith.index_cast %swap3A_144 : i32 to index
      %swap3A_146 = arith.index_cast %scan3A_95 : i32 to index
      %swap3A_147 = arith.constant 112 : index
      %swap3A_148 = tpu.vector_load %arg8[%swap3A_145, %swap3A_146, %swap3A_147] {strides = array<i32>} : memref<2x128x128xf32, #tpu.memory_space<vmem>>, vector<1x1x16xf32>,
      %swap3A_149 = vector.shape_cast %swap3A_148 : vector<1x1x16xf32> to vector<16xf32>
      %swap3A_150 = vector.shape_cast %broadcast_in_dim3A_5 : vector<16xf32> to vector<1x1x16xf32>
      tpu.vector_store %arg8[%swap3A_145, %swap3A_146, %swap3A_147], %swap3A_150 {strides = array<i32>} : memref<2x128x128xf32, #tpu.memory_space<vmem>>, vector<1x1x16xf32>,
    }
    %scan3A_10 = arith.constant 128 : i32
    %scan3A_11 = arith.constant 0 : i32
    %scan3A_12 = arith.constant 0 : i32
    %scan3A_13 = arith.constant 5 : i32
    %scan3A_14 = arith.addi %scan3A_12, %scan3A_13 : i32
    %scan3A_15 = arith.constant 1 : i32
    scf.for %scan3A_95 = %scan3A_12 to %scan3A_14 step %scan3A_15  : i32 {
      %mul3A_96 = arith.constant 640 : i32
      %mul3A_97 = arith.muli %arg1, %mul3A_96 : i32
      %mul3A_98 = arith.constant 128 : i32
      %mul3A_99 = arith.muli %scan3A_95, %mul3A_98 : i32
      %add3A_100 = arith.addi %mul3A_97, %mul3A_99 : i32
      %run_scoped3A = arith.constant 0 : i32
      "tpu.region"() ({
        %run_scoped3A_101 = tpu.sem_alloc : memref<!tpu.dma_semaphore, #tpu.memory_space<semaphore_mem>>
        %dma_start3A_102 = arith.constant 0 : i32
        %dma_start3A_103 = arith.constant 0 : i32
        %dma_start3A_104 = tpu.memref_slice %arg8[%run_scoped3A, %dma_start3A_102, %dma_start3A_103] : memref<2x128x128xf32, #tpu.memory_space<vmem>> -> memref<1x128x128xf32, #tpu.memory_space<vmem>>
        %dma_start3A_105 = tpu.memref_squeeze %dma_start3A_104 : memref<1x128x128xf32, #tpu.memory_space<vmem>> -> memref<128x128xf32, #tpu.memory_space<vmem>>
        %dma_start3A_106 = arith.constant 0 : i32
        %dma_start3A_107 = tpu.memref_slice %arg9[%add3A_100, %dma_start3A_106] : memref<10240x128xf32, #tpu.memory_space<vmem_shared>> -> memref<128x128xf32, #tpu.memory_space<vmem_shared>>
        %dma_start3A_108 = arith.constant 0 : i32
        %dma_start3A_109 = tpu.memref_slice %arg9[%add3A_100, %dma_start3A_108] : memref<10240x128xf32, #tpu.memory_space<vmem_shared>> -> memref<128x128xf32, #tpu.memory_space<vmem_shared>>
        %dma_start3A_110 = arith.constant 0 : i32
        %dma_start3A_111 = arith.constant 0 : i32
        %dma_start3A_112 = tpu.memref_slice %arg8[%run_scoped3A, %dma_start3A_110, %dma_start3A_111] : memref<2x128x128xf32, #tpu.memory_space<vmem>> -> memref<1x128x128xf32, #tpu.memory_space<vmem>>
        %dma_start3A_113 = tpu.memref_squeeze %dma_start3A_112 : memref<1x128x128xf32, #tpu.memory_space<vmem>> -> memref<128x128xf32, #tpu.memory_space<vmem>>
        tpu.enqueue_dma source(%dma_start3A_113 : memref<128x128xf32, #tpu.memory_space<vmem>>) target(%dma_start3A_109 : memref<128x128xf32, #tpu.memory_space<vmem_shared>>) target_semaphore(%run_scoped3A_101 : memref<!tpu.dma_semaphore, #tpu.memory_space<semaphore_mem>>)
        %dma_wait3A = arith.constant 0 : i32
        %dma_wait3A_114 = arith.constant 0 : i32
        %dma_wait3A_115 = tpu.memref_slice %arg8[%run_scoped3A, %dma_wait3A, %dma_wait3A_114] : memref<2x128x128xf32, #tpu.memory_space<vmem>> -> memref<1x128x128xf32, #tpu.memory_space<vmem>>
        %dma_wait3A_116 = tpu.memref_squeeze %dma_wait3A_115 : memref<1x128x128xf32, #tpu.memory_space<vmem>> -> memref<128x128xf32, #tpu.memory_space<vmem>>
        %dma_wait3A_117 = arith.constant 0 : i32
        %dma_wait3A_118 = tpu.memref_slice %arg9[%add3A_100, %dma_wait3A_117] : memref<10240x128xf32, #tpu.memory_space<vmem_shared>> -> memref<128x128xf32, #tpu.memory_space<vmem_shared>>
        %dma_wait3A_119 = arith.constant 0 : i32
        %dma_wait3A_120 = tpu.memref_slice %arg9[%add3A_100, %dma_wait3A_119] : memref<10240x128xf32, #tpu.memory_space<vmem_shared>> -> memref<128x128xf32, #tpu.memory_space<vmem_shared>>
        %dma_wait3A_121 = arith.constant 0 : i32
        %dma_wait3A_122 = arith.constant 0 : i32
        %dma_wait3A_123 = tpu.memref_slice %arg8[%run_scoped3A, %dma_wait3A_121, %dma_wait3A_122] : memref<2x128x128xf32, #tpu.memory_space<vmem>> -> memref<1x128x128xf32, #tpu.memory_space<vmem>>
        %dma_wait3A_124 = tpu.memref_squeeze %dma_wait3A_123 : memref<1x128x128xf32, #tpu.memory_space<vmem>> -> memref<128x128xf32, #tpu.memory_space<vmem>>
        tpu.wait_dma2 semaphore(%run_scoped3A_101 : memref<!tpu.dma_semaphore, #tpu.memory_space<semaphore_mem>>) src(%dma_wait3A_124 : memref<128x128xf32, #tpu.memory_space<vmem>>) dst(%dma_wait3A_120 : memref<128x128xf32, #tpu.memory_space<vmem_shared>>)
        tpu.yield
      }) : () -> ()
    }
    %scan3A_16 = arith.constant 5 : i32
    %barrier3A = arith.constant 0 : index
    tpu.barrier barrier_id(%barrier3A)
    %dma_start3A = arith.constant 0 : i32
    %dma_start3A_17 = arith.constant 0 : i32
    %dma_start3A_18 = arith.constant 0 : i32
    %dma_start3A_19 = arith.constant 0 : i32
    %dma_start3A_20 = tpu.memref_slice %arg8[%dma_start3A_17, %dma_start3A_18, %dma_start3A_19] : memref<2x128x128xf32, #tpu.memory_space<vmem>> -> memref<1x128x128xf32, #tpu.memory_space<vmem>>
    %dma_start3A_21 = tpu.memref_squeeze %dma_start3A_20 : memref<1x128x128xf32, #tpu.memory_space<vmem>> -> memref<128x128xf32, #tpu.memory_space<vmem>>
    %dma_start3A_22 = arith.constant 0 : i32
    %dma_start3A_23 = arith.constant 0 : i32
    %dma_start3A_24 = tpu.memref_slice %dma_start3A_21[%dma_start3A_22, %dma_start3A_23] : memref<128x128xf32, #tpu.memory_space<vmem>> -> memref<64x128xf32, #tpu.memory_space<vmem>>
    %dma_start3A_25 = arith.constant 0 : i32
    %dma_start3A_26 = tpu.memref_slice %arg6[%dma_start3A, %dma_start3A_25] : memref<40x128xi32, #tpu.memory_space<vmem>> -> memref<1x128xi32, #tpu.memory_space<vmem>>
    %dma_start3A_27 = tpu.memref_squeeze %dma_start3A_26 : memref<1x128xi32, #tpu.memory_space<vmem>> -> memref<128xi32, #tpu.memory_space<vmem>>
    %dma_start3A_28 = arith.constant 0 : i32
    %dma_start3A_29 = tpu.memref_slice %dma_start3A_27[%dma_start3A_28] : memref<128xi32, #tpu.memory_space<vmem>> -> memref<64xi32, #tpu.memory_space<vmem>>
    %dma_start3A_30 = arith.constant 0 : i32
    %dma_start3A_31 = arith.constant 0 : i32
    %dma_start3A_32 = tpu.memref_slice %arg2[%dma_start3A_30, %dma_start3A_31] : memref<10000x128xf32, #tpu.memory_space<hbm>> -> memref<10000x128xf32, #tpu.memory_space<hbm>>
    tpu.enqueue_indirect_dma source(%dma_start3A_32 : memref<10000x128xf32, #tpu.memory_space<hbm>>) target(%dma_start3A_24 : memref<64x128xf32, #tpu.memory_space<vmem>>) offsets(%dma_start3A_29 : memref<64xi32, #tpu.memory_space<vmem>>) semaphore(%arg10 : memref<!tpu.dma_semaphore, #tpu.memory_space<semaphore_mem>>)
    %dma_start3A_33 = arith.constant 0 : i32
    %dma_start3A_34 = arith.constant 0 : i32
    %dma_start3A_35 = arith.constant 0 : i32
    %dma_start3A_36 = arith.constant 0 : i32
    %dma_start3A_37 = tpu.memref_slice %arg8[%dma_start3A_34, %dma_start3A_35, %dma_start3A_36] : memref<2x128x128xf32, #tpu.memory_space<vmem>> -> memref<1x128x128xf32, #tpu.memory_space<vmem>>
    %dma_start3A_38 = tpu.memref_squeeze %dma_start3A_37 : memref<1x128x128xf32, #tpu.memory_space<vmem>> -> memref<128x128xf32, #tpu.memory_space<vmem>>
    %dma_start3A_39 = arith.constant 64 : i32
    %dma_start3A_40 = arith.constant 0 : i32
    %dma_start3A_41 = tpu.memref_slice %dma_start3A_38[%dma_start3A_39, %dma_start3A_40] : memref<128x128xf32, #tpu.memory_space<vmem>> -> memref<64x128xf32, #tpu.memory_space<vmem>>
    %dma_start3A_42 = arith.constant 0 : i32
    %dma_start3A_43 = tpu.memref_slice %arg6[%dma_start3A_33, %dma_start3A_42] : memref<40x128xi32, #tpu.memory_space<vmem>> -> memref<1x128xi32, #tpu.memory_space<vmem>>
    %dma_start3A_44 = tpu.memref_squeeze %dma_start3A_43 : memref<1x128xi32, #tpu.memory_space<vmem>> -> memref<128xi32, #tpu.memory_space<vmem>>
    %dma_start3A_45 = arith.constant 64 : i32
    %dma_start3A_46 = tpu.memref_slice %dma_start3A_44[%dma_start3A_45] : memref<128xi32, #tpu.memory_space<vmem>> -> memref<64xi32, #tpu.memory_space<vmem>>
    %dma_start3A_47 = arith.constant 0 : i32
    %dma_start3A_48 = arith.constant 0 : i32
    %dma_start3A_49 = tpu.memref_slice %arg2[%dma_start3A_47, %dma_start3A_48] : memref<10000x128xf32, #tpu.memory_space<hbm>> -> memref<10000x128xf32, #tpu.memory_space<hbm>>
    tpu.enqueue_indirect_dma source(%dma_start3A_49 : memref<10000x128xf32, #tpu.memory_space<hbm>>) target(%dma_start3A_41 : memref<64x128xf32, #tpu.memory_space<vmem>>) offsets(%dma_start3A_46 : memref<64xi32, #tpu.memory_space<vmem>>) semaphore(%arg11 : memref<!tpu.dma_semaphore, #tpu.memory_space<semaphore_mem>>)
    %dma_start3A_50 = arith.constant 1 : i32
    %dma_start3A_51 = arith.constant 1 : i32
    %dma_start3A_52 = arith.constant 0 : i32
    %dma_start3A_53 = arith.constant 0 : i32
    %dma_start3A_54 = tpu.memref_slice %arg8[%dma_start3A_51, %dma_start3A_52, %dma_start3A_53] : memref<2x128x128xf32, #tpu.memory_space<vmem>> -> memref<1x128x128xf32, #tpu.memory_space<vmem>>
    %dma_start3A_55 = tpu.memref_squeeze %dma_start3A_54 : memref<1x128x128xf32, #tpu.memory_space<vmem>> -> memref<128x128xf32, #tpu.memory_space<vmem>>
    %dma_start3A_56 = arith.constant 0 : i32
    %dma_start3A_57 = arith.constant 0 : i32
    %dma_start3A_58 = tpu.memref_slice %dma_start3A_55[%dma_start3A_56, %dma_start3A_57] : memref<128x128xf32, #tpu.memory_space<vmem>> -> memref<64x128xf32, #tpu.memory_space<vmem>>
    %dma_start3A_59 = arith.constant 0 : i32
    %dma_start3A_60 = tpu.memref_slice %arg6[%dma_start3A_50, %dma_start3A_59] : memref<40x128xi32, #tpu.memory_space<vmem>> -> memref<1x128xi32, #tpu.memory_space<vmem>>
    %dma_start3A_61 = tpu.memref_squeeze %dma_start3A_60 : memref<1x128xi32, #tpu.memory_space<vmem>> -> memref<128xi32, #tpu.memory_space<vmem>>
    %dma_start3A_62 = arith.constant 0 : i32
    %dma_start3A_63 = tpu.memref_slice %dma_start3A_61[%dma_start3A_62] : memref<128xi32, #tpu.memory_space<vmem>> -> memref<64xi32, #tpu.memory_space<vmem>>
    %dma_start3A_64 = arith.constant 0 : i32
    %dma_start3A_65 = arith.constant 0 : i32
    %dma_start3A_66 = tpu.memref_slice %arg2[%dma_start3A_64, %dma_start3A_65] : memref<10000x128xf32, #tpu.memory_space<hbm>> -> memref<10000x128xf32, #tpu.memory_space<hbm>>
    tpu.enqueue_indirect_dma source(%dma_start3A_66 : memref<10000x128xf32, #tpu.memory_space<hbm>>) target(%dma_start3A_58 : memref<64x128xf32, #tpu.memory_space<vmem>>) offsets(%dma_start3A_63 : memref<64xi32, #tpu.memory_space<vmem>>) semaphore(%arg12 : memref<!tpu.dma_semaphore, #tpu.memory_space<semaphore_mem>>)
    %dma_start3A_67 = arith.constant 1 : i32
    %dma_start3A_68 = arith.constant 1 : i32
    %dma_start3A_69 = arith.constant 0 : i32
    %dma_start3A_70 = arith.constant 0 : i32
    %dma_start3A_71 = tpu.memref_slice %arg8[%dma_start3A_68, %dma_start3A_69, %dma_start3A_70] : memref<2x128x128xf32, #tpu.memory_space<vmem>> -> memref<1x128x128xf32, #tpu.memory_space<vmem>>
    %dma_start3A_72 = tpu.memref_squeeze %dma_start3A_71 : memref<1x128x128xf32, #tpu.memory_space<vmem>> -> memref<128x128xf32, #tpu.memory_space<vmem>>
    %dma_start3A_73 = arith.constant 64 : i32
    %dma_start3A_74 = arith.constant 0 : i32
    %dma_start3A_75 = tpu.memref_slice %dma_start3A_72[%dma_start3A_73, %dma_start3A_74] : memref<128x128xf32, #tpu.memory_space<vmem>> -> memref<64x128xf32, #tpu.memory_space<vmem>>
    %dma_start3A_76 = arith.constant 0 : i32
    %dma_start3A_77 = tpu.memref_slice %arg6[%dma_start3A_67, %dma_start3A_76] : memref<40x128xi32, #tpu.memory_space<vmem>> -> memref<1x128xi32, #tpu.memory_space<vmem>>
    %dma_start3A_78 = tpu.memref_squeeze %dma_start3A_77 : memref<1x128xi32, #tpu.memory_space<vmem>> -> memref<128xi32, #tpu.memory_space<vmem>>
    %dma_start3A_79 = arith.constant 64 : i32
    %dma_start3A_80 = tpu.memref_slice %dma_start3A_78[%dma_start3A_79] : memref<128xi32, #tpu.memory_space<vmem>> -> memref<64xi32, #tpu.memory_space<vmem>>
    %dma_start3A_81 = arith.constant 0 : i32
    %dma_start3A_82 = arith.constant 0 : i32
    %dma_start3A_83 = tpu.memref_slice %arg2[%dma_start3A_81, %dma_start3A_82] : memref<10000x128xf32, #tpu.memory_space<hbm>> -> memref<10000x128xf32, #tpu.memory_space<hbm>>
    tpu.enqueue_indirect_dma source(%dma_start3A_83 : memref<10000x128xf32, #tpu.memory_space<hbm>>) target(%dma_start3A_75 : memref<64x128xf32, #tpu.memory_space<vmem>>) offsets(%dma_start3A_80 : memref<64xi32, #tpu.memory_space<vmem>>) semaphore(%arg13 : memref<!tpu.dma_semaphore, #tpu.memory_space<semaphore_mem>>)
    %scan3A_84 = arith.constant 0 : i32
    %scan3A_85 = arith.constant 0 : i32
    %scan3A_86 = arith.constant 20 : i32
    %scan3A_87 = arith.addi %scan3A_85, %scan3A_86 : i32
    %scan3A_88 = arith.constant 1 : i32
    scf.for %scan3A_95 = %scan3A_85 to %scan3A_87 step %scan3A_88  : i32 {
      %mul3A_96 = arith.constant 2 : i32
      %mul3A_97 = arith.muli %scan3A_95, %mul3A_96 : i32
      %dma_wait3A = arith.constant 0 : i32
      %dma_wait3A_98 = arith.constant 0 : i32
      %dma_wait3A_99 = arith.constant 0 : i32
      %dma_wait3A_100 = tpu.memref_slice %arg8[%dma_wait3A, %dma_wait3A_98, %dma_wait3A_99] : memref<2x128x128xf32, #tpu.memory_space<vmem>> -> memref<1x128x128xf32, #tpu.memory_space<vmem>>
      %dma_wait3A_101 = tpu.memref_squeeze %dma_wait3A_100 : memref<1x128x128xf32, #tpu.memory_space<vmem>> -> memref<128x128xf32, #tpu.memory_space<vmem>>
      %dma_wait3A_102 = arith.constant 0 : i32
      %dma_wait3A_103 = arith.constant 0 : i32
      %dma_wait3A_104 = tpu.memref_slice %dma_wait3A_101[%dma_wait3A_102, %dma_wait3A_103] : memref<128x128xf32, #tpu.memory_space<vmem>> -> memref<64x128xf32, #tpu.memory_space<vmem>>
      %dma_wait3A_105 = arith.constant 0 : i32
      %dma_wait3A_106 = arith.constant 0 : i32
      %dma_wait3A_107 = tpu.memref_slice %arg2[%dma_wait3A_105, %dma_wait3A_106] : memref<10000x128xf32, #tpu.memory_space<hbm>> -> memref<64x128xf32, #tpu.memory_space<hbm>>
      %dma_wait3A_108 = arith.constant 0 : i32
      %dma_wait3A_109 = arith.constant 0 : i32
      %dma_wait3A_110 = tpu.memref_slice %arg8[%dma_wait3A, %dma_wait3A_108, %dma_wait3A_109] : memref<2x128x128xf32, #tpu.memory_space<vmem>> -> memref<1x128x128xf32, #tpu.memory_space<vmem>>
      %dma_wait3A_111 = tpu.memref_squeeze %dma_wait3A_110 : memref<1x128x128xf32, #tpu.memory_space<vmem>> -> memref<128x128xf32, #tpu.memory_space<vmem>>
      %dma_wait3A_112 = arith.constant 0 : i32
      %dma_wait3A_113 = arith.constant 0 : i32
      %dma_wait3A_114 = tpu.memref_slice %dma_wait3A_111[%dma_wait3A_112, %dma_wait3A_113] : memref<128x128xf32, #tpu.memory_space<vmem>> -> memref<64x128xf32, #tpu.memory_space<vmem>>
      %dma_wait3A_115 = arith.constant 0 : i32
      %dma_wait3A_116 = arith.constant 0 : i32
      %dma_wait3A_117 = tpu.memref_slice %arg2[%dma_wait3A_115, %dma_wait3A_116] : memref<10000x128xf32, #tpu.memory_space<hbm>> -> memref<64x128xf32, #tpu.memory_space<hbm>>
      tpu.wait_dma2 semaphore(%arg10 : memref<!tpu.dma_semaphore, #tpu.memory_space<semaphore_mem>>) src(%dma_wait3A_117 : memref<64x128xf32, #tpu.memory_space<hbm>>) dst(%dma_wait3A_114 : memref<64x128xf32, #tpu.memory_space<vmem>>)
      %dma_wait3A_118 = arith.constant 0 : i32
      %dma_wait3A_119 = arith.constant 0 : i32
      %dma_wait3A_120 = arith.constant 0 : i32
      %dma_wait3A_121 = tpu.memref_slice %arg8[%dma_wait3A_118, %dma_wait3A_119, %dma_wait3A_120] : memref<2x128x128xf32, #tpu.memory_space<vmem>> -> memref<1x128x128xf32, #tpu.memory_space<vmem>>
      %dma_wait3A_122 = tpu.memref_squeeze %dma_wait3A_121 : memref<1x128x128xf32, #tpu.memory_space<vmem>> -> memref<128x128xf32, #tpu.memory_space<vmem>>
      %dma_wait3A_123 = arith.constant 64 : i32
      %dma_wait3A_124 = arith.constant 0 : i32
      %dma_wait3A_125 = tpu.memref_slice %dma_wait3A_122[%dma_wait3A_123, %dma_wait3A_124] : memref<128x128xf32, #tpu.memory_space<vmem>> -> memref<64x128xf32, #tpu.memory_space<vmem>>
      %dma_wait3A_126 = arith.constant 0 : i32
      %dma_wait3A_127 = arith.constant 0 : i32
      %dma_wait3A_128 = tpu.memref_slice %arg2[%dma_wait3A_126, %dma_wait3A_127] : memref<10000x128xf32, #tpu.memory_space<hbm>> -> memref<64x128xf32, #tpu.memory_space<hbm>>
      %dma_wait3A_129 = arith.constant 0 : i32
      %dma_wait3A_130 = arith.constant 0 : i32
      %dma_wait3A_131 = tpu.memref_slice %arg8[%dma_wait3A_118, %dma_wait3A_129, %dma_wait3A_130] : memref<2x128x128xf32, #tpu.memory_space<vmem>> -> memref<1x128x128xf32, #tpu.memory_space<vmem>>
      %dma_wait3A_132 = tpu.memref_squeeze %dma_wait3A_131 : memref<1x128x128xf32, #tpu.memory_space<vmem>> -> memref<128x128xf32, #tpu.memory_space<vmem>>
      %dma_wait3A_133 = arith.constant 64 : i32
      %dma_wait3A_134 = arith.constant 0 : i32
      %dma_wait3A_135 = tpu.memref_slice %dma_wait3A_132[%dma_wait3A_133, %dma_wait3A_134] : memref<128x128xf32, #tpu.memory_space<vmem>> -> memref<64x128xf32, #tpu.memory_space<vmem>>
      %dma_wait3A_136 = arith.constant 0 : i32
      %dma_wait3A_137 = arith.constant 0 : i32
      %dma_wait3A_138 = tpu.memref_slice %arg2[%dma_wait3A_136, %dma_wait3A_137] : memref<10000x128xf32, #tpu.memory_space<hbm>> -> memref<64x128xf32, #tpu.memory_space<hbm>>
      tpu.wait_dma2 semaphore(%arg11 : memref<!tpu.dma_semaphore, #tpu.memory_space<semaphore_mem>>) src(%dma_wait3A_138 : memref<64x128xf32, #tpu.memory_space<hbm>>) dst(%dma_wait3A_135 : memref<64x128xf32, #tpu.memory_space<vmem>>)
      %add3A_139 = arith.constant 0 : i32
      %add3A_140 = arith.addi %mul3A_97, %add3A_139 : i32
      %run_scoped3A = arith.constant 0 : i32
      "tpu.region"() ({
        %run_scoped3A_193 = tpu.sem_alloc : memref<!tpu.dma_semaphore, #tpu.memory_space<semaphore_mem>>
        %dma_start3A_194 = arith.constant 0 : i32
        %dma_start3A_195 = arith.constant 0 : i32
        %dma_start3A_196 = tpu.memref_slice %arg8[%run_scoped3A, %dma_start3A_194, %dma_start3A_195] : memref<2x128x128xf32, #tpu.memory_space<vmem>> -> memref<1x128x128xf32, #tpu.memory_space<vmem>>
        %dma_start3A_197 = tpu.memref_squeeze %dma_start3A_196 : memref<1x128x128xf32, #tpu.memory_space<vmem>> -> memref<128x128xf32, #tpu.memory_space<vmem>>
        %dma_start3A_198 = arith.constant 0 : i32
        %dma_start3A_199 = tpu.memref_slice %arg7[%add3A_140, %dma_start3A_198] : memref<40x128xi32, #tpu.memory_space<vmem>> -> memref<1x128xi32, #tpu.memory_space<vmem>>
        %dma_start3A_200 = tpu.memref_squeeze %dma_start3A_199 : memref<1x128xi32, #tpu.memory_space<vmem>> -> memref<128xi32, #tpu.memory_space<vmem>>
        %dma_start3A_201 = arith.constant 0 : i32
        %dma_start3A_202 = arith.constant 0 : i32
        %dma_start3A_203 = tpu.memref_slice %arg9[%dma_start3A_201, %dma_start3A_202] : memref<10240x128xf32, #tpu.memory_space<vmem_shared>> -> memref<10240x128xf32, #tpu.memory_space<vmem_shared>>
        tpu.enqueue_indirect_dma source(%dma_start3A_197 : memref<128x128xf32, #tpu.memory_space<vmem>>) target(%dma_start3A_203 : memref<10240x128xf32, #tpu.memory_space<vmem_shared>>) offsets(%dma_start3A_200 : memref<128xi32, #tpu.memory_space<vmem>>) semaphore(%run_scoped3A_193 : memref<!tpu.dma_semaphore, #tpu.memory_space<semaphore_mem>>) {add = true}
        %dma_wait3A_204 = arith.constant 0 : i32
        %dma_wait3A_205 = arith.constant 0 : i32
        %dma_wait3A_206 = tpu.memref_slice %arg8[%run_scoped3A, %dma_wait3A_204, %dma_wait3A_205] : memref<2x128x128xf32, #tpu.memory_space<vmem>> -> memref<1x128x128xf32, #tpu.memory_space<vmem>>
        %dma_wait3A_207 = tpu.memref_squeeze %dma_wait3A_206 : memref<1x128x128xf32, #tpu.memory_space<vmem>> -> memref<128x128xf32, #tpu.memory_space<vmem>>
        %dma_wait3A_208 = arith.constant 0 : i32
        %dma_wait3A_209 = tpu.memref_slice %arg7[%add3A_140, %dma_wait3A_208] : memref<40x128xi32, #tpu.memory_space<vmem>> -> memref<1x128xi32, #tpu.memory_space<vmem>>
        %dma_wait3A_210 = tpu.memref_squeeze %dma_wait3A_209 : memref<1x128xi32, #tpu.memory_space<vmem>> -> memref<128xi32, #tpu.memory_space<vmem>>
        %dma_wait3A_211 = arith.constant 0 : i32
        %dma_wait3A_212 = arith.constant 0 : i32
        %dma_wait3A_213 = tpu.memref_slice %arg9[%dma_wait3A_211, %dma_wait3A_212] : memref<10240x128xf32, #tpu.memory_space<vmem_shared>> -> memref<10240x128xf32, #tpu.memory_space<vmem_shared>>
        tpu.wait_indirect_dma semaphore(%run_scoped3A_193 : memref<!tpu.dma_semaphore, #tpu.memory_space<semaphore_mem>>) src(%dma_wait3A_207 : memref<128x128xf32, #tpu.memory_space<vmem>>) dst(%dma_wait3A_213 : memref<10240x128xf32, #tpu.memory_space<vmem_shared>>)
        tpu.yield
      }) : () -> ()
      %lt3A = arith.constant 19 : i32
      %lt3A_141 = arith.cmpi slt, %scan3A_95, %lt3A : i32
      %convert_element_type3A = arith.extui %lt3A_141 : i1 to i32
      %cond3A = arith.constant 0 : i32
      %cond3A_142 = arith.cmpi ne, %convert_element_type3A, %cond3A : i32
      scf.if %cond3A_142 {
        %add3A_193 = arith.constant 0 : i32
        %add3A_194 = arith.addi %mul3A_97, %add3A_193 : i32
        %add3A_195 = arith.constant 2 : i32
        %add3A_196 = arith.addi %add3A_194, %add3A_195 : i32
        %dma_start3A_197 = arith.constant 0 : i32
        %dma_start3A_198 = arith.constant 0 : i32
        %dma_start3A_199 = arith.constant 0 : i32
        %dma_start3A_200 = tpu.memref_slice %arg8[%dma_start3A_197, %dma_start3A_198, %dma_start3A_199] : memref<2x128x128xf32, #tpu.memory_space<vmem>> -> memref<1x128x128xf32, #tpu.memory_space<vmem>>
        %dma_start3A_201 = tpu.memref_squeeze %dma_start3A_200 : memref<1x128x128xf32, #tpu.memory_space<vmem>> -> memref<128x128xf32, #tpu.memory_space<vmem>>
        %dma_start3A_202 = arith.constant 0 : i32
        %dma_start3A_203 = arith.constant 0 : i32
        %dma_start3A_204 = tpu.memref_slice %dma_start3A_201[%dma_start3A_202, %dma_start3A_203] : memref<128x128xf32, #tpu.memory_space<vmem>> -> memref<64x128xf32, #tpu.memory_space<vmem>>
        %dma_start3A_205 = arith.constant 0 : i32
        %dma_start3A_206 = tpu.memref_slice %arg6[%add3A_196, %dma_start3A_205] : memref<40x128xi32, #tpu.memory_space<vmem>> -> memref<1x128xi32, #tpu.memory_space<vmem>>
        %dma_start3A_207 = tpu.memref_squeeze %dma_start3A_206 : memref<1x128xi32, #tpu.memory_space<vmem>> -> memref<128xi32, #tpu.memory_space<vmem>>
        %dma_start3A_208 = arith.constant 0 : i32
        %dma_start3A_209 = tpu.memref_slice %dma_start3A_207[%dma_start3A_208] : memref<128xi32, #tpu.memory_space<vmem>> -> memref<64xi32, #tpu.memory_space<vmem>>
        %dma_start3A_210 = arith.constant 0 : i32
        %dma_start3A_211 = arith.constant 0 : i32
        %dma_start3A_212 = tpu.memref_slice %arg2[%dma_start3A_210, %dma_start3A_211] : memref<10000x128xf32, #tpu.memory_space<hbm>> -> memref<10000x128xf32, #tpu.memory_space<hbm>>
        tpu.enqueue_indirect_dma source(%dma_start3A_212 : memref<10000x128xf32, #tpu.memory_space<hbm>>) target(%dma_start3A_204 : memref<64x128xf32, #tpu.memory_space<vmem>>) offsets(%dma_start3A_209 : memref<64xi32, #tpu.memory_space<vmem>>) semaphore(%arg10 : memref<!tpu.dma_semaphore, #tpu.memory_space<semaphore_mem>>)
        %dma_start3A_213 = arith.constant 0 : i32
        %dma_start3A_214 = arith.constant 0 : i32
        %dma_start3A_215 = arith.constant 0 : i32
        %dma_start3A_216 = tpu.memref_slice %arg8[%dma_start3A_213, %dma_start3A_214, %dma_start3A_215] : memref<2x128x128xf32, #tpu.memory_space<vmem>> -> memref<1x128x128xf32, #tpu.memory_space<vmem>>
        %dma_start3A_217 = tpu.memref_squeeze %dma_start3A_216 : memref<1x128x128xf32, #tpu.memory_space<vmem>> -> memref<128x128xf32, #tpu.memory_space<vmem>>
        %dma_start3A_218 = arith.constant 64 : i32
        %dma_start3A_219 = arith.constant 0 : i32
        %dma_start3A_220 = tpu.memref_slice %dma_start3A_217[%dma_start3A_218, %dma_start3A_219] : memref<128x128xf32, #tpu.memory_space<vmem>> -> memref<64x128xf32, #tpu.memory_space<vmem>>
        %dma_start3A_221 = arith.constant 0 : i32
        %dma_start3A_222 = tpu.memref_slice %arg6[%add3A_196, %dma_start3A_221] : memref<40x128xi32, #tpu.memory_space<vmem>> -> memref<1x128xi32, #tpu.memory_space<vmem>>
        %dma_start3A_223 = tpu.memref_squeeze %dma_start3A_222 : memref<1x128xi32, #tpu.memory_space<vmem>> -> memref<128xi32, #tpu.memory_space<vmem>>
        %dma_start3A_224 = arith.constant 64 : i32
        %dma_start3A_225 = tpu.memref_slice %dma_start3A_223[%dma_start3A_224] : memref<128xi32, #tpu.memory_space<vmem>> -> memref<64xi32, #tpu.memory_space<vmem>>
        %dma_start3A_226 = arith.constant 0 : i32
        %dma_start3A_227 = arith.constant 0 : i32
        %dma_start3A_228 = tpu.memref_slice %arg2[%dma_start3A_226, %dma_start3A_227] : memref<10000x128xf32, #tpu.memory_space<hbm>> -> memref<10000x128xf32, #tpu.memory_space<hbm>>
        tpu.enqueue_indirect_dma source(%dma_start3A_228 : memref<10000x128xf32, #tpu.memory_space<hbm>>) target(%dma_start3A_220 : memref<64x128xf32, #tpu.memory_space<vmem>>) offsets(%dma_start3A_225 : memref<64xi32, #tpu.memory_space<vmem>>) semaphore(%arg11 : memref<!tpu.dma_semaphore, #tpu.memory_space<semaphore_mem>>)
      } else {
      }
      %dma_wait3A_143 = arith.constant 1 : i32
      %dma_wait3A_144 = arith.constant 0 : i32
      %dma_wait3A_145 = arith.constant 0 : i32
      %dma_wait3A_146 = tpu.memref_slice %arg8[%dma_wait3A_143, %dma_wait3A_144, %dma_wait3A_145] : memref<2x128x128xf32, #tpu.memory_space<vmem>> -> memref<1x128x128xf32, #tpu.memory_space<vmem>>
      %dma_wait3A_147 = tpu.memref_squeeze %dma_wait3A_146 : memref<1x128x128xf32, #tpu.memory_space<vmem>> -> memref<128x128xf32, #tpu.memory_space<vmem>>
      %dma_wait3A_148 = arith.constant 0 : i32
      %dma_wait3A_149 = arith.constant 0 : i32
      %dma_wait3A_150 = tpu.memref_slice %dma_wait3A_147[%dma_wait3A_148, %dma_wait3A_149] : memref<128x128xf32, #tpu.memory_space<vmem>> -> memref<64x128xf32, #tpu.memory_space<vmem>>
      %dma_wait3A_151 = arith.constant 0 : i32
      %dma_wait3A_152 = arith.constant 0 : i32
      %dma_wait3A_153 = tpu.memref_slice %arg2[%dma_wait3A_151, %dma_wait3A_152] : memref<10000x128xf32, #tpu.memory_space<hbm>> -> memref<64x128xf32, #tpu.memory_space<hbm>>
      %dma_wait3A_154 = arith.constant 0 : i32
      %dma_wait3A_155 = arith.constant 0 : i32
      %dma_wait3A_156 = tpu.memref_slice %arg8[%dma_wait3A_143, %dma_wait3A_154, %dma_wait3A_155] : memref<2x128x128xf32, #tpu.memory_space<vmem>> -> memref<1x128x128xf32, #tpu.memory_space<vmem>>
      %dma_wait3A_157 = tpu.memref_squeeze %dma_wait3A_156 : memref<1x128x128xf32, #tpu.memory_space<vmem>> -> memref<128x128xf32, #tpu.memory_space<vmem>>
      %dma_wait3A_158 = arith.constant 0 : i32
      %dma_wait3A_159 = arith.constant 0 : i32
      %dma_wait3A_160 = tpu.memref_slice %dma_wait3A_157[%dma_wait3A_158, %dma_wait3A_159] : memref<128x128xf32, #tpu.memory_space<vmem>> -> memref<64x128xf32, #tpu.memory_space<vmem>>
      %dma_wait3A_161 = arith.constant 0 : i32
      %dma_wait3A_162 = arith.constant 0 : i32
      %dma_wait3A_163 = tpu.memref_slice %arg2[%dma_wait3A_161, %dma_wait3A_162] : memref<10000x128xf32, #tpu.memory_space<hbm>> -> memref<64x128xf32, #tpu.memory_space<hbm>>
      tpu.wait_dma2 semaphore(%arg12 : memref<!tpu.dma_semaphore, #tpu.memory_space<semaphore_mem>>) src(%dma_wait3A_163 : memref<64x128xf32, #tpu.memory_space<hbm>>) dst(%dma_wait3A_160 : memref<64x128xf32, #tpu.memory_space<vmem>>)
      %dma_wait3A_164 = arith.constant 1 : i32
      %dma_wait3A_165 = arith.constant 0 : i32
      %dma_wait3A_166 = arith.constant 0 : i32
      %dma_wait3A_167 = tpu.memref_slice %arg8[%dma_wait3A_164, %dma_wait3A_165, %dma_wait3A_166] : memref<2x128x128xf32, #tpu.memory_space<vmem>> -> memref<1x128x128xf32, #tpu.memory_space<vmem>>
      %dma_wait3A_168 = tpu.memref_squeeze %dma_wait3A_167 : memref<1x128x128xf32, #tpu.memory_space<vmem>> -> memref<128x128xf32, #tpu.memory_space<vmem>>
      %dma_wait3A_169 = arith.constant 64 : i32
      %dma_wait3A_170 = arith.constant 0 : i32
      %dma_wait3A_171 = tpu.memref_slice %dma_wait3A_168[%dma_wait3A_169, %dma_wait3A_170] : memref<128x128xf32, #tpu.memory_space<vmem>> -> memref<64x128xf32, #tpu.memory_space<vmem>>
      %dma_wait3A_172 = arith.constant 0 : i32
      %dma_wait3A_173 = arith.constant 0 : i32
      %dma_wait3A_174 = tpu.memref_slice %arg2[%dma_wait3A_172, %dma_wait3A_173] : memref<10000x128xf32, #tpu.memory_space<hbm>> -> memref<64x128xf32, #tpu.memory_space<hbm>>
      %dma_wait3A_175 = arith.constant 0 : i32
      %dma_wait3A_176 = arith.constant 0 : i32
      %dma_wait3A_177 = tpu.memref_slice %arg8[%dma_wait3A_164, %dma_wait3A_175, %dma_wait3A_176] : memref<2x128x128xf32, #tpu.memory_space<vmem>> -> memref<1x128x128xf32, #tpu.memory_space<vmem>>
      %dma_wait3A_178 = tpu.memref_squeeze %dma_wait3A_177 : memref<1x128x128xf32, #tpu.memory_space<vmem>> -> memref<128x128xf32, #tpu.memory_space<vmem>>
      %dma_wait3A_179 = arith.constant 64 : i32
      %dma_wait3A_180 = arith.constant 0 : i32
      %dma_wait3A_181 = tpu.memref_slice %dma_wait3A_178[%dma_wait3A_179, %dma_wait3A_180] : memref<128x128xf32, #tpu.memory_space<vmem>> -> memref<64x128xf32, #tpu.memory_space<vmem>>
      %dma_wait3A_182 = arith.constant 0 : i32
      %dma_wait3A_183 = arith.constant 0 : i32
      %dma_wait3A_184 = tpu.memref_slice %arg2[%dma_wait3A_182, %dma_wait3A_183] : memref<10000x128xf32, #tpu.memory_space<hbm>> -> memref<64x128xf32, #tpu.memory_space<hbm>>
      tpu.wait_dma2 semaphore(%arg13 : memref<!tpu.dma_semaphore, #tpu.memory_space<semaphore_mem>>) src(%dma_wait3A_184 : memref<64x128xf32, #tpu.memory_space<hbm>>) dst(%dma_wait3A_181 : memref<64x128xf32, #tpu.memory_space<vmem>>)
      %add3A_185 = arith.constant 1 : i32
      %add3A_186 = arith.addi %mul3A_97, %add3A_185 : i32
      %run_scoped3A_187 = arith.constant 1 : i32
      "tpu.region"() ({
        %run_scoped3A_193 = tpu.sem_alloc : memref<!tpu.dma_semaphore, #tpu.memory_space<semaphore_mem>>
        %dma_start3A_194 = arith.constant 0 : i32
        %dma_start3A_195 = arith.constant 0 : i32
        %dma_start3A_196 = tpu.memref_slice %arg8[%run_scoped3A_187, %dma_start3A_194, %dma_start3A_195] : memref<2x128x128xf32, #tpu.memory_space<vmem>> -> memref<1x128x128xf32, #tpu.memory_space<vmem>>
        %dma_start3A_197 = tpu.memref_squeeze %dma_start3A_196 : memref<1x128x128xf32, #tpu.memory_space<vmem>> -> memref<128x128xf32, #tpu.memory_space<vmem>>
        %dma_start3A_198 = arith.constant 0 : i32
        %dma_start3A_199 = tpu.memref_slice %arg7[%add3A_186, %dma_start3A_198] : memref<40x128xi32, #tpu.memory_space<vmem>> -> memref<1x128xi32, #tpu.memory_space<vmem>>
        %dma_start3A_200 = tpu.memref_squeeze %dma_start3A_199 : memref<1x128xi32, #tpu.memory_space<vmem>> -> memref<128xi32, #tpu.memory_space<vmem>>
        %dma_start3A_201 = arith.constant 0 : i32
        %dma_start3A_202 = arith.constant 0 : i32
        %dma_start3A_203 = tpu.memref_slice %arg9[%dma_start3A_201, %dma_start3A_202] : memref<10240x128xf32, #tpu.memory_space<vmem_shared>> -> memref<10240x128xf32, #tpu.memory_space<vmem_shared>>
        tpu.enqueue_indirect_dma source(%dma_start3A_197 : memref<128x128xf32, #tpu.memory_space<vmem>>) target(%dma_start3A_203 : memref<10240x128xf32, #tpu.memory_space<vmem_shared>>) offsets(%dma_start3A_200 : memref<128xi32, #tpu.memory_space<vmem>>) semaphore(%run_scoped3A_193 : memref<!tpu.dma_semaphore, #tpu.memory_space<semaphore_mem>>) {add = true}
        %dma_wait3A_204 = arith.constant 0 : i32
        %dma_wait3A_205 = arith.constant 0 : i32
        %dma_wait3A_206 = tpu.memref_slice %arg8[%run_scoped3A_187, %dma_wait3A_204, %dma_wait3A_205] : memref<2x128x128xf32, #tpu.memory_space<vmem>> -> memref<1x128x128xf32, #tpu.memory_space<vmem>>
        %dma_wait3A_207 = tpu.memref_squeeze %dma_wait3A_206 : memref<1x128x128xf32, #tpu.memory_space<vmem>> -> memref<128x128xf32, #tpu.memory_space<vmem>>
        %dma_wait3A_208 = arith.constant 0 : i32
        %dma_wait3A_209 = tpu.memref_slice %arg7[%add3A_186, %dma_wait3A_208] : memref<40x128xi32, #tpu.memory_space<vmem>> -> memref<1x128xi32, #tpu.memory_space<vmem>>
        %dma_wait3A_210 = tpu.memref_squeeze %dma_wait3A_209 : memref<1x128xi32, #tpu.memory_space<vmem>> -> memref<128xi32, #tpu.memory_space<vmem>>
        %dma_wait3A_211 = arith.constant 0 : i32
        %dma_wait3A_212 = arith.constant 0 : i32
        %dma_wait3A_213 = tpu.memref_slice %arg9[%dma_wait3A_211, %dma_wait3A_212] : memref<10240x128xf32, #tpu.memory_space<vmem_shared>> -> memref<10240x128xf32, #tpu.memory_space<vmem_shared>>
        tpu.wait_indirect_dma semaphore(%run_scoped3A_193 : memref<!tpu.dma_semaphore, #tpu.memory_space<semaphore_mem>>) src(%dma_wait3A_207 : memref<128x128xf32, #tpu.memory_space<vmem>>) dst(%dma_wait3A_213 : memref<10240x128xf32, #tpu.memory_space<vmem_shared>>)
        tpu.yield
      }) : () -> ()
      %lt3A_188 = arith.constant 19 : i32
      %lt3A_189 = arith.cmpi slt, %scan3A_95, %lt3A_188 : i32
      %convert_element_type3A_190 = arith.extui %lt3A_189 : i1 to i32
      %cond3A_191 = arith.constant 0 : i32
      %cond3A_192 = arith.cmpi ne, %convert_element_type3A_190, %cond3A_191 : i32
      scf.if %cond3A_192 {
        %add3A_193 = arith.constant 1 : i32
        %add3A_194 = arith.addi %mul3A_97, %add3A_193 : i32
        %add3A_195 = arith.constant 2 : i32
        %add3A_196 = arith.addi %add3A_194, %add3A_195 : i32
        %dma_start3A_197 = arith.constant 1 : i32
        %dma_start3A_198 = arith.constant 0 : i32
        %dma_start3A_199 = arith.constant 0 : i32
        %dma_start3A_200 = tpu.memref_slice %arg8[%dma_start3A_197, %dma_start3A_198, %dma_start3A_199] : memref<2x128x128xf32, #tpu.memory_space<vmem>> -> memref<1x128x128xf32, #tpu.memory_space<vmem>>
        %dma_start3A_201 = tpu.memref_squeeze %dma_start3A_200 : memref<1x128x128xf32, #tpu.memory_space<vmem>> -> memref<128x128xf32, #tpu.memory_space<vmem>>
        %dma_start3A_202 = arith.constant 0 : i32
        %dma_start3A_203 = arith.constant 0 : i32
        %dma_start3A_204 = tpu.memref_slice %dma_start3A_201[%dma_start3A_202, %dma_start3A_203] : memref<128x128xf32, #tpu.memory_space<vmem>> -> memref<64x128xf32, #tpu.memory_space<vmem>>
        %dma_start3A_205 = arith.constant 0 : i32
        %dma_start3A_206 = tpu.memref_slice %arg6[%add3A_196, %dma_start3A_205] : memref<40x128xi32, #tpu.memory_space<vmem>> -> memref<1x128xi32, #tpu.memory_space<vmem>>
        %dma_start3A_207 = tpu.memref_squeeze %dma_start3A_206 : memref<1x128xi32, #tpu.memory_space<vmem>> -> memref<128xi32, #tpu.memory_space<vmem>>
        %dma_start3A_208 = arith.constant 0 : i32
        %dma_start3A_209 = tpu.memref_slice %dma_start3A_207[%dma_start3A_208] : memref<128xi32, #tpu.memory_space<vmem>> -> memref<64xi32, #tpu.memory_space<vmem>>
        %dma_start3A_210 = arith.constant 0 : i32
        %dma_start3A_211 = arith.constant 0 : i32
        %dma_start3A_212 = tpu.memref_slice %arg2[%dma_start3A_210, %dma_start3A_211] : memref<10000x128xf32, #tpu.memory_space<hbm>> -> memref<10000x128xf32, #tpu.memory_space<hbm>>
        tpu.enqueue_indirect_dma source(%dma_start3A_212 : memref<10000x128xf32, #tpu.memory_space<hbm>>) target(%dma_start3A_204 : memref<64x128xf32, #tpu.memory_space<vmem>>) offsets(%dma_start3A_209 : memref<64xi32, #tpu.memory_space<vmem>>) semaphore(%arg12 : memref<!tpu.dma_semaphore, #tpu.memory_space<semaphore_mem>>)
        %dma_start3A_213 = arith.constant 1 : i32
        %dma_start3A_214 = arith.constant 0 : i32
        %dma_start3A_215 = arith.constant 0 : i32
        %dma_start3A_216 = tpu.memref_slice %arg8[%dma_start3A_213, %dma_start3A_214, %dma_start3A_215] : memref<2x128x128xf32, #tpu.memory_space<vmem>> -> memref<1x128x128xf32, #tpu.memory_space<vmem>>
        %dma_start3A_217 = tpu.memref_squeeze %dma_start3A_216 : memref<1x128x128xf32, #tpu.memory_space<vmem>> -> memref<128x128xf32, #tpu.memory_space<vmem>>
        %dma_start3A_218 = arith.constant 64 : i32
        %dma_start3A_219 = arith.constant 0 : i32
        %dma_start3A_220 = tpu.memref_slice %dma_start3A_217[%dma_start3A_218, %dma_start3A_219] : memref<128x128xf32, #tpu.memory_space<vmem>> -> memref<64x128xf32, #tpu.memory_space<vmem>>
        %dma_start3A_221 = arith.constant 0 : i32
        %dma_start3A_222 = tpu.memref_slice %arg6[%add3A_196, %dma_start3A_221] : memref<40x128xi32, #tpu.memory_space<vmem>> -> memref<1x128xi32, #tpu.memory_space<vmem>>
        %dma_start3A_223 = tpu.memref_squeeze %dma_start3A_222 : memref<1x128xi32, #tpu.memory_space<vmem>> -> memref<128xi32, #tpu.memory_space<vmem>>
        %dma_start3A_224 = arith.constant 64 : i32
        %dma_start3A_225 = tpu.memref_slice %dma_start3A_223[%dma_start3A_224] : memref<128xi32, #tpu.memory_space<vmem>> -> memref<64xi32, #tpu.memory_space<vmem>>
        %dma_start3A_226 = arith.constant 0 : i32
        %dma_start3A_227 = arith.constant 0 : i32
        %dma_start3A_228 = tpu.memref_slice %arg2[%dma_start3A_226, %dma_start3A_227] : memref<10000x128xf32, #tpu.memory_space<hbm>> -> memref<10000x128xf32, #tpu.memory_space<hbm>>
        tpu.enqueue_indirect_dma source(%dma_start3A_228 : memref<10000x128xf32, #tpu.memory_space<hbm>>) target(%dma_start3A_220 : memref<64x128xf32, #tpu.memory_space<vmem>>) offsets(%dma_start3A_225 : memref<64xi32, #tpu.memory_space<vmem>>) semaphore(%arg13 : memref<!tpu.dma_semaphore, #tpu.memory_space<semaphore_mem>>)
      } else {
      }
    }
    %scan3A_89 = arith.constant 20 : i32
    %barrier3A_90 = arith.constant 0 : index
    tpu.barrier barrier_id(%barrier3A_90)
    %mul3A_91 = arith.constant 640 : i32
    %mul3A_92 = arith.muli %arg1, %mul3A_91 : i32
    %mul3A_93 = arith.constant 640 : i32
    %mul3A_94 = arith.muli %arg1, %mul3A_93 : i32
    "tpu.region"() ({
      %run_scoped3A = tpu.sem_alloc : memref<!tpu.dma_semaphore, #tpu.memory_space<semaphore_mem>>
      %dma_start3A_95 = arith.constant 0 : i32
      %dma_start3A_96 = tpu.memref_slice %arg5[%arg0, %mul3A_94, %dma_start3A_95] : memref<2x10240x128xf32, #tpu.memory_space<hbm>> -> memref<1x640x128xf32, #tpu.memory_space<hbm>>
      %dma_start3A_97 = tpu.memref_squeeze %dma_start3A_96 : memref<1x640x128xf32, #tpu.memory_space<hbm>> -> memref<640x128xf32, #tpu.memory_space<hbm>>
      %dma_start3A_98 = arith.constant 0 : i32
      %dma_start3A_99 = tpu.memref_slice %arg9[%mul3A_92, %dma_start3A_98] : memref<10240x128xf32, #tpu.memory_space<vmem_shared>> -> memref<640x128xf32, #tpu.memory_space<vmem_shared>>
      tpu.enqueue_dma source(%dma_start3A_99 : memref<640x128xf32, #tpu.memory_space<vmem_shared>>) target(%dma_start3A_97 : memref<640x128xf32, #tpu.memory_space<hbm>>) target_semaphore(%run_scoped3A : memref<!tpu.dma_semaphore, #tpu.memory_space<semaphore_mem>>)
      %dma_wait3A = arith.constant 0 : i32
      %dma_wait3A_100 = tpu.memref_slice %arg5[%arg0, %mul3A_94, %dma_wait3A] : memref<2x10240x128xf32, #tpu.memory_space<hbm>> -> memref<1x640x128xf32, #tpu.memory_space<hbm>>
      %dma_wait3A_101 = tpu.memref_squeeze %dma_wait3A_100 : memref<1x640x128xf32, #tpu.memory_space<hbm>> -> memref<640x128xf32, #tpu.memory_space<hbm>>
      %dma_wait3A_102 = arith.constant 0 : i32
      %dma_wait3A_103 = tpu.memref_slice %arg9[%mul3A_92, %dma_wait3A_102] : memref<10240x128xf32, #tpu.memory_space<vmem_shared>> -> memref<640x128xf32, #tpu.memory_space<vmem_shared>>
      tpu.wait_dma2 semaphore(%run_scoped3A : memref<!tpu.dma_semaphore, #tpu.memory_space<semaphore_mem>>) src(%dma_wait3A_103 : memref<640x128xf32, #tpu.memory_space<vmem_shared>>) dst(%dma_wait3A_101 : memref<640x128xf32, #tpu.memory_space<hbm>>)
      tpu.yield
    }) : () -> ()
    return
  }
}

#map = affine_map<(d0, d1) -> (0, 0)>
#map1 = affine_map<(d0, d1) -> (0, 0, 0)>
module attributes {stable_mosaic.version = 14 : i64} {
  func.func @_agg_body(%arg0: i32, %arg1: i32, %arg2: memref<10000x128xf32, #tpu.memory_space<hbm>>, %arg3: memref<1280x128xi32, #tpu.memory_space<hbm>>, %arg4: memref<1280x128xi32, #tpu.memory_space<hbm>>, %arg5: memref<2x10240x128xf32, #tpu.memory_space<hbm>>, %arg6: memref<40x128xi32, #tpu.memory_space<vmem>>, %arg7: memref<40x128xi32, #tpu.memory_space<vmem>>, %arg8: memref<2x128x128xf32, #tpu.memory_space<vmem>>, %arg9: memref<10240x128xf32, #tpu.memory_space<vmem_shared>>, %arg10: memref<!tpu.dma_semaphore, #tpu.memory_space<semaphore_mem>>, %arg11: memref<!tpu.dma_semaphore, #tpu.memory_space<semaphore_mem>>, %arg12: memref<!tpu.dma_semaphore, #tpu.memory_space<semaphore_mem>>, %arg13: memref<!tpu.dma_semaphore, #tpu.memory_space<semaphore_mem>>) attributes {dimension_semantics = [#tpu.dimension_semantics<core_parallel>, #tpu.dimension_semantics<subcore_parallel>], iteration_bounds = array<i64: 2, 16>, scalar_prefetch = 0 : i64, scratch_operands = 8 : i64, tpu.core_type = #tpu.core_type<sc_vector_subcore>, window_params = [{transform_indices = #map}, {transform_indices = #map}, {transform_indices = #map}, {transform_indices = #map1}]} {
    %mul3A = arith.constant 2 : i32
    %mul3A_0 = arith.muli %arg1, %mul3A : i32
    %add3A = arith.addi %mul3A_0, %arg0 : i32
    %mul3A_1 = arith.constant 40 : i32
    %mul3A_2 = arith.muli %add3A, %mul3A_1 : i32
    "tpu.region"() ({
      %run_scoped3A = tpu.sem_alloc : memref<!tpu.dma_semaphore, #tpu.memory_space<semaphore_mem>>
      %dma_start3A_95 = arith.constant 0 : i32
      %dma_start3A_96 = tpu.memref_slice %arg3[%mul3A_2, %dma_start3A_95] : memref<1280x128xi32, #tpu.memory_space<hbm>> -> memref<40x128xi32, #tpu.memory_space<hbm>>
      %dma_start3A_97 = arith.constant 0 : i32
      %dma_start3A_98 = tpu.memref_slice %arg3[%mul3A_2, %dma_start3A_97] : memref<1280x128xi32, #tpu.memory_space<hbm>> -> memref<40x128xi32, #tpu.memory_space<hbm>>
      tpu.enqueue_dma source(%dma_start3A_98 : memref<40x128xi32, #tpu.memory_space<hbm>>) target(%arg6 : memref<40x128xi32, #tpu.memory_space<vmem>>) target_semaphore(%run_scoped3A : memref<!tpu.dma_semaphore, #tpu.memory_space<semaphore_mem>>)
      %dma_wait3A = arith.constant 0 : i32
      %dma_wait3A_99 = tpu.memref_slice %arg3[%mul3A_2, %dma_wait3A] : memref<1280x128xi32, #tpu.memory_space<hbm>> -> memref<40x128xi32, #tpu.memory_space<hbm>>
      %dma_wait3A_100 = arith.constant 0 : i32
      %dma_wait3A_101 = tpu.memref_slice %arg3[%mul3A_2, %dma_wait3A_100] : memref<1280x128xi32, #tpu.memory_space<hbm>> -> memref<40x128xi32, #tpu.memory_space<hbm>>
      tpu.wait_dma2 semaphore(%run_scoped3A : memref<!tpu.dma_semaphore, #tpu.memory_space<semaphore_mem>>) src(%dma_wait3A_101 : memref<40x128xi32, #tpu.memory_space<hbm>>) dst(%arg6 : memref<40x128xi32, #tpu.memory_space<vmem>>)
      tpu.yield
    }) : () -> ()
    %mul3A_3 = arith.constant 40 : i32
    %mul3A_4 = arith.muli %add3A, %mul3A_3 : i32
    "tpu.region"() ({
      %run_scoped3A = tpu.sem_alloc : memref<!tpu.dma_semaphore, #tpu.memory_space<semaphore_mem>>
      %dma_start3A_95 = arith.constant 0 : i32
      %dma_start3A_96 = tpu.memref_slice %arg4[%mul3A_4, %dma_start3A_95] : memref<1280x128xi32, #tpu.memory_space<hbm>> -> memref<40x128xi32, #tpu.memory_space<hbm>>
      %dma_start3A_97 = arith.constant 0 : i32
      %dma_start3A_98 = tpu.memref_slice %arg4[%mul3A_4, %dma_start3A_97] : memref<1280x128xi32, #tpu.memory_space<hbm>> -> memref<40x128xi32, #tpu.memory_space<hbm>>
      tpu.enqueue_dma source(%dma_start3A_98 : memref<40x128xi32, #tpu.memory_space<hbm>>) target(%arg7 : memref<40x128xi32, #tpu.memory_space<vmem>>) target_semaphore(%run_scoped3A : memref<!tpu.dma_semaphore, #tpu.memory_space<semaphore_mem>>)
      %dma_wait3A = arith.constant 0 : i32
      %dma_wait3A_99 = tpu.memref_slice %arg4[%mul3A_4, %dma_wait3A] : memref<1280x128xi32, #tpu.memory_space<hbm>> -> memref<40x128xi32, #tpu.memory_space<hbm>>
      %dma_wait3A_100 = arith.constant 0 : i32
      %dma_wait3A_101 = tpu.memref_slice %arg4[%mul3A_4, %dma_wait3A_100] : memref<1280x128xi32, #tpu.memory_space<hbm>> -> memref<40x128xi32, #tpu.memory_space<hbm>>
      tpu.wait_dma2 semaphore(%run_scoped3A : memref<!tpu.dma_semaphore, #tpu.memory_space<semaphore_mem>>) src(%dma_wait3A_101 : memref<40x128xi32, #tpu.memory_space<hbm>>) dst(%arg7 : memref<40x128xi32, #tpu.memory_space<vmem>>)
      tpu.yield
    }) : () -> ()
    %broadcast_in_dim3A = arith.constant 0.000000e+00 : f32
    %broadcast_in_dim3A_5 = vector.broadcast %broadcast_in_dim3A : f32 to vector<16xf32>
    %scan3A = arith.constant 0 : i32
    %scan3A_6 = arith.constant 0 : i32
    %scan3A_7 = arith.constant 128 : i32
    %scan3A_8 = arith.addi %scan3A_6, %scan3A_7 : i32
    %scan3A_9 = arith.constant 1 : i32
    scf.for %scan3A_95 = %scan3A_6 to %scan3A_8 step %scan3A_9  : i32 {
      %swap3A = arith.constant 0 : i32
      %swap3A_96 = arith.index_cast %swap3A : i32 to index
      %swap3A_97 = arith.index_cast %scan3A_95 : i32 to index
      %swap3A_98 = arith.constant 0 : index
      %swap3A_99 = tpu.vector_load %arg8[%swap3A_96, %swap3A_97, %swap3A_98] {strides = array<i32>} : memref<2x128x128xf32, #tpu.memory_space<vmem>>, vector<1x1x16xf32>,
      %swap3A_100 = vector.shape_cast %swap3A_99 : vector<1x1x16xf32> to vector<16xf32>
      %swap3A_101 = vector.shape_cast %broadcast_in_dim3A_5 : vector<16xf32> to vector<1x1x16xf32>
      tpu.vector_store %arg8[%swap3A_96, %swap3A_97, %swap3A_98], %swap3A_101 {strides = array<i32>} : memref<2x128x128xf32, #tpu.memory_space<vmem>>, vector<1x1x16xf32>,
      %swap3A_102 = arith.constant 0 : i32
      %swap3A_103 = arith.index_cast %swap3A_102 : i32 to index
      %swap3A_104 = arith.index_cast %scan3A_95 : i32 to index
      %swap3A_105 = arith.constant 16 : index
      %swap3A_106 = tpu.vector_load %arg8[%swap3A_103, %swap3A_104, %swap3A_105] {strides = array<i32>} : memref<2x128x128xf32, #tpu.memory_space<vmem>>, vector<1x1x16xf32>,
      %swap3A_107 = vector.shape_cast %swap3A_106 : vector<1x1x16xf32> to vector<16xf32>
      %swap3A_108 = vector.shape_cast %broadcast_in_dim3A_5 : vector<16xf32> to vector<1x1x16xf32>
      tpu.vector_store %arg8[%swap3A_103, %swap3A_104, %swap3A_105], %swap3A_108 {strides = array<i32>} : memref<2x128x128xf32, #tpu.memory_space<vmem>>, vector<1x1x16xf32>,
      %swap3A_109 = arith.constant 0 : i32
      %swap3A_110 = arith.index_cast %swap3A_109 : i32 to index
      %swap3A_111 = arith.index_cast %scan3A_95 : i32 to index
      %swap3A_112 = arith.constant 32 : index
      %swap3A_113 = tpu.vector_load %arg8[%swap3A_110, %swap3A_111, %swap3A_112] {strides = array<i32>} : memref<2x128x128xf32, #tpu.memory_space<vmem>>, vector<1x1x16xf32>,
      %swap3A_114 = vector.shape_cast %swap3A_113 : vector<1x1x16xf32> to vector<16xf32>
      %swap3A_115 = vector.shape_cast %broadcast_in_dim3A_5 : vector<16xf32> to vector<1x1x16xf32>
      tpu.vector_store %arg8[%swap3A_110, %swap3A_111, %swap3A_112], %swap3A_115 {strides = array<i32>} : memref<2x128x128xf32, #tpu.memory_space<vmem>>, vector<1x1x16xf32>,
      %swap3A_116 = arith.constant 0 : i32
      %swap3A_117 = arith.index_cast %swap3A_116 : i32 to index
      %swap3A_118 = arith.index_cast %scan3A_95 : i32 to index
      %swap3A_119 = arith.constant 48 : index
      %swap3A_120 = tpu.vector_load %arg8[%swap3A_117, %swap3A_118, %swap3A_119] {strides = array<i32>} : memref<2x128x128xf32, #tpu.memory_space<vmem>>, vector<1x1x16xf32>,
      %swap3A_121 = vector.shape_cast %swap3A_120 : vector<1x1x16xf32> to vector<16xf32>
      %swap3A_122 = vector.shape_cast %broadcast_in_dim3A_5 : vector<16xf32> to vector<1x1x16xf32>
      tpu.vector_store %arg8[%swap3A_117, %swap3A_118, %swap3A_119], %swap3A_122 {strides = array<i32>} : memref<2x128x128xf32, #tpu.memory_space<vmem>>, vector<1x1x16xf32>,
      %swap3A_123 = arith.constant 0 : i32
      %swap3A_124 = arith.index_cast %swap3A_123 : i32 to index
      %swap3A_125 = arith.index_cast %scan3A_95 : i32 to index
      %swap3A_126 = arith.constant 64 : index
      %swap3A_127 = tpu.vector_load %arg8[%swap3A_124, %swap3A_125, %swap3A_126] {strides = array<i32>} : memref<2x128x128xf32, #tpu.memory_space<vmem>>, vector<1x1x16xf32>,
      %swap3A_128 = vector.shape_cast %swap3A_127 : vector<1x1x16xf32> to vector<16xf32>
      %swap3A_129 = vector.shape_cast %broadcast_in_dim3A_5 : vector<16xf32> to vector<1x1x16xf32>
      tpu.vector_store %arg8[%swap3A_124, %swap3A_125, %swap3A_126], %swap3A_129 {strides = array<i32>} : memref<2x128x128xf32, #tpu.memory_space<vmem>>, vector<1x1x16xf32>,
      %swap3A_130 = arith.constant 0 : i32
      %swap3A_131 = arith.index_cast %swap3A_130 : i32 to index
      %swap3A_132 = arith.index_cast %scan3A_95 : i32 to index
      %swap3A_133 = arith.constant 80 : index
      %swap3A_134 = tpu.vector_load %arg8[%swap3A_131, %swap3A_132, %swap3A_133] {strides = array<i32>} : memref<2x128x128xf32, #tpu.memory_space<vmem>>, vector<1x1x16xf32>,
      %swap3A_135 = vector.shape_cast %swap3A_134 : vector<1x1x16xf32> to vector<16xf32>
      %swap3A_136 = vector.shape_cast %broadcast_in_dim3A_5 : vector<16xf32> to vector<1x1x16xf32>
      tpu.vector_store %arg8[%swap3A_131, %swap3A_132, %swap3A_133], %swap3A_136 {strides = array<i32>} : memref<2x128x128xf32, #tpu.memory_space<vmem>>, vector<1x1x16xf32>,
      %swap3A_137 = arith.constant 0 : i32
      %swap3A_138 = arith.index_cast %swap3A_137 : i32 to index
      %swap3A_139 = arith.index_cast %scan3A_95 : i32 to index
      %swap3A_140 = arith.constant 96 : index
      %swap3A_141 = tpu.vector_load %arg8[%swap3A_138, %swap3A_139, %swap3A_140] {strides = array<i32>} : memref<2x128x128xf32, #tpu.memory_space<vmem>>, vector<1x1x16xf32>,
      %swap3A_142 = vector.shape_cast %swap3A_141 : vector<1x1x16xf32> to vector<16xf32>
      %swap3A_143 = vector.shape_cast %broadcast_in_dim3A_5 : vector<16xf32> to vector<1x1x16xf32>
      tpu.vector_store %arg8[%swap3A_138, %swap3A_139, %swap3A_140], %swap3A_143 {strides = array<i32>} : memref<2x128x128xf32, #tpu.memory_space<vmem>>, vector<1x1x16xf32>,
      %swap3A_144 = arith.constant 0 : i32
      %swap3A_145 = arith.index_cast %swap3A_144 : i32 to index
      %swap3A_146 = arith.index_cast %scan3A_95 : i32 to index
      %swap3A_147 = arith.constant 112 : index
      %swap3A_148 = tpu.vector_load %arg8[%swap3A_145, %swap3A_146, %swap3A_147] {strides = array<i32>} : memref<2x128x128xf32, #tpu.memory_space<vmem>>, vector<1x1x16xf32>,
      %swap3A_149 = vector.shape_cast %swap3A_148 : vector<1x1x16xf32> to vector<16xf32>
      %swap3A_150 = vector.shape_cast %broadcast_in_dim3A_5 : vector<16xf32> to vector<1x1x16xf32>
      tpu.vector_store %arg8[%swap3A_145, %swap3A_146, %swap3A_147], %swap3A_150 {strides = array<i32>} : memref<2x128x128xf32, #tpu.memory_space<vmem>>, vector<1x1x16xf32>,
    }
    %scan3A_10 = arith.constant 128 : i32
    %scan3A_11 = arith.constant 0 : i32
    %scan3A_12 = arith.constant 0 : i32
    %scan3A_13 = arith.constant 5 : i32
    %scan3A_14 = arith.addi %scan3A_12, %scan3A_13 : i32
    %scan3A_15 = arith.constant 1 : i32
    scf.for %scan3A_95 = %scan3A_12 to %scan3A_14 step %scan3A_15  : i32 {
      %mul3A_96 = arith.constant 640 : i32
      %mul3A_97 = arith.muli %arg1, %mul3A_96 : i32
      %mul3A_98 = arith.constant 128 : i32
      %mul3A_99 = arith.muli %scan3A_95, %mul3A_98 : i32
      %add3A_100 = arith.addi %mul3A_97, %mul3A_99 : i32
      %run_scoped3A = arith.constant 0 : i32
      "tpu.region"() ({
        %run_scoped3A_101 = tpu.sem_alloc : memref<!tpu.dma_semaphore, #tpu.memory_space<semaphore_mem>>
        %dma_start3A_102 = arith.constant 0 : i32
        %dma_start3A_103 = arith.constant 0 : i32
        %dma_start3A_104 = tpu.memref_slice %arg8[%run_scoped3A, %dma_start3A_102, %dma_start3A_103] : memref<2x128x128xf32, #tpu.memory_space<vmem>> -> memref<1x128x128xf32, #tpu.memory_space<vmem>>
        %dma_start3A_105 = tpu.memref_squeeze %dma_start3A_104 : memref<1x128x128xf32, #tpu.memory_space<vmem>> -> memref<128x128xf32, #tpu.memory_space<vmem>>
        %dma_start3A_106 = arith.constant 0 : i32
        %dma_start3A_107 = tpu.memref_slice %arg9[%add3A_100, %dma_start3A_106] : memref<10240x128xf32, #tpu.memory_space<vmem_shared>> -> memref<128x128xf32, #tpu.memory_space<vmem_shared>>
        %dma_start3A_108 = arith.constant 0 : i32
        %dma_start3A_109 = tpu.memref_slice %arg9[%add3A_100, %dma_start3A_108] : memref<10240x128xf32, #tpu.memory_space<vmem_shared>> -> memref<128x128xf32, #tpu.memory_space<vmem_shared>>
        %dma_start3A_110 = arith.constant 0 : i32
        %dma_start3A_111 = arith.constant 0 : i32
        %dma_start3A_112 = tpu.memref_slice %arg8[%run_scoped3A, %dma_start3A_110, %dma_start3A_111] : memref<2x128x128xf32, #tpu.memory_space<vmem>> -> memref<1x128x128xf32, #tpu.memory_space<vmem>>
        %dma_start3A_113 = tpu.memref_squeeze %dma_start3A_112 : memref<1x128x128xf32, #tpu.memory_space<vmem>> -> memref<128x128xf32, #tpu.memory_space<vmem>>
        tpu.enqueue_dma source(%dma_start3A_113 : memref<128x128xf32, #tpu.memory_space<vmem>>) target(%dma_start3A_109 : memref<128x128xf32, #tpu.memory_space<vmem_shared>>) target_semaphore(%run_scoped3A_101 : memref<!tpu.dma_semaphore, #tpu.memory_space<semaphore_mem>>)
        %dma_wait3A = arith.constant 0 : i32
        %dma_wait3A_114 = arith.constant 0 : i32
        %dma_wait3A_115 = tpu.memref_slice %arg8[%run_scoped3A, %dma_wait3A, %dma_wait3A_114] : memref<2x128x128xf32, #tpu.memory_space<vmem>> -> memref<1x128x128xf32, #tpu.memory_space<vmem>>
        %dma_wait3A_116 = tpu.memref_squeeze %dma_wait3A_115 : memref<1x128x128xf32, #tpu.memory_space<vmem>> -> memref<128x128xf32, #tpu.memory_space<vmem>>
        %dma_wait3A_117 = arith.constant 0 : i32
        %dma_wait3A_118 = tpu.memref_slice %arg9[%add3A_100, %dma_wait3A_117] : memref<10240x128xf32, #tpu.memory_space<vmem_shared>> -> memref<128x128xf32, #tpu.memory_space<vmem_shared>>
        %dma_wait3A_119 = arith.constant 0 : i32
        %dma_wait3A_120 = tpu.memref_slice %arg9[%add3A_100, %dma_wait3A_119] : memref<10240x128xf32, #tpu.memory_space<vmem_shared>> -> memref<128x128xf32, #tpu.memory_space<vmem_shared>>
        %dma_wait3A_121 = arith.constant 0 : i32
        %dma_wait3A_122 = arith.constant 0 : i32
        %dma_wait3A_123 = tpu.memref_slice %arg8[%run_scoped3A, %dma_wait3A_121, %dma_wait3A_122] : memref<2x128x128xf32, #tpu.memory_space<vmem>> -> memref<1x128x128xf32, #tpu.memory_space<vmem>>
        %dma_wait3A_124 = tpu.memref_squeeze %dma_wait3A_123 : memref<1x128x128xf32, #tpu.memory_space<vmem>> -> memref<128x128xf32, #tpu.memory_space<vmem>>
        tpu.wait_dma2 semaphore(%run_scoped3A_101 : memref<!tpu.dma_semaphore, #tpu.memory_space<semaphore_mem>>) src(%dma_wait3A_124 : memref<128x128xf32, #tpu.memory_space<vmem>>) dst(%dma_wait3A_120 : memref<128x128xf32, #tpu.memory_space<vmem_shared>>)
        tpu.yield
      }) : () -> ()
    }
    %scan3A_16 = arith.constant 5 : i32
    %barrier3A = arith.constant 0 : index
    tpu.barrier barrier_id(%barrier3A)
    %dma_start3A = arith.constant 0 : i32
    %dma_start3A_17 = arith.constant 0 : i32
    %dma_start3A_18 = arith.constant 0 : i32
    %dma_start3A_19 = arith.constant 0 : i32
    %dma_start3A_20 = tpu.memref_slice %arg8[%dma_start3A_17, %dma_start3A_18, %dma_start3A_19] : memref<2x128x128xf32, #tpu.memory_space<vmem>> -> memref<1x128x128xf32, #tpu.memory_space<vmem>>
    %dma_start3A_21 = tpu.memref_squeeze %dma_start3A_20 : memref<1x128x128xf32, #tpu.memory_space<vmem>> -> memref<128x128xf32, #tpu.memory_space<vmem>>
    %dma_start3A_22 = arith.constant 0 : i32
    %dma_start3A_23 = arith.constant 0 : i32
    %dma_start3A_24 = tpu.memref_slice %dma_start3A_21[%dma_start3A_22, %dma_start3A_23] : memref<128x128xf32, #tpu.memory_space<vmem>> -> memref<64x128xf32, #tpu.memory_space<vmem>>
    %dma_start3A_25 = arith.constant 0 : i32
    %dma_start3A_26 = tpu.memref_slice %arg6[%dma_start3A, %dma_start3A_25] : memref<40x128xi32, #tpu.memory_space<vmem>> -> memref<1x128xi32, #tpu.memory_space<vmem>>
    %dma_start3A_27 = tpu.memref_squeeze %dma_start3A_26 : memref<1x128xi32, #tpu.memory_space<vmem>> -> memref<128xi32, #tpu.memory_space<vmem>>
    %dma_start3A_28 = arith.constant 0 : i32
    %dma_start3A_29 = tpu.memref_slice %dma_start3A_27[%dma_start3A_28] : memref<128xi32, #tpu.memory_space<vmem>> -> memref<64xi32, #tpu.memory_space<vmem>>
    %dma_start3A_30 = arith.constant 0 : i32
    %dma_start3A_31 = arith.constant 0 : i32
    %dma_start3A_32 = tpu.memref_slice %arg2[%dma_start3A_30, %dma_start3A_31] : memref<10000x128xf32, #tpu.memory_space<hbm>> -> memref<10000x128xf32, #tpu.memory_space<hbm>>
    tpu.enqueue_indirect_dma source(%dma_start3A_32 : memref<10000x128xf32, #tpu.memory_space<hbm>>) target(%dma_start3A_24 : memref<64x128xf32, #tpu.memory_space<vmem>>) offsets(%dma_start3A_29 : memref<64xi32, #tpu.memory_space<vmem>>) semaphore(%arg10 : memref<!tpu.dma_semaphore, #tpu.memory_space<semaphore_mem>>)
    %dma_start3A_33 = arith.constant 0 : i32
    %dma_start3A_34 = arith.constant 0 : i32
    %dma_start3A_35 = arith.constant 0 : i32
    %dma_start3A_36 = arith.constant 0 : i32
    %dma_start3A_37 = tpu.memref_slice %arg8[%dma_start3A_34, %dma_start3A_35, %dma_start3A_36] : memref<2x128x128xf32, #tpu.memory_space<vmem>> -> memref<1x128x128xf32, #tpu.memory_space<vmem>>
    %dma_start3A_38 = tpu.memref_squeeze %dma_start3A_37 : memref<1x128x128xf32, #tpu.memory_space<vmem>> -> memref<128x128xf32, #tpu.memory_space<vmem>>
    %dma_start3A_39 = arith.constant 64 : i32
    %dma_start3A_40 = arith.constant 0 : i32
    %dma_start3A_41 = tpu.memref_slice %dma_start3A_38[%dma_start3A_39, %dma_start3A_40] : memref<128x128xf32, #tpu.memory_space<vmem>> -> memref<64x128xf32, #tpu.memory_space<vmem>>
    %dma_start3A_42 = arith.constant 0 : i32
    %dma_start3A_43 = tpu.memref_slice %arg6[%dma_start3A_33, %dma_start3A_42] : memref<40x128xi32, #tpu.memory_space<vmem>> -> memref<1x128xi32, #tpu.memory_space<vmem>>
    %dma_start3A_44 = tpu.memref_squeeze %dma_start3A_43 : memref<1x128xi32, #tpu.memory_space<vmem>> -> memref<128xi32, #tpu.memory_space<vmem>>
    %dma_start3A_45 = arith.constant 64 : i32
    %dma_start3A_46 = tpu.memref_slice %dma_start3A_44[%dma_start3A_45] : memref<128xi32, #tpu.memory_space<vmem>> -> memref<64xi32, #tpu.memory_space<vmem>>
    %dma_start3A_47 = arith.constant 0 : i32
    %dma_start3A_48 = arith.constant 0 : i32
    %dma_start3A_49 = tpu.memref_slice %arg2[%dma_start3A_47, %dma_start3A_48] : memref<10000x128xf32, #tpu.memory_space<hbm>> -> memref<10000x128xf32, #tpu.memory_space<hbm>>
    tpu.enqueue_indirect_dma source(%dma_start3A_49 : memref<10000x128xf32, #tpu.memory_space<hbm>>) target(%dma_start3A_41 : memref<64x128xf32, #tpu.memory_space<vmem>>) offsets(%dma_start3A_46 : memref<64xi32, #tpu.memory_space<vmem>>) semaphore(%arg11 : memref<!tpu.dma_semaphore, #tpu.memory_space<semaphore_mem>>)
    %dma_start3A_50 = arith.constant 1 : i32
    %dma_start3A_51 = arith.constant 1 : i32
    %dma_start3A_52 = arith.constant 0 : i32
    %dma_start3A_53 = arith.constant 0 : i32
    %dma_start3A_54 = tpu.memref_slice %arg8[%dma_start3A_51, %dma_start3A_52, %dma_start3A_53] : memref<2x128x128xf32, #tpu.memory_space<vmem>> -> memref<1x128x128xf32, #tpu.memory_space<vmem>>
    %dma_start3A_55 = tpu.memref_squeeze %dma_start3A_54 : memref<1x128x128xf32, #tpu.memory_space<vmem>> -> memref<128x128xf32, #tpu.memory_space<vmem>>
    %dma_start3A_56 = arith.constant 0 : i32
    %dma_start3A_57 = arith.constant 0 : i32
    %dma_start3A_58 = tpu.memref_slice %dma_start3A_55[%dma_start3A_56, %dma_start3A_57] : memref<128x128xf32, #tpu.memory_space<vmem>> -> memref<64x128xf32, #tpu.memory_space<vmem>>
    %dma_start3A_59 = arith.constant 0 : i32
    %dma_start3A_60 = tpu.memref_slice %arg6[%dma_start3A_50, %dma_start3A_59] : memref<40x128xi32, #tpu.memory_space<vmem>> -> memref<1x128xi32, #tpu.memory_space<vmem>>
    %dma_start3A_61 = tpu.memref_squeeze %dma_start3A_60 : memref<1x128xi32, #tpu.memory_space<vmem>> -> memref<128xi32, #tpu.memory_space<vmem>>
    %dma_start3A_62 = arith.constant 0 : i32
    %dma_start3A_63 = tpu.memref_slice %dma_start3A_61[%dma_start3A_62] : memref<128xi32, #tpu.memory_space<vmem>> -> memref<64xi32, #tpu.memory_space<vmem>>
    %dma_start3A_64 = arith.constant 0 : i32
    %dma_start3A_65 = arith.constant 0 : i32
    %dma_start3A_66 = tpu.memref_slice %arg2[%dma_start3A_64, %dma_start3A_65] : memref<10000x128xf32, #tpu.memory_space<hbm>> -> memref<10000x128xf32, #tpu.memory_space<hbm>>
    tpu.enqueue_indirect_dma source(%dma_start3A_66 : memref<10000x128xf32, #tpu.memory_space<hbm>>) target(%dma_start3A_58 : memref<64x128xf32, #tpu.memory_space<vmem>>) offsets(%dma_start3A_63 : memref<64xi32, #tpu.memory_space<vmem>>) semaphore(%arg12 : memref<!tpu.dma_semaphore, #tpu.memory_space<semaphore_mem>>)
    %dma_start3A_67 = arith.constant 1 : i32
    %dma_start3A_68 = arith.constant 1 : i32
    %dma_start3A_69 = arith.constant 0 : i32
    %dma_start3A_70 = arith.constant 0 : i32
    %dma_start3A_71 = tpu.memref_slice %arg8[%dma_start3A_68, %dma_start3A_69, %dma_start3A_70] : memref<2x128x128xf32, #tpu.memory_space<vmem>> -> memref<1x128x128xf32, #tpu.memory_space<vmem>>
    %dma_start3A_72 = tpu.memref_squeeze %dma_start3A_71 : memref<1x128x128xf32, #tpu.memory_space<vmem>> -> memref<128x128xf32, #tpu.memory_space<vmem>>
    %dma_start3A_73 = arith.constant 64 : i32
    %dma_start3A_74 = arith.constant 0 : i32
    %dma_start3A_75 = tpu.memref_slice %dma_start3A_72[%dma_start3A_73, %dma_start3A_74] : memref<128x128xf32, #tpu.memory_space<vmem>> -> memref<64x128xf32, #tpu.memory_space<vmem>>
    %dma_start3A_76 = arith.constant 0 : i32
    %dma_start3A_77 = tpu.memref_slice %arg6[%dma_start3A_67, %dma_start3A_76] : memref<40x128xi32, #tpu.memory_space<vmem>> -> memref<1x128xi32, #tpu.memory_space<vmem>>
    %dma_start3A_78 = tpu.memref_squeeze %dma_start3A_77 : memref<1x128xi32, #tpu.memory_space<vmem>> -> memref<128xi32, #tpu.memory_space<vmem>>
    %dma_start3A_79 = arith.constant 64 : i32
    %dma_start3A_80 = tpu.memref_slice %dma_start3A_78[%dma_start3A_79] : memref<128xi32, #tpu.memory_space<vmem>> -> memref<64xi32, #tpu.memory_space<vmem>>
    %dma_start3A_81 = arith.constant 0 : i32
    %dma_start3A_82 = arith.constant 0 : i32
    %dma_start3A_83 = tpu.memref_slice %arg2[%dma_start3A_81, %dma_start3A_82] : memref<10000x128xf32, #tpu.memory_space<hbm>> -> memref<10000x128xf32, #tpu.memory_space<hbm>>
    tpu.enqueue_indirect_dma source(%dma_start3A_83 : memref<10000x128xf32, #tpu.memory_space<hbm>>) target(%dma_start3A_75 : memref<64x128xf32, #tpu.memory_space<vmem>>) offsets(%dma_start3A_80 : memref<64xi32, #tpu.memory_space<vmem>>) semaphore(%arg13 : memref<!tpu.dma_semaphore, #tpu.memory_space<semaphore_mem>>)
    %scan3A_84 = arith.constant 0 : i32
    %scan3A_85 = arith.constant 0 : i32
    %scan3A_86 = arith.constant 20 : i32
    %scan3A_87 = arith.addi %scan3A_85, %scan3A_86 : i32
    %scan3A_88 = arith.constant 1 : i32
    scf.for %scan3A_95 = %scan3A_85 to %scan3A_87 step %scan3A_88  : i32 {
      %mul3A_96 = arith.constant 2 : i32
      %mul3A_97 = arith.muli %scan3A_95, %mul3A_96 : i32
      %dma_wait3A = arith.constant 0 : i32
      %dma_wait3A_98 = arith.constant 0 : i32
      %dma_wait3A_99 = arith.constant 0 : i32
      %dma_wait3A_100 = tpu.memref_slice %arg8[%dma_wait3A, %dma_wait3A_98, %dma_wait3A_99] : memref<2x128x128xf32, #tpu.memory_space<vmem>> -> memref<1x128x128xf32, #tpu.memory_space<vmem>>
      %dma_wait3A_101 = tpu.memref_squeeze %dma_wait3A_100 : memref<1x128x128xf32, #tpu.memory_space<vmem>> -> memref<128x128xf32, #tpu.memory_space<vmem>>
      %dma_wait3A_102 = arith.constant 0 : i32
      %dma_wait3A_103 = arith.constant 0 : i32
      %dma_wait3A_104 = tpu.memref_slice %dma_wait3A_101[%dma_wait3A_102, %dma_wait3A_103] : memref<128x128xf32, #tpu.memory_space<vmem>> -> memref<64x128xf32, #tpu.memory_space<vmem>>
      %dma_wait3A_105 = arith.constant 0 : i32
      %dma_wait3A_106 = arith.constant 0 : i32
      %dma_wait3A_107 = tpu.memref_slice %arg2[%dma_wait3A_105, %dma_wait3A_106] : memref<10000x128xf32, #tpu.memory_space<hbm>> -> memref<64x128xf32, #tpu.memory_space<hbm>>
      %dma_wait3A_108 = arith.constant 0 : i32
      %dma_wait3A_109 = arith.constant 0 : i32
      %dma_wait3A_110 = tpu.memref_slice %arg8[%dma_wait3A, %dma_wait3A_108, %dma_wait3A_109] : memref<2x128x128xf32, #tpu.memory_space<vmem>> -> memref<1x128x128xf32, #tpu.memory_space<vmem>>
      %dma_wait3A_111 = tpu.memref_squeeze %dma_wait3A_110 : memref<1x128x128xf32, #tpu.memory_space<vmem>> -> memref<128x128xf32, #tpu.memory_space<vmem>>
      %dma_wait3A_112 = arith.constant 0 : i32
      %dma_wait3A_113 = arith.constant 0 : i32
      %dma_wait3A_114 = tpu.memref_slice %dma_wait3A_111[%dma_wait3A_112, %dma_wait3A_113] : memref<128x128xf32, #tpu.memory_space<vmem>> -> memref<64x128xf32, #tpu.memory_space<vmem>>
      %dma_wait3A_115 = arith.constant 0 : i32
      %dma_wait3A_116 = arith.constant 0 : i32
      %dma_wait3A_117 = tpu.memref_slice %arg2[%dma_wait3A_115, %dma_wait3A_116] : memref<10000x128xf32, #tpu.memory_space<hbm>> -> memref<64x128xf32, #tpu.memory_space<hbm>>
      tpu.wait_dma2 semaphore(%arg10 : memref<!tpu.dma_semaphore, #tpu.memory_space<semaphore_mem>>) src(%dma_wait3A_117 : memref<64x128xf32, #tpu.memory_space<hbm>>) dst(%dma_wait3A_114 : memref<64x128xf32, #tpu.memory_space<vmem>>)
      %dma_wait3A_118 = arith.constant 0 : i32
      %dma_wait3A_119 = arith.constant 0 : i32
      %dma_wait3A_120 = arith.constant 0 : i32
      %dma_wait3A_121 = tpu.memref_slice %arg8[%dma_wait3A_118, %dma_wait3A_119, %dma_wait3A_120] : memref<2x128x128xf32, #tpu.memory_space<vmem>> -> memref<1x128x128xf32, #tpu.memory_space<vmem>>
      %dma_wait3A_122 = tpu.memref_squeeze %dma_wait3A_121 : memref<1x128x128xf32, #tpu.memory_space<vmem>> -> memref<128x128xf32, #tpu.memory_space<vmem>>
      %dma_wait3A_123 = arith.constant 64 : i32
      %dma_wait3A_124 = arith.constant 0 : i32
      %dma_wait3A_125 = tpu.memref_slice %dma_wait3A_122[%dma_wait3A_123, %dma_wait3A_124] : memref<128x128xf32, #tpu.memory_space<vmem>> -> memref<64x128xf32, #tpu.memory_space<vmem>>
      %dma_wait3A_126 = arith.constant 0 : i32
      %dma_wait3A_127 = arith.constant 0 : i32
      %dma_wait3A_128 = tpu.memref_slice %arg2[%dma_wait3A_126, %dma_wait3A_127] : memref<10000x128xf32, #tpu.memory_space<hbm>> -> memref<64x128xf32, #tpu.memory_space<hbm>>
      %dma_wait3A_129 = arith.constant 0 : i32
      %dma_wait3A_130 = arith.constant 0 : i32
      %dma_wait3A_131 = tpu.memref_slice %arg8[%dma_wait3A_118, %dma_wait3A_129, %dma_wait3A_130] : memref<2x128x128xf32, #tpu.memory_space<vmem>> -> memref<1x128x128xf32, #tpu.memory_space<vmem>>
      %dma_wait3A_132 = tpu.memref_squeeze %dma_wait3A_131 : memref<1x128x128xf32, #tpu.memory_space<vmem>> -> memref<128x128xf32, #tpu.memory_space<vmem>>
      %dma_wait3A_133 = arith.constant 64 : i32
      %dma_wait3A_134 = arith.constant 0 : i32
      %dma_wait3A_135 = tpu.memref_slice %dma_wait3A_132[%dma_wait3A_133, %dma_wait3A_134] : memref<128x128xf32, #tpu.memory_space<vmem>> -> memref<64x128xf32, #tpu.memory_space<vmem>>
      %dma_wait3A_136 = arith.constant 0 : i32
      %dma_wait3A_137 = arith.constant 0 : i32
      %dma_wait3A_138 = tpu.memref_slice %arg2[%dma_wait3A_136, %dma_wait3A_137] : memref<10000x128xf32, #tpu.memory_space<hbm>> -> memref<64x128xf32, #tpu.memory_space<hbm>>
      tpu.wait_dma2 semaphore(%arg11 : memref<!tpu.dma_semaphore, #tpu.memory_space<semaphore_mem>>) src(%dma_wait3A_138 : memref<64x128xf32, #tpu.memory_space<hbm>>) dst(%dma_wait3A_135 : memref<64x128xf32, #tpu.memory_space<vmem>>)
      %add3A_139 = arith.constant 0 : i32
      %add3A_140 = arith.addi %mul3A_97, %add3A_139 : i32
      %run_scoped3A = arith.constant 0 : i32
      "tpu.region"() ({
        %run_scoped3A_193 = tpu.sem_alloc : memref<!tpu.dma_semaphore, #tpu.memory_space<semaphore_mem>>
        %dma_start3A_194 = arith.constant 0 : i32
        %dma_start3A_195 = arith.constant 0 : i32
        %dma_start3A_196 = tpu.memref_slice %arg8[%run_scoped3A, %dma_start3A_194, %dma_start3A_195] : memref<2x128x128xf32, #tpu.memory_space<vmem>> -> memref<1x128x128xf32, #tpu.memory_space<vmem>>
        %dma_start3A_197 = tpu.memref_squeeze %dma_start3A_196 : memref<1x128x128xf32, #tpu.memory_space<vmem>> -> memref<128x128xf32, #tpu.memory_space<vmem>>
        %dma_start3A_198 = arith.constant 0 : i32
        %dma_start3A_199 = tpu.memref_slice %arg7[%add3A_140, %dma_start3A_198] : memref<40x128xi32, #tpu.memory_space<vmem>> -> memref<1x128xi32, #tpu.memory_space<vmem>>
        %dma_start3A_200 = tpu.memref_squeeze %dma_start3A_199 : memref<1x128xi32, #tpu.memory_space<vmem>> -> memref<128xi32, #tpu.memory_space<vmem>>
        %dma_start3A_201 = arith.constant 0 : i32
        %dma_start3A_202 = arith.constant 0 : i32
        %dma_start3A_203 = tpu.memref_slice %arg9[%dma_start3A_201, %dma_start3A_202] : memref<10240x128xf32, #tpu.memory_space<vmem_shared>> -> memref<10240x128xf32, #tpu.memory_space<vmem_shared>>
        tpu.enqueue_indirect_dma source(%dma_start3A_197 : memref<128x128xf32, #tpu.memory_space<vmem>>) target(%dma_start3A_203 : memref<10240x128xf32, #tpu.memory_space<vmem_shared>>) offsets(%dma_start3A_200 : memref<128xi32, #tpu.memory_space<vmem>>) semaphore(%run_scoped3A_193 : memref<!tpu.dma_semaphore, #tpu.memory_space<semaphore_mem>>) {add = true}
        %dma_wait3A_204 = arith.constant 0 : i32
        %dma_wait3A_205 = arith.constant 0 : i32
        %dma_wait3A_206 = tpu.memref_slice %arg8[%run_scoped3A, %dma_wait3A_204, %dma_wait3A_205] : memref<2x128x128xf32, #tpu.memory_space<vmem>> -> memref<1x128x128xf32, #tpu.memory_space<vmem>>
        %dma_wait3A_207 = tpu.memref_squeeze %dma_wait3A_206 : memref<1x128x128xf32, #tpu.memory_space<vmem>> -> memref<128x128xf32, #tpu.memory_space<vmem>>
        %dma_wait3A_208 = arith.constant 0 : i32
        %dma_wait3A_209 = tpu.memref_slice %arg7[%add3A_140, %dma_wait3A_208] : memref<40x128xi32, #tpu.memory_space<vmem>> -> memref<1x128xi32, #tpu.memory_space<vmem>>
        %dma_wait3A_210 = tpu.memref_squeeze %dma_wait3A_209 : memref<1x128xi32, #tpu.memory_space<vmem>> -> memref<128xi32, #tpu.memory_space<vmem>>
        %dma_wait3A_211 = arith.constant 0 : i32
        %dma_wait3A_212 = arith.constant 0 : i32
        %dma_wait3A_213 = tpu.memref_slice %arg9[%dma_wait3A_211, %dma_wait3A_212] : memref<10240x128xf32, #tpu.memory_space<vmem_shared>> -> memref<10240x128xf32, #tpu.memory_space<vmem_shared>>
        tpu.wait_indirect_dma semaphore(%run_scoped3A_193 : memref<!tpu.dma_semaphore, #tpu.memory_space<semaphore_mem>>) src(%dma_wait3A_207 : memref<128x128xf32, #tpu.memory_space<vmem>>) dst(%dma_wait3A_213 : memref<10240x128xf32, #tpu.memory_space<vmem_shared>>)
        tpu.yield
      }) : () -> ()
      %lt3A = arith.constant 19 : i32
      %lt3A_141 = arith.cmpi slt, %scan3A_95, %lt3A : i32
      %convert_element_type3A = arith.extui %lt3A_141 : i1 to i32
      %cond3A = arith.constant 0 : i32
      %cond3A_142 = arith.cmpi ne, %convert_element_type3A, %cond3A : i32
      scf.if %cond3A_142 {
        %add3A_193 = arith.constant 0 : i32
        %add3A_194 = arith.addi %mul3A_97, %add3A_193 : i32
        %add3A_195 = arith.constant 2 : i32
        %add3A_196 = arith.addi %add3A_194, %add3A_195 : i32
        %dma_start3A_197 = arith.constant 0 : i32
        %dma_start3A_198 = arith.constant 0 : i32
        %dma_start3A_199 = arith.constant 0 : i32
        %dma_start3A_200 = tpu.memref_slice %arg8[%dma_start3A_197, %dma_start3A_198, %dma_start3A_199] : memref<2x128x128xf32, #tpu.memory_space<vmem>> -> memref<1x128x128xf32, #tpu.memory_space<vmem>>
        %dma_start3A_201 = tpu.memref_squeeze %dma_start3A_200 : memref<1x128x128xf32, #tpu.memory_space<vmem>> -> memref<128x128xf32, #tpu.memory_space<vmem>>
        %dma_start3A_202 = arith.constant 0 : i32
        %dma_start3A_203 = arith.constant 0 : i32
        %dma_start3A_204 = tpu.memref_slice %dma_start3A_201[%dma_start3A_202, %dma_start3A_203] : memref<128x128xf32, #tpu.memory_space<vmem>> -> memref<64x128xf32, #tpu.memory_space<vmem>>
        %dma_start3A_205 = arith.constant 0 : i32
        %dma_start3A_206 = tpu.memref_slice %arg6[%add3A_196, %dma_start3A_205] : memref<40x128xi32, #tpu.memory_space<vmem>> -> memref<1x128xi32, #tpu.memory_space<vmem>>
        %dma_start3A_207 = tpu.memref_squeeze %dma_start3A_206 : memref<1x128xi32, #tpu.memory_space<vmem>> -> memref<128xi32, #tpu.memory_space<vmem>>
        %dma_start3A_208 = arith.constant 0 : i32
        %dma_start3A_209 = tpu.memref_slice %dma_start3A_207[%dma_start3A_208] : memref<128xi32, #tpu.memory_space<vmem>> -> memref<64xi32, #tpu.memory_space<vmem>>
        %dma_start3A_210 = arith.constant 0 : i32
        %dma_start3A_211 = arith.constant 0 : i32
        %dma_start3A_212 = tpu.memref_slice %arg2[%dma_start3A_210, %dma_start3A_211] : memref<10000x128xf32, #tpu.memory_space<hbm>> -> memref<10000x128xf32, #tpu.memory_space<hbm>>
        tpu.enqueue_indirect_dma source(%dma_start3A_212 : memref<10000x128xf32, #tpu.memory_space<hbm>>) target(%dma_start3A_204 : memref<64x128xf32, #tpu.memory_space<vmem>>) offsets(%dma_start3A_209 : memref<64xi32, #tpu.memory_space<vmem>>) semaphore(%arg10 : memref<!tpu.dma_semaphore, #tpu.memory_space<semaphore_mem>>)
        %dma_start3A_213 = arith.constant 0 : i32
        %dma_start3A_214 = arith.constant 0 : i32
        %dma_start3A_215 = arith.constant 0 : i32
        %dma_start3A_216 = tpu.memref_slice %arg8[%dma_start3A_213, %dma_start3A_214, %dma_start3A_215] : memref<2x128x128xf32, #tpu.memory_space<vmem>> -> memref<1x128x128xf32, #tpu.memory_space<vmem>>
        %dma_start3A_217 = tpu.memref_squeeze %dma_start3A_216 : memref<1x128x128xf32, #tpu.memory_space<vmem>> -> memref<128x128xf32, #tpu.memory_space<vmem>>
        %dma_start3A_218 = arith.constant 64 : i32
        %dma_start3A_219 = arith.constant 0 : i32
        %dma_start3A_220 = tpu.memref_slice %dma_start3A_217[%dma_start3A_218, %dma_start3A_219] : memref<128x128xf32, #tpu.memory_space<vmem>> -> memref<64x128xf32, #tpu.memory_space<vmem>>
        %dma_start3A_221 = arith.constant 0 : i32
        %dma_start3A_222 = tpu.memref_slice %arg6[%add3A_196, %dma_start3A_221] : memref<40x128xi32, #tpu.memory_space<vmem>> -> memref<1x128xi32, #tpu.memory_space<vmem>>
        %dma_start3A_223 = tpu.memref_squeeze %dma_start3A_222 : memref<1x128xi32, #tpu.memory_space<vmem>> -> memref<128xi32, #tpu.memory_space<vmem>>
        %dma_start3A_224 = arith.constant 64 : i32
        %dma_start3A_225 = tpu.memref_slice %dma_start3A_223[%dma_start3A_224] : memref<128xi32, #tpu.memory_space<vmem>> -> memref<64xi32, #tpu.memory_space<vmem>>
        %dma_start3A_226 = arith.constant 0 : i32
        %dma_start3A_227 = arith.constant 0 : i32
        %dma_start3A_228 = tpu.memref_slice %arg2[%dma_start3A_226, %dma_start3A_227] : memref<10000x128xf32, #tpu.memory_space<hbm>> -> memref<10000x128xf32, #tpu.memory_space<hbm>>
        tpu.enqueue_indirect_dma source(%dma_start3A_228 : memref<10000x128xf32, #tpu.memory_space<hbm>>) target(%dma_start3A_220 : memref<64x128xf32, #tpu.memory_space<vmem>>) offsets(%dma_start3A_225 : memref<64xi32, #tpu.memory_space<vmem>>) semaphore(%arg11 : memref<!tpu.dma_semaphore, #tpu.memory_space<semaphore_mem>>)
      } else {
      }
      %dma_wait3A_143 = arith.constant 1 : i32
      %dma_wait3A_144 = arith.constant 0 : i32
      %dma_wait3A_145 = arith.constant 0 : i32
      %dma_wait3A_146 = tpu.memref_slice %arg8[%dma_wait3A_143, %dma_wait3A_144, %dma_wait3A_145] : memref<2x128x128xf32, #tpu.memory_space<vmem>> -> memref<1x128x128xf32, #tpu.memory_space<vmem>>
      %dma_wait3A_147 = tpu.memref_squeeze %dma_wait3A_146 : memref<1x128x128xf32, #tpu.memory_space<vmem>> -> memref<128x128xf32, #tpu.memory_space<vmem>>
      %dma_wait3A_148 = arith.constant 0 : i32
      %dma_wait3A_149 = arith.constant 0 : i32
      %dma_wait3A_150 = tpu.memref_slice %dma_wait3A_147[%dma_wait3A_148, %dma_wait3A_149] : memref<128x128xf32, #tpu.memory_space<vmem>> -> memref<64x128xf32, #tpu.memory_space<vmem>>
      %dma_wait3A_151 = arith.constant 0 : i32
      %dma_wait3A_152 = arith.constant 0 : i32
      %dma_wait3A_153 = tpu.memref_slice %arg2[%dma_wait3A_151, %dma_wait3A_152] : memref<10000x128xf32, #tpu.memory_space<hbm>> -> memref<64x128xf32, #tpu.memory_space<hbm>>
      %dma_wait3A_154 = arith.constant 0 : i32
      %dma_wait3A_155 = arith.constant 0 : i32
      %dma_wait3A_156 = tpu.memref_slice %arg8[%dma_wait3A_143, %dma_wait3A_154, %dma_wait3A_155] : memref<2x128x128xf32, #tpu.memory_space<vmem>> -> memref<1x128x128xf32, #tpu.memory_space<vmem>>
      %dma_wait3A_157 = tpu.memref_squeeze %dma_wait3A_156 : memref<1x128x128xf32, #tpu.memory_space<vmem>> -> memref<128x128xf32, #tpu.memory_space<vmem>>
      %dma_wait3A_158 = arith.constant 0 : i32
      %dma_wait3A_159 = arith.constant 0 : i32
      %dma_wait3A_160 = tpu.memref_slice %dma_wait3A_157[%dma_wait3A_158, %dma_wait3A_159] : memref<128x128xf32, #tpu.memory_space<vmem>> -> memref<64x128xf32, #tpu.memory_space<vmem>>
      %dma_wait3A_161 = arith.constant 0 : i32
      %dma_wait3A_162 = arith.constant 0 : i32
      %dma_wait3A_163 = tpu.memref_slice %arg2[%dma_wait3A_161, %dma_wait3A_162] : memref<10000x128xf32, #tpu.memory_space<hbm>> -> memref<64x128xf32, #tpu.memory_space<hbm>>
      tpu.wait_dma2 semaphore(%arg12 : memref<!tpu.dma_semaphore, #tpu.memory_space<semaphore_mem>>) src(%dma_wait3A_163 : memref<64x128xf32, #tpu.memory_space<hbm>>) dst(%dma_wait3A_160 : memref<64x128xf32, #tpu.memory_space<vmem>>)
      %dma_wait3A_164 = arith.constant 1 : i32
      %dma_wait3A_165 = arith.constant 0 : i32
      %dma_wait3A_166 = arith.constant 0 : i32
      %dma_wait3A_167 = tpu.memref_slice %arg8[%dma_wait3A_164, %dma_wait3A_165, %dma_wait3A_166] : memref<2x128x128xf32, #tpu.memory_space<vmem>> -> memref<1x128x128xf32, #tpu.memory_space<vmem>>
      %dma_wait3A_168 = tpu.memref_squeeze %dma_wait3A_167 : memref<1x128x128xf32, #tpu.memory_space<vmem>> -> memref<128x128xf32, #tpu.memory_space<vmem>>
      %dma_wait3A_169 = arith.constant 64 : i32
      %dma_wait3A_170 = arith.constant 0 : i32
      %dma_wait3A_171 = tpu.memref_slice %dma_wait3A_168[%dma_wait3A_169, %dma_wait3A_170] : memref<128x128xf32, #tpu.memory_space<vmem>> -> memref<64x128xf32, #tpu.memory_space<vmem>>
      %dma_wait3A_172 = arith.constant 0 : i32
      %dma_wait3A_173 = arith.constant 0 : i32
      %dma_wait3A_174 = tpu.memref_slice %arg2[%dma_wait3A_172, %dma_wait3A_173] : memref<10000x128xf32, #tpu.memory_space<hbm>> -> memref<64x128xf32, #tpu.memory_space<hbm>>
      %dma_wait3A_175 = arith.constant 0 : i32
      %dma_wait3A_176 = arith.constant 0 : i32
      %dma_wait3A_177 = tpu.memref_slice %arg8[%dma_wait3A_164, %dma_wait3A_175, %dma_wait3A_176] : memref<2x128x128xf32, #tpu.memory_space<vmem>> -> memref<1x128x128xf32, #tpu.memory_space<vmem>>
      %dma_wait3A_178 = tpu.memref_squeeze %dma_wait3A_177 : memref<1x128x128xf32, #tpu.memory_space<vmem>> -> memref<128x128xf32, #tpu.memory_space<vmem>>
      %dma_wait3A_179 = arith.constant 64 : i32
      %dma_wait3A_180 = arith.constant 0 : i32
      %dma_wait3A_181 = tpu.memref_slice %dma_wait3A_178[%dma_wait3A_179, %dma_wait3A_180] : memref<128x128xf32, #tpu.memory_space<vmem>> -> memref<64x128xf32, #tpu.memory_space<vmem>>
      %dma_wait3A_182 = arith.constant 0 : i32
      %dma_wait3A_183 = arith.constant 0 : i32
      %dma_wait3A_184 = tpu.memref_slice %arg2[%dma_wait3A_182, %dma_wait3A_183] : memref<10000x128xf32, #tpu.memory_space<hbm>> -> memref<64x128xf32, #tpu.memory_space<hbm>>
      tpu.wait_dma2 semaphore(%arg13 : memref<!tpu.dma_semaphore, #tpu.memory_space<semaphore_mem>>) src(%dma_wait3A_184 : memref<64x128xf32, #tpu.memory_space<hbm>>) dst(%dma_wait3A_181 : memref<64x128xf32, #tpu.memory_space<vmem>>)
      %add3A_185 = arith.constant 1 : i32
      %add3A_186 = arith.addi %mul3A_97, %add3A_185 : i32
      %run_scoped3A_187 = arith.constant 1 : i32
      "tpu.region"() ({
        %run_scoped3A_193 = tpu.sem_alloc : memref<!tpu.dma_semaphore, #tpu.memory_space<semaphore_mem>>
        %dma_start3A_194 = arith.constant 0 : i32
        %dma_start3A_195 = arith.constant 0 : i32
        %dma_start3A_196 = tpu.memref_slice %arg8[%run_scoped3A_187, %dma_start3A_194, %dma_start3A_195] : memref<2x128x128xf32, #tpu.memory_space<vmem>> -> memref<1x128x128xf32, #tpu.memory_space<vmem>>
        %dma_start3A_197 = tpu.memref_squeeze %dma_start3A_196 : memref<1x128x128xf32, #tpu.memory_space<vmem>> -> memref<128x128xf32, #tpu.memory_space<vmem>>
        %dma_start3A_198 = arith.constant 0 : i32
        %dma_start3A_199 = tpu.memref_slice %arg7[%add3A_186, %dma_start3A_198] : memref<40x128xi32, #tpu.memory_space<vmem>> -> memref<1x128xi32, #tpu.memory_space<vmem>>
        %dma_start3A_200 = tpu.memref_squeeze %dma_start3A_199 : memref<1x128xi32, #tpu.memory_space<vmem>> -> memref<128xi32, #tpu.memory_space<vmem>>
        %dma_start3A_201 = arith.constant 0 : i32
        %dma_start3A_202 = arith.constant 0 : i32
        %dma_start3A_203 = tpu.memref_slice %arg9[%dma_start3A_201, %dma_start3A_202] : memref<10240x128xf32, #tpu.memory_space<vmem_shared>> -> memref<10240x128xf32, #tpu.memory_space<vmem_shared>>
        tpu.enqueue_indirect_dma source(%dma_start3A_197 : memref<128x128xf32, #tpu.memory_space<vmem>>) target(%dma_start3A_203 : memref<10240x128xf32, #tpu.memory_space<vmem_shared>>) offsets(%dma_start3A_200 : memref<128xi32, #tpu.memory_space<vmem>>) semaphore(%run_scoped3A_193 : memref<!tpu.dma_semaphore, #tpu.memory_space<semaphore_mem>>) {add = true}
        %dma_wait3A_204 = arith.constant 0 : i32
        %dma_wait3A_205 = arith.constant 0 : i32
        %dma_wait3A_206 = tpu.memref_slice %arg8[%run_scoped3A_187, %dma_wait3A_204, %dma_wait3A_205] : memref<2x128x128xf32, #tpu.memory_space<vmem>> -> memref<1x128x128xf32, #tpu.memory_space<vmem>>
        %dma_wait3A_207 = tpu.memref_squeeze %dma_wait3A_206 : memref<1x128x128xf32, #tpu.memory_space<vmem>> -> memref<128x128xf32, #tpu.memory_space<vmem>>
        %dma_wait3A_208 = arith.constant 0 : i32
        %dma_wait3A_209 = tpu.memref_slice %arg7[%add3A_186, %dma_wait3A_208] : memref<40x128xi32, #tpu.memory_space<vmem>> -> memref<1x128xi32, #tpu.memory_space<vmem>>
        %dma_wait3A_210 = tpu.memref_squeeze %dma_wait3A_209 : memref<1x128xi32, #tpu.memory_space<vmem>> -> memref<128xi32, #tpu.memory_space<vmem>>
        %dma_wait3A_211 = arith.constant 0 : i32
        %dma_wait3A_212 = arith.constant 0 : i32
        %dma_wait3A_213 = tpu.memref_slice %arg9[%dma_wait3A_211, %dma_wait3A_212] : memref<10240x128xf32, #tpu.memory_space<vmem_shared>> -> memref<10240x128xf32, #tpu.memory_space<vmem_shared>>
        tpu.wait_indirect_dma semaphore(%run_scoped3A_193 : memref<!tpu.dma_semaphore, #tpu.memory_space<semaphore_mem>>) src(%dma_wait3A_207 : memref<128x128xf32, #tpu.memory_space<vmem>>) dst(%dma_wait3A_213 : memref<10240x128xf32, #tpu.memory_space<vmem_shared>>)
        tpu.yield
      }) : () -> ()
      %lt3A_188 = arith.constant 19 : i32
      %lt3A_189 = arith.cmpi slt, %scan3A_95, %lt3A_188 : i32
      %convert_element_type3A_190 = arith.extui %lt3A_189 : i1 to i32
      %cond3A_191 = arith.constant 0 : i32
      %cond3A_192 = arith.cmpi ne, %convert_element_type3A_190, %cond3A_191 : i32
      scf.if %cond3A_192 {
        %add3A_193 = arith.constant 1 : i32
        %add3A_194 = arith.addi %mul3A_97, %add3A_193 : i32
        %add3A_195 = arith.constant 2 : i32
        %add3A_196 = arith.addi %add3A_194, %add3A_195 : i32
        %dma_start3A_197 = arith.constant 1 : i32
        %dma_start3A_198 = arith.constant 0 : i32
        %dma_start3A_199 = arith.constant 0 : i32
        %dma_start3A_200 = tpu.memref_slice %arg8[%dma_start3A_197, %dma_start3A_198, %dma_start3A_199] : memref<2x128x128xf32, #tpu.memory_space<vmem>> -> memref<1x128x128xf32, #tpu.memory_space<vmem>>
        %dma_start3A_201 = tpu.memref_squeeze %dma_start3A_200 : memref<1x128x128xf32, #tpu.memory_space<vmem>> -> memref<128x128xf32, #tpu.memory_space<vmem>>
        %dma_start3A_202 = arith.constant 0 : i32
        %dma_start3A_203 = arith.constant 0 : i32
        %dma_start3A_204 = tpu.memref_slice %dma_start3A_201[%dma_start3A_202, %dma_start3A_203] : memref<128x128xf32, #tpu.memory_space<vmem>> -> memref<64x128xf32, #tpu.memory_space<vmem>>
        %dma_start3A_205 = arith.constant 0 : i32
        %dma_start3A_206 = tpu.memref_slice %arg6[%add3A_196, %dma_start3A_205] : memref<40x128xi32, #tpu.memory_space<vmem>> -> memref<1x128xi32, #tpu.memory_space<vmem>>
        %dma_start3A_207 = tpu.memref_squeeze %dma_start3A_206 : memref<1x128xi32, #tpu.memory_space<vmem>> -> memref<128xi32, #tpu.memory_space<vmem>>
        %dma_start3A_208 = arith.constant 0 : i32
        %dma_start3A_209 = tpu.memref_slice %dma_start3A_207[%dma_start3A_208] : memref<128xi32, #tpu.memory_space<vmem>> -> memref<64xi32, #tpu.memory_space<vmem>>
        %dma_start3A_210 = arith.constant 0 : i32
        %dma_start3A_211 = arith.constant 0 : i32
        %dma_start3A_212 = tpu.memref_slice %arg2[%dma_start3A_210, %dma_start3A_211] : memref<10000x128xf32, #tpu.memory_space<hbm>> -> memref<10000x128xf32, #tpu.memory_space<hbm>>
        tpu.enqueue_indirect_dma source(%dma_start3A_212 : memref<10000x128xf32, #tpu.memory_space<hbm>>) target(%dma_start3A_204 : memref<64x128xf32, #tpu.memory_space<vmem>>) offsets(%dma_start3A_209 : memref<64xi32, #tpu.memory_space<vmem>>) semaphore(%arg12 : memref<!tpu.dma_semaphore, #tpu.memory_space<semaphore_mem>>)
        %dma_start3A_213 = arith.constant 1 : i32
        %dma_start3A_214 = arith.constant 0 : i32
        %dma_start3A_215 = arith.constant 0 : i32
        %dma_start3A_216 = tpu.memref_slice %arg8[%dma_start3A_213, %dma_start3A_214, %dma_start3A_215] : memref<2x128x128xf32, #tpu.memory_space<vmem>> -> memref<1x128x128xf32, #tpu.memory_space<vmem>>
        %dma_start3A_217 = tpu.memref_squeeze %dma_start3A_216 : memref<1x128x128xf32, #tpu.memory_space<vmem>> -> memref<128x128xf32, #tpu.memory_space<vmem>>
        %dma_start3A_218 = arith.constant 64 : i32
        %dma_start3A_219 = arith.constant 0 : i32
        %dma_start3A_220 = tpu.memref_slice %dma_start3A_217[%dma_start3A_218, %dma_start3A_219] : memref<128x128xf32, #tpu.memory_space<vmem>> -> memref<64x128xf32, #tpu.memory_space<vmem>>
        %dma_start3A_221 = arith.constant 0 : i32
        %dma_start3A_222 = tpu.memref_slice %arg6[%add3A_196, %dma_start3A_221] : memref<40x128xi32, #tpu.memory_space<vmem>> -> memref<1x128xi32, #tpu.memory_space<vmem>>
        %dma_start3A_223 = tpu.memref_squeeze %dma_start3A_222 : memref<1x128xi32, #tpu.memory_space<vmem>> -> memref<128xi32, #tpu.memory_space<vmem>>
        %dma_start3A_224 = arith.constant 64 : i32
        %dma_start3A_225 = tpu.memref_slice %dma_start3A_223[%dma_start3A_224] : memref<128xi32, #tpu.memory_space<vmem>> -> memref<64xi32, #tpu.memory_space<vmem>>
        %dma_start3A_226 = arith.constant 0 : i32
        %dma_start3A_227 = arith.constant 0 : i32
        %dma_start3A_228 = tpu.memref_slice %arg2[%dma_start3A_226, %dma_start3A_227] : memref<10000x128xf32, #tpu.memory_space<hbm>> -> memref<10000x128xf32, #tpu.memory_space<hbm>>
        tpu.enqueue_indirect_dma source(%dma_start3A_228 : memref<10000x128xf32, #tpu.memory_space<hbm>>) target(%dma_start3A_220 : memref<64x128xf32, #tpu.memory_space<vmem>>) offsets(%dma_start3A_225 : memref<64xi32, #tpu.memory_space<vmem>>) semaphore(%arg13 : memref<!tpu.dma_semaphore, #tpu.memory_space<semaphore_mem>>)
      } else {
      }
    }
    %scan3A_89 = arith.constant 20 : i32
    %barrier3A_90 = arith.constant 0 : index
    tpu.barrier barrier_id(%barrier3A_90)
    %mul3A_91 = arith.constant 640 : i32
    %mul3A_92 = arith.muli %arg1, %mul3A_91 : i32
    %mul3A_93 = arith.constant 640 : i32
    %mul3A_94 = arith.muli %arg1, %mul3A_93 : i32
    "tpu.region"() ({
      %run_scoped3A = tpu.sem_alloc : memref<!tpu.dma_semaphore, #tpu.memory_space<semaphore_mem>>
      %dma_start3A_95 = arith.constant 0 : i32
      %dma_start3A_96 = tpu.memref_slice %arg5[%arg0, %mul3A_94, %dma_start3A_95] : memref<2x10240x128xf32, #tpu.memory_space<hbm>> -> memref<1x640x128xf32, #tpu.memory_space<hbm>>
      %dma_start3A_97 = tpu.memref_squeeze %dma_start3A_96 : memref<1x640x128xf32, #tpu.memory_space<hbm>> -> memref<640x128xf32, #tpu.memory_space<hbm>>
      %dma_start3A_98 = arith.constant 0 : i32
      %dma_start3A_99 = tpu.memref_slice %arg9[%mul3A_92, %dma_start3A_98] : memref<10240x128xf32, #tpu.memory_space<vmem_shared>> -> memref<640x128xf32, #tpu.memory_space<vmem_shared>>
      tpu.enqueue_dma source(%dma_start3A_99 : memref<640x128xf32, #tpu.memory_space<vmem_shared>>) target(%dma_start3A_97 : memref<640x128xf32, #tpu.memory_space<hbm>>) target_semaphore(%run_scoped3A : memref<!tpu.dma_semaphore, #tpu.memory_space<semaphore_mem>>)
      %dma_wait3A = arith.constant 0 : i32
      %dma_wait3A_100 = tpu.memref_slice %arg5[%arg0, %mul3A_94, %dma_wait3A] : memref<2x10240x128xf32, #tpu.memory_space<hbm>> -> memref<1x640x128xf32, #tpu.memory_space<hbm>>
      %dma_wait3A_101 = tpu.memref_squeeze %dma_wait3A_100 : memref<1x640x128xf32, #tpu.memory_space<hbm>> -> memref<640x128xf32, #tpu.memory_space<hbm>>
      %dma_wait3A_102 = arith.constant 0 : i32
      %dma_wait3A_103 = tpu.memref_slice %arg9[%mul3A_92, %dma_wait3A_102] : memref<10240x128xf32, #tpu.memory_space<vmem_shared>> -> memref<640x128xf32, #tpu.memory_space<vmem_shared>>
      tpu.wait_dma2 semaphore(%run_scoped3A : memref<!tpu.dma_semaphore, #tpu.memory_space<semaphore_mem>>) src(%dma_wait3A_103 : memref<640x128xf32, #tpu.memory_space<vmem_shared>>) dst(%dma_wait3A_101 : memref<640x128xf32, #tpu.memory_space<hbm>>)
      tpu.yield
    }) : () -> ()
    return
  }
}

#map = affine_map<(d0, d1) -> (0)>
#map1 = affine_map<(d0, d1) -> (0, 0)>
module attributes {stable_mosaic.version = 14 : i64} {
  func.func @_deg_body(%arg0: i32, %arg1: i32, %arg2: memref<320000xi32, #tpu.memory_space<hbm>>, %arg3: memref<32x10240xf32, #tpu.memory_space<hbm>>, %arg4: memref<163840xi32, #tpu.memory_space<hbm>>, %arg5: memref<163840xi32, #tpu.memory_space<hbm>>, %arg6: memref<5120xi32, #tpu.memory_space<vmem>>, %arg7: memref<5120xi32, #tpu.memory_space<vmem>>, %arg8: memref<10240xf32, #tpu.memory_space<vmem>>) attributes {dimension_semantics = [#tpu.dimension_semantics<core_parallel>, #tpu.dimension_semantics<subcore_parallel>], iteration_bounds = array<i64: 2, 16>, scalar_prefetch = 0 : i64, scratch_operands = 3 : i64, tpu.core_type = #tpu.core_type<sc_vector_subcore>, window_params = [{transform_indices = #map}, {transform_indices = #map1}, {transform_indices = #map}, {transform_indices = #map}]} {
    %mul3A = arith.constant 2 : i32
    %mul3A_0 = arith.muli %arg1, %mul3A : i32
    %add3A = arith.addi %mul3A_0, %arg0 : i32
    %broadcast_in_dim3A = arith.constant 0 : i32
    %broadcast_in_dim3A_1 = vector.broadcast %broadcast_in_dim3A : i32 to vector<16xi32>
    %broadcast_in_dim3A_2 = arith.constant 10000 : i32
    %broadcast_in_dim3A_3 = vector.broadcast %broadcast_in_dim3A_2 : i32 to vector<16xi32>
    %scan3A = arith.constant 0 : i32
    %scan3A_4 = arith.constant 0 : i32
    %scan3A_5 = arith.constant 8 : i32
    %scan3A_6 = arith.addi %scan3A_4, %scan3A_5 : i32
    %scan3A_7 = arith.constant 1 : i32
    scf.for %scan3A_35 = %scan3A_4 to %scan3A_6 step %scan3A_7  : i32 {
      %mul3A_36 = arith.constant 16 : i32
      %mul3A_37 = arith.muli %scan3A_35, %mul3A_36 : i32
      %add3A_38 = arith.constant 4992 : i32
      %add3A_39 = arith.addi %add3A_38, %mul3A_37 : i32
      %swap3A = arith.index_cast %add3A_39 : i32 to index
      %swap3A_40 = tpu.vector_load %arg6[%swap3A] {strides = array<i32>} : memref<5120xi32, #tpu.memory_space<vmem>>, vector<16xi32>,
      tpu.vector_store %arg6[%swap3A], %broadcast_in_dim3A_1 {strides = array<i32>} : memref<5120xi32, #tpu.memory_space<vmem>>, vector<16xi32>,
      %mul3A_41 = arith.constant 16 : i32
      %mul3A_42 = arith.muli %scan3A_35, %mul3A_41 : i32
      %add3A_43 = arith.constant 4992 : i32
      %add3A_44 = arith.addi %add3A_43, %mul3A_42 : i32
      %swap3A_45 = arith.index_cast %add3A_44 : i32 to index
      %swap3A_46 = tpu.vector_load %arg7[%swap3A_45] {strides = array<i32>} : memref<5120xi32, #tpu.memory_space<vmem>>, vector<16xi32>,
      tpu.vector_store %arg7[%swap3A_45], %broadcast_in_dim3A_3 {strides = array<i32>} : memref<5120xi32, #tpu.memory_space<vmem>>, vector<16xi32>,
    }
    %scan3A_8 = arith.constant 8 : i32
    %mul3A_9 = arith.constant 5000 : i32
    %mul3A_10 = arith.muli %add3A, %mul3A_9 : i32
    "tpu.region"() ({
      %run_scoped3A = tpu.sem_alloc : memref<!tpu.dma_semaphore, #tpu.memory_space<semaphore_mem>>
      %dma_start3A = arith.constant 0 : i32
      %dma_start3A_35 = tpu.memref_slice %arg6[%dma_start3A] : memref<5120xi32, #tpu.memory_space<vmem>> -> memref<5000xi32, #tpu.memory_space<vmem>>
      %dma_start3A_36 = tpu.memref_slice %arg2[%mul3A_10] : memref<320000xi32, #tpu.memory_space<hbm>> -> memref<5000xi32, #tpu.memory_space<hbm>>
      %dma_start3A_37 = arith.constant 0 : i32
      %dma_start3A_38 = tpu.memref_slice %arg6[%dma_start3A_37] : memref<5120xi32, #tpu.memory_space<vmem>> -> memref<5000xi32, #tpu.memory_space<vmem>>
      %dma_start3A_39 = tpu.memref_slice %arg2[%mul3A_10] : memref<320000xi32, #tpu.memory_space<hbm>> -> memref<5000xi32, #tpu.memory_space<hbm>>
      tpu.enqueue_dma source(%dma_start3A_39 : memref<5000xi32, #tpu.memory_space<hbm>>) target(%dma_start3A_38 : memref<5000xi32, #tpu.memory_space<vmem>>) target_semaphore(%run_scoped3A : memref<!tpu.dma_semaphore, #tpu.memory_space<semaphore_mem>>)
      %dma_wait3A = arith.constant 0 : i32
      %dma_wait3A_40 = tpu.memref_slice %arg6[%dma_wait3A] : memref<5120xi32, #tpu.memory_space<vmem>> -> memref<5000xi32, #tpu.memory_space<vmem>>
      %dma_wait3A_41 = tpu.memref_slice %arg2[%mul3A_10] : memref<320000xi32, #tpu.memory_space<hbm>> -> memref<5000xi32, #tpu.memory_space<hbm>>
      %dma_wait3A_42 = arith.constant 0 : i32
      %dma_wait3A_43 = tpu.memref_slice %arg6[%dma_wait3A_42] : memref<5120xi32, #tpu.memory_space<vmem>> -> memref<5000xi32, #tpu.memory_space<vmem>>
      %dma_wait3A_44 = tpu.memref_slice %arg2[%mul3A_10] : memref<320000xi32, #tpu.memory_space<hbm>> -> memref<5000xi32, #tpu.memory_space<hbm>>
      tpu.wait_dma2 semaphore(%run_scoped3A : memref<!tpu.dma_semaphore, #tpu.memory_space<semaphore_mem>>) src(%dma_wait3A_44 : memref<5000xi32, #tpu.memory_space<hbm>>) dst(%dma_wait3A_43 : memref<5000xi32, #tpu.memory_space<vmem>>)
      tpu.yield
    }) : () -> ()
    %mul3A_11 = arith.constant 5000 : i32
    %mul3A_12 = arith.muli %add3A, %mul3A_11 : i32
    %add3A_13 = arith.constant 160000 : i32
    %add3A_14 = arith.addi %add3A_13, %mul3A_12 : i32
    "tpu.region"() ({
      %run_scoped3A = tpu.sem_alloc : memref<!tpu.dma_semaphore, #tpu.memory_space<semaphore_mem>>
      %dma_start3A = arith.constant 0 : i32
      %dma_start3A_35 = tpu.memref_slice %arg7[%dma_start3A] : memref<5120xi32, #tpu.memory_space<vmem>> -> memref<5000xi32, #tpu.memory_space<vmem>>
      %dma_start3A_36 = tpu.memref_slice %arg2[%add3A_14] : memref<320000xi32, #tpu.memory_space<hbm>> -> memref<5000xi32, #tpu.memory_space<hbm>>
      %dma_start3A_37 = arith.constant 0 : i32
      %dma_start3A_38 = tpu.memref_slice %arg7[%dma_start3A_37] : memref<5120xi32, #tpu.memory_space<vmem>> -> memref<5000xi32, #tpu.memory_space<vmem>>
      %dma_start3A_39 = tpu.memref_slice %arg2[%add3A_14] : memref<320000xi32, #tpu.memory_space<hbm>> -> memref<5000xi32, #tpu.memory_space<hbm>>
      tpu.enqueue_dma source(%dma_start3A_39 : memref<5000xi32, #tpu.memory_space<hbm>>) target(%dma_start3A_38 : memref<5000xi32, #tpu.memory_space<vmem>>) target_semaphore(%run_scoped3A : memref<!tpu.dma_semaphore, #tpu.memory_space<semaphore_mem>>)
      %dma_wait3A = arith.constant 0 : i32
      %dma_wait3A_40 = tpu.memref_slice %arg7[%dma_wait3A] : memref<5120xi32, #tpu.memory_space<vmem>> -> memref<5000xi32, #tpu.memory_space<vmem>>
      %dma_wait3A_41 = tpu.memref_slice %arg2[%add3A_14] : memref<320000xi32, #tpu.memory_space<hbm>> -> memref<5000xi32, #tpu.memory_space<hbm>>
      %dma_wait3A_42 = arith.constant 0 : i32
      %dma_wait3A_43 = tpu.memref_slice %arg7[%dma_wait3A_42] : memref<5120xi32, #tpu.memory_space<vmem>> -> memref<5000xi32, #tpu.memory_space<vmem>>
      %dma_wait3A_44 = tpu.memref_slice %arg2[%add3A_14] : memref<320000xi32, #tpu.memory_space<hbm>> -> memref<5000xi32, #tpu.memory_space<hbm>>
      tpu.wait_dma2 semaphore(%run_scoped3A : memref<!tpu.dma_semaphore, #tpu.memory_space<semaphore_mem>>) src(%dma_wait3A_44 : memref<5000xi32, #tpu.memory_space<hbm>>) dst(%dma_wait3A_43 : memref<5000xi32, #tpu.memory_space<vmem>>)
      tpu.yield
    }) : () -> ()
    %broadcast_in_dim3A_15 = arith.constant 0.000000e+00 : f32
    %broadcast_in_dim3A_16 = vector.broadcast %broadcast_in_dim3A_15 : f32 to vector<16xf32>
    %broadcast_in_dim3A_17 = arith.constant 1.000000e+00 : f32
    %broadcast_in_dim3A_18 = vector.broadcast %broadcast_in_dim3A_17 : f32 to vector<16xf32>
    %scan3A_19 = arith.constant 0 : i32
    %scan3A_20 = arith.constant 0 : i32
    %scan3A_21 = arith.constant 640 : i32
    %scan3A_22 = arith.addi %scan3A_20, %scan3A_21 : i32
    %scan3A_23 = arith.constant 1 : i32
    scf.for %scan3A_35 = %scan3A_20 to %scan3A_22 step %scan3A_23  : i32 {
      %mul3A_36 = arith.constant 16 : i32
      %mul3A_37 = arith.muli %scan3A_35, %mul3A_36 : i32
      %swap3A = arith.index_cast %mul3A_37 : i32 to index
      %swap3A_38 = tpu.vector_load %arg8[%swap3A] {strides = array<i32>} : memref<10240xf32, #tpu.memory_space<vmem>>, vector<16xf32>,
      tpu.vector_store %arg8[%swap3A], %broadcast_in_dim3A_16 {strides = array<i32>} : memref<10240xf32, #tpu.memory_space<vmem>>, vector<16xf32>,
    }
    %scan3A_24 = arith.constant 640 : i32
    %scan3A_25 = arith.constant 0 : i32
    %scan3A_26 = arith.constant 0 : i32
    %scan3A_27 = arith.constant 320 : i32
    %scan3A_28 = arith.addi %scan3A_26, %scan3A_27 : i32
    %scan3A_29 = arith.constant 1 : i32
    scf.for %scan3A_35 = %scan3A_26 to %scan3A_28 step %scan3A_29  : i32 {
      %mul3A_36 = arith.constant 16 : i32
      %mul3A_37 = arith.muli %scan3A_35, %mul3A_36 : i32
      %get3A = arith.index_cast %mul3A_37 : i32 to index
      %get3A_38 = tpu.vector_load %arg7[%get3A] {strides = array<i32>} : memref<5120xi32, #tpu.memory_space<vmem>>, vector<16xi32>,
      tpu.vector_store_idx %arg8[%get3A_38], %broadcast_in_dim3A_18 {add = true} : memref<10240xf32, #tpu.memory_space<vmem>>[vector<16xi32>], vector<16xf32>,
    }
    %scan3A_30 = arith.constant 320 : i32
    "tpu.region"() ({
      %run_scoped3A = tpu.sem_alloc : memref<!tpu.dma_semaphore, #tpu.memory_space<semaphore_mem>>
      %dma_start3A = arith.constant 0 : i32
      %dma_start3A_35 = tpu.memref_slice %arg3[%add3A, %dma_start3A] : memref<32x10240xf32, #tpu.memory_space<hbm>> -> memref<1x10240xf32, #tpu.memory_space<hbm>>
      %dma_start3A_36 = tpu.memref_squeeze %dma_start3A_35 : memref<1x10240xf32, #tpu.memory_space<hbm>> -> memref<10240xf32, #tpu.memory_space<hbm>>
      %dma_start3A_37 = arith.constant 0 : i32
      %dma_start3A_38 = tpu.memref_slice %arg3[%add3A, %dma_start3A_37] : memref<32x10240xf32, #tpu.memory_space<hbm>> -> memref<1x10240xf32, #tpu.memory_space<hbm>>
      %dma_start3A_39 = tpu.memref_squeeze %dma_start3A_38 : memref<1x10240xf32, #tpu.memory_space<hbm>> -> memref<10240xf32, #tpu.memory_space<hbm>>
      tpu.enqueue_dma source(%arg8 : memref<10240xf32, #tpu.memory_space<vmem>>) target(%dma_start3A_39 : memref<10240xf32, #tpu.memory_space<hbm>>) target_semaphore(%run_scoped3A : memref<!tpu.dma_semaphore, #tpu.memory_space<semaphore_mem>>)
      %dma_wait3A = arith.constant 0 : i32
      %dma_wait3A_40 = tpu.memref_slice %arg3[%add3A, %dma_wait3A] : memref<32x10240xf32, #tpu.memory_space<hbm>> -> memref<1x10240xf32, #tpu.memory_space<hbm>>
      %dma_wait3A_41 = tpu.memref_squeeze %dma_wait3A_40 : memref<1x10240xf32, #tpu.memory_space<hbm>> -> memref<10240xf32, #tpu.memory_space<hbm>>
      %dma_wait3A_42 = arith.constant 0 : i32
      %dma_wait3A_43 = tpu.memref_slice %arg3[%add3A, %dma_wait3A_42] : memref<32x10240xf32, #tpu.memory_space<hbm>> -> memref<1x10240xf32, #tpu.memory_space<hbm>>
      %dma_wait3A_44 = tpu.memref_squeeze %dma_wait3A_43 : memref<1x10240xf32, #tpu.memory_space<hbm>> -> memref<10240xf32, #tpu.memory_space<hbm>>
      tpu.wait_dma2 semaphore(%run_scoped3A : memref<!tpu.dma_semaphore, #tpu.memory_space<semaphore_mem>>) src(%arg8 : memref<10240xf32, #tpu.memory_space<vmem>>) dst(%dma_wait3A_44 : memref<10240xf32, #tpu.memory_space<hbm>>)
      tpu.yield
    }) : () -> ()
    %mul3A_31 = arith.constant 5120 : i32
    %mul3A_32 = arith.muli %add3A, %mul3A_31 : i32
    "tpu.region"() ({
      %run_scoped3A = tpu.sem_alloc : memref<!tpu.dma_semaphore, #tpu.memory_space<semaphore_mem>>
      %dma_start3A = tpu.memref_slice %arg4[%mul3A_32] : memref<163840xi32, #tpu.memory_space<hbm>> -> memref<5120xi32, #tpu.memory_space<hbm>>
      %dma_start3A_35 = tpu.memref_slice %arg4[%mul3A_32] : memref<163840xi32, #tpu.memory_space<hbm>> -> memref<5120xi32, #tpu.memory_space<hbm>>
      tpu.enqueue_dma source(%arg6 : memref<5120xi32, #tpu.memory_space<vmem>>) target(%dma_start3A_35 : memref<5120xi32, #tpu.memory_space<hbm>>) target_semaphore(%run_scoped3A : memref<!tpu.dma_semaphore, #tpu.memory_space<semaphore_mem>>)
      %dma_wait3A = tpu.memref_slice %arg4[%mul3A_32] : memref<163840xi32, #tpu.memory_space<hbm>> -> memref<5120xi32, #tpu.memory_space<hbm>>
      %dma_wait3A_36 = tpu.memref_slice %arg4[%mul3A_32] : memref<163840xi32, #tpu.memory_space<hbm>> -> memref<5120xi32, #tpu.memory_space<hbm>>
      tpu.wait_dma2 semaphore(%run_scoped3A : memref<!tpu.dma_semaphore, #tpu.memory_space<semaphore_mem>>) src(%arg6 : memref<5120xi32, #tpu.memory_space<vmem>>) dst(%dma_wait3A_36 : memref<5120xi32, #tpu.memory_space<hbm>>)
      tpu.yield
    }) : () -> ()
    %mul3A_33 = arith.constant 5120 : i32
    %mul3A_34 = arith.muli %add3A, %mul3A_33 : i32
    "tpu.region"() ({
      %run_scoped3A = tpu.sem_alloc : memref<!tpu.dma_semaphore, #tpu.memory_space<semaphore_mem>>
      %dma_start3A = tpu.memref_slice %arg5[%mul3A_34] : memref<163840xi32, #tpu.memory_space<hbm>> -> memref<5120xi32, #tpu.memory_space<hbm>>
      %dma_start3A_35 = tpu.memref_slice %arg5[%mul3A_34] : memref<163840xi32, #tpu.memory_space<hbm>> -> memref<5120xi32, #tpu.memory_space<hbm>>
      tpu.enqueue_dma source(%arg7 : memref<5120xi32, #tpu.memory_space<vmem>>) target(%dma_start3A_35 : memref<5120xi32, #tpu.memory_space<hbm>>) target_semaphore(%run_scoped3A : memref<!tpu.dma_semaphore, #tpu.memory_space<semaphore_mem>>)
      %dma_wait3A = tpu.memref_slice %arg5[%mul3A_34] : memref<163840xi32, #tpu.memory_space<hbm>> -> memref<5120xi32, #tpu.memory_space<hbm>>
      %dma_wait3A_36 = tpu.memref_slice %arg5[%mul3A_34] : memref<163840xi32, #tpu.memory_space<hbm>> -> memref<5120xi32, #tpu.memory_space<hbm>>
      tpu.wait_dma2 semaphore(%run_scoped3A : memref<!tpu.dma_semaphore, #tpu.memory_space<semaphore_mem>>) src(%arg7 : memref<5120xi32, #tpu.memory_space<vmem>>) dst(%dma_wait3A_36 : memref<5120xi32, #tpu.memory_space<hbm>>)
      tpu.yield
    }) : () -> ()
    return
  }
}

module attributes {stable_mosaic.version = 14 : i64} {
  func.func @_enc1_body(%arg0: i32, %arg1: memref<1000x1xf32, #tpu.memory_space<vmem>>, %arg2: memref<1000x384xf32, #tpu.memory_space<vmem>>, %arg3: memref<384x128xf32, #tpu.memory_space<vmem>>, %arg4: memref<1000x128xf32, #tpu.memory_space<vmem>>) attributes {dimension_semantics = [#tpu.dimension_semantics<arbitrary>], iteration_bounds = array<i64: 10>, scalar_prefetch = 0 : i64, scratch_operands = 0 : i64, tpu.core_type = #tpu.core_type<tc>, window_params = [{transform_indices = @transform_0, window_bounds = array<i64: 1000, 1>}, {transform_indices = @transform_1, window_bounds = array<i64: 1000, 384>}, {pipeline_mode = #tpu.pipeline_mode<synchronous>, transform_indices = @transform_2, window_bounds = array<i64: 384, 128>}, {transform_indices = @transform_3, window_bounds = array<i64: 1000, 128>}]} {
    %get3A = arith.constant 0 : index
    %get3A_0 = arith.constant 0 : index
    %get3A_1 = vector.load %arg2[%get3A, %get3A_0] : memref<1000x384xf32, #tpu.memory_space<vmem>>, vector<1000x384xf32>
    %get3A_2 = arith.constant 0 : index
    %get3A_3 = arith.constant 0 : index
    %get3A_4 = vector.load %arg3[%get3A_2, %get3A_3] : memref<384x128xf32, #tpu.memory_space<vmem>>, vector<384x128xf32>
    %dot_general3A = arith.constant dense<0.000000e+00> : vector<1000x128xf32>
    %dot_general3A_5 = tpu.matmul %get3A_1, %get3A_4, %dot_general3A {dimension_numbers = #tpu.dot_dimension_numbers<[1], [0], [0], [1], [0, 0, 1, 1], [], []>, transpose_lhs_hint = false} : vector<1000x384xf32>, vector<384x128xf32>, vector<1000x128xf32> -> vector<1000x128xf32>
    %get3A_6 = arith.constant 0 : index
    %get3A_7 = arith.constant 0 : index
    %get3A_8 = vector.load %arg1[%get3A_6, %get3A_7] : memref<1000x1xf32, #tpu.memory_space<vmem>>, vector<1000x1xf32>
    %mul3A = vector.broadcast %get3A_8 : vector<1000x1xf32> to vector<1000x128xf32>
    %mul3A_9 = arith.mulf %mul3A, %dot_general3A_5 : vector<1000x128xf32>
    %swap3A = arith.constant 0 : index
    %swap3A_10 = arith.constant 0 : index
    %swap3A_11 = vector.load %arg4[%swap3A, %swap3A_10] : memref<1000x128xf32, #tpu.memory_space<vmem>>, vector<1000x128xf32>
    tpu.vector_store %arg4[%swap3A, %swap3A_10], %mul3A_9 {strides = array<i32>} : memref<1000x128xf32, #tpu.memory_space<vmem>>, vector<1000x128xf32>,
    return
  }
  func.func @transform_0(%arg0: i32) -> (i32, i32) {
    %c0_i32 = arith.constant 0 : i32
    %c0_i32_0 = arith.constant 0 : i32
    return %arg0, %c0_i32 : i32, i32
  }
  func.func @transform_1(%arg0: i32) -> (i32, i32) {
    %c0_i32 = arith.constant 0 : i32
    %c0_i32_0 = arith.constant 0 : i32
    return %arg0, %c0_i32 : i32, i32
  }
  func.func @transform_2(%arg0: i32) -> (i32, i32) {
    %c0_i32 = arith.constant 0 : i32
    %c0_i32_0 = arith.constant 0 : i32
    %c0_i32_1 = arith.constant 0 : i32
    return %c0_i32, %c0_i32_0 : i32, i32
  }
  func.func @transform_3(%arg0: i32) -> (i32, i32) {
    %c0_i32 = arith.constant 0 : i32
    %c0_i32_0 = arith.constant 0 : i32
    return %arg0, %c0_i32 : i32, i32
  }
}

module attributes {stable_mosaic.version = 14 : i64} {
  func.func @_dis_body(%arg0: i32, %arg1: memref<32x1280xf32, #tpu.memory_space<vmem>>, %arg2: memref<1280x1xf32, #tpu.memory_space<vmem>>) attributes {dimension_semantics = [#tpu.dimension_semantics<arbitrary>], iteration_bounds = array<i64: 8>, scalar_prefetch = 0 : i64, scratch_operands = 0 : i64, tpu.core_type = #tpu.core_type<tc>, window_params = [{transform_indices = @transform_0, window_bounds = array<i64: 32, 1280>}, {transform_indices = @transform_1, window_bounds = array<i64: 1280, 1>}]} {
    %broadcast_in_dim3A = arith.constant 1.000000e+00 : f32
    %broadcast_in_dim3A_0 = vector.broadcast %broadcast_in_dim3A : f32 to vector<32x1xf32>
    %get3A = arith.constant 0 : index
    %get3A_1 = arith.constant 0 : index
    %get3A_2 = vector.load %arg1[%get3A, %get3A_1] : memref<32x1280xf32, #tpu.memory_space<vmem>>, vector<32x1280xf32>
    %dot_general3A = arith.constant dense<0.000000e+00> : vector<1280x1xf32>
    %dot_general3A_3 = tpu.matmul %get3A_2, %broadcast_in_dim3A_0, %dot_general3A {dimension_numbers = #tpu.dot_dimension_numbers<[0], [0], [1], [1], [0, 1, 1, 1], [], []>, transpose_lhs_hint = false} : vector<32x1280xf32>, vector<32x1xf32>, vector<1280x1xf32> -> vector<1280x1xf32>
    %add3A = arith.constant 1.000000e+00 : f32
    %add3A_4 = vector.broadcast %add3A : f32 to vector<1280x1xf32>
    %add3A_5 = arith.addf %dot_general3A_3, %add3A_4 : vector<1280x1xf32>
    %rsqrt3A = math.rsqrt %add3A_5 : vector<1280x1xf32>
    %swap3A = arith.constant 0 : index
    %swap3A_6 = arith.constant 0 : index
    %swap3A_7 = vector.load %arg2[%swap3A, %swap3A_6] : memref<1280x1xf32, #tpu.memory_space<vmem>>, vector<1280x1xf32>
    tpu.vector_store %arg2[%swap3A, %swap3A_6], %rsqrt3A {strides = array<i32>} : memref<1280x1xf32, #tpu.memory_space<vmem>>, vector<1280x1xf32>,
    return
  }
  func.func @transform_0(%arg0: i32) -> (i32, i32) {
    %c0_i32 = arith.constant 0 : i32
    %c0_i32_0 = arith.constant 0 : i32
    return %c0_i32, %arg0 : i32, i32
  }
  func.func @transform_1(%arg0: i32) -> (i32, i32) {
    %c0_i32 = arith.constant 0 : i32
    %c0_i32_0 = arith.constant 0 : i32
    return %arg0, %c0_i32 : i32, i32
  }
}

module attributes {stable_mosaic.version = 14 : i64} {
  func.func @_enc2_body(%arg0: i32, %arg1: memref<2x1000x128xf32, #tpu.memory_space<vmem>>, %arg2: memref<1000x128xf32, #tpu.memory_space<vmem>>, %arg3: memref<1000x1xf32, #tpu.memory_space<vmem>>, %arg4: memref<1x128xf32, #tpu.memory_space<vmem>>, %arg5: memref<128x128xf32, #tpu.memory_space<vmem>>, %arg6: memref<1000x128xf32, #tpu.memory_space<vmem>>) attributes {dimension_semantics = [#tpu.dimension_semantics<arbitrary>], iteration_bounds = array<i64: 10>, scalar_prefetch = 0 : i64, scratch_operands = 0 : i64, tpu.core_type = #tpu.core_type<tc>, window_params = [{transform_indices = @transform_0, window_bounds = array<i64: 2, 1000, 128>}, {transform_indices = @transform_1, window_bounds = array<i64: 1000, 128>}, {transform_indices = @transform_2, window_bounds = array<i64: 1000, 1>}, {pipeline_mode = #tpu.pipeline_mode<synchronous>, transform_indices = @transform_3, window_bounds = array<i64: 1, 128>}, {pipeline_mode = #tpu.pipeline_mode<synchronous>, transform_indices = @transform_4, window_bounds = array<i64: 128, 128>}, {transform_indices = @transform_5, window_bounds = array<i64: 1000, 128>}]} {
    %get3A = arith.constant 0 : index
    %get3A_0 = arith.constant 0 : index
    %get3A_1 = vector.load %arg3[%get3A, %get3A_0] : memref<1000x1xf32, #tpu.memory_space<vmem>>, vector<1000x1xf32>
    %get3A_2 = arith.constant 0 : index
    %get3A_3 = arith.constant 0 : index
    %get3A_4 = arith.constant 0 : index
    %get3A_5 = vector.load %arg1[%get3A_2, %get3A_3, %get3A_4] : memref<2x1000x128xf32, #tpu.memory_space<vmem>>, vector<1x1000x128xf32>
    %get3A_6 = vector.shape_cast %get3A_5 : vector<1x1000x128xf32> to vector<1000x128xf32>
    %get3A_7 = arith.constant 1 : index
    %get3A_8 = arith.constant 0 : index
    %get3A_9 = arith.constant 0 : index
    %get3A_10 = vector.load %arg1[%get3A_7, %get3A_8, %get3A_9] : memref<2x1000x128xf32, #tpu.memory_space<vmem>>, vector<1x1000x128xf32>
    %get3A_11 = vector.shape_cast %get3A_10 : vector<1x1000x128xf32> to vector<1000x128xf32>
    %add3A = arith.addf %get3A_6, %get3A_11 : vector<1000x128xf32>
    %get3A_12 = arith.constant 0 : index
    %get3A_13 = arith.constant 0 : index
    %get3A_14 = vector.load %arg2[%get3A_12, %get3A_13] : memref<1000x128xf32, #tpu.memory_space<vmem>>, vector<1000x128xf32>
    %add3A_15 = arith.addf %add3A, %get3A_14 : vector<1000x128xf32>
    %mul3A = vector.broadcast %get3A_1 : vector<1000x1xf32> to vector<1000x128xf32>
    %mul3A_16 = arith.mulf %mul3A, %add3A_15 : vector<1000x128xf32>
    %get3A_17 = arith.constant 0 : index
    %get3A_18 = arith.constant 0 : index
    %get3A_19 = vector.load %arg4[%get3A_17, %get3A_18] : memref<1x128xf32, #tpu.memory_space<vmem>>, vector<1x128xf32>
    %add3A_20 = vector.broadcast %get3A_19 : vector<1x128xf32> to vector<1000x128xf32>
    %add3A_21 = arith.addf %mul3A_16, %add3A_20 : vector<1000x128xf32>
    %max3A = arith.constant 0.000000e+00 : f32
    %max3A_22 = vector.broadcast %max3A : f32 to vector<1000x128xf32>
    %max3A_23 = arith.maximumf %add3A_21, %max3A_22 : vector<1000x128xf32>
    %get3A_24 = arith.constant 0 : index
    %get3A_25 = arith.constant 0 : index
    %get3A_26 = vector.load %arg5[%get3A_24, %get3A_25] : memref<128x128xf32, #tpu.memory_space<vmem>>, vector<128x128xf32>
    %dot_general3A = arith.constant dense<0.000000e+00> : vector<1000x128xf32>
    %dot_general3A_27 = tpu.matmul %max3A_23, %get3A_26, %dot_general3A {dimension_numbers = #tpu.dot_dimension_numbers<[1], [0], [0], [1], [0, 0, 1, 1], [], []>, transpose_lhs_hint = false} : vector<1000x128xf32>, vector<128x128xf32>, vector<1000x128xf32> -> vector<1000x128xf32>
    %mul3A_28 = vector.broadcast %get3A_1 : vector<1000x1xf32> to vector<1000x128xf32>
    %mul3A_29 = arith.mulf %mul3A_28, %dot_general3A_27 : vector<1000x128xf32>
    %swap3A = arith.constant 0 : index
    %swap3A_30 = arith.constant 0 : index
    %swap3A_31 = vector.load %arg6[%swap3A, %swap3A_30] : memref<1000x128xf32, #tpu.memory_space<vmem>>, vector<1000x128xf32>
    tpu.vector_store %arg6[%swap3A, %swap3A_30], %mul3A_29 {strides = array<i32>} : memref<1000x128xf32, #tpu.memory_space<vmem>>, vector<1000x128xf32>,
    return
  }
  func.func @transform_0(%arg0: i32) -> (i32, i32, i32) {
    %c0_i32 = arith.constant 0 : i32
    %c0_i32_0 = arith.constant 0 : i32
    %c0_i32_1 = arith.constant 0 : i32
    return %c0_i32, %arg0, %c0_i32_0 : i32, i32, i32
  }
  func.func @transform_1(%arg0: i32) -> (i32, i32) {
    %c0_i32 = arith.constant 0 : i32
    %c0_i32_0 = arith.constant 0 : i32
    return %arg0, %c0_i32 : i32, i32
  }
  func.func @transform_2(%arg0: i32) -> (i32, i32) {
    %c0_i32 = arith.constant 0 : i32
    %c0_i32_0 = arith.constant 0 : i32
    return %arg0, %c0_i32 : i32, i32
  }
  func.func @transform_3(%arg0: i32) -> (i32, i32) {
    %c0_i32 = arith.constant 0 : i32
    %c0_i32_0 = arith.constant 0 : i32
    %c0_i32_1 = arith.constant 0 : i32
    return %c0_i32, %c0_i32_0 : i32, i32
  }
  func.func @transform_4(%arg0: i32) -> (i32, i32) {
    %c0_i32 = arith.constant 0 : i32
    %c0_i32_0 = arith.constant 0 : i32
    %c0_i32_1 = arith.constant 0 : i32
    return %c0_i32, %c0_i32_0 : i32, i32
  }
  func.func @transform_5(%arg0: i32) -> (i32, i32) {
    %c0_i32 = arith.constant 0 : i32
    %c0_i32_0 = arith.constant 0 : i32
    return %arg0, %c0_i32 : i32, i32
  }
}

module attributes {stable_mosaic.version = 14 : i64} {
  func.func @_dec_body(%arg0: i32, %arg1: memref<2x2000x128xf32, #tpu.memory_space<vmem>>, %arg2: memref<2000x128xf32, #tpu.memory_space<vmem>>, %arg3: memref<2000x1xf32, #tpu.memory_space<vmem>>, %arg4: memref<1x128xf32, #tpu.memory_space<vmem>>, %arg5: memref<2000x64xf32, #tpu.memory_space<vmem>>, %arg6: memref<64x128xf32, #tpu.memory_space<vmem>>, %arg7: memref<1x128xf32, #tpu.memory_space<vmem>>, %arg8: memref<3x128x128xf32, #tpu.memory_space<vmem>>, %arg9: memref<3x1x128xf32, #tpu.memory_space<vmem>>, %arg10: memref<3x200x1280xf32, #tpu.memory_space<vmem>>, %arg11: memref<2000x64xf32, #tpu.memory_space<vmem>>, %arg12: memref<2000x64xf32, #tpu.memory_space<vmem>>) attributes {dimension_semantics = [#tpu.dimension_semantics<arbitrary>], iteration_bounds = array<i64: 5>, scalar_prefetch = 0 : i64, scratch_operands = 0 : i64, tpu.core_type = #tpu.core_type<tc>, window_params = [{transform_indices = @transform_0, window_bounds = array<i64: 2, 2000, 128>}, {transform_indices = @transform_1, window_bounds = array<i64: 2000, 128>}, {transform_indices = @transform_2, window_bounds = array<i64: 2000, 1>}, {pipeline_mode = #tpu.pipeline_mode<synchronous>, transform_indices = @transform_3, window_bounds = array<i64: 1, 128>}, {transform_indices = @transform_4, window_bounds = array<i64: 2000, 64>}, {pipeline_mode = #tpu.pipeline_mode<synchronous>, transform_indices = @transform_5, window_bounds = array<i64: 64, 128>}, {pipeline_mode = #tpu.pipeline_mode<synchronous>, transform_indices = @transform_6, window_bounds = array<i64: 1, 128>}, {pipeline_mode = #tpu.pipeline_mode<synchronous>, transform_indices = @transform_7, window_bounds = array<i64: 3, 128, 128>}, {pipeline_mode = #tpu.pipeline_mode<synchronous>, transform_indices = @transform_8, window_bounds = array<i64: 3, 1, 128>}, {transform_indices = @transform_9, window_bounds = array<i64: 3, 200, 1280>}, {transform_indices = @transform_10, window_bounds = array<i64: 2000, 64>}, {transform_indices = @transform_11, window_bounds = array<i64: 2000, 64>}]} {
    %get3A = arith.constant 0 : index
    %get3A_0 = arith.constant 0 : index
    %get3A_1 = vector.load %arg3[%get3A, %get3A_0] : memref<2000x1xf32, #tpu.memory_space<vmem>>, vector<2000x1xf32>
    %get3A_2 = arith.constant 0 : index
    %get3A_3 = arith.constant 0 : index
    %get3A_4 = arith.constant 0 : index
    %get3A_5 = vector.load %arg1[%get3A_2, %get3A_3, %get3A_4] : memref<2x2000x128xf32, #tpu.memory_space<vmem>>, vector<1x2000x128xf32>
    %get3A_6 = vector.shape_cast %get3A_5 : vector<1x2000x128xf32> to vector<2000x128xf32>
    %get3A_7 = arith.constant 1 : index
    %get3A_8 = arith.constant 0 : index
    %get3A_9 = arith.constant 0 : index
    %get3A_10 = vector.load %arg1[%get3A_7, %get3A_8, %get3A_9] : memref<2x2000x128xf32, #tpu.memory_space<vmem>>, vector<1x2000x128xf32>
    %get3A_11 = vector.shape_cast %get3A_10 : vector<1x2000x128xf32> to vector<2000x128xf32>
    %add3A = arith.addf %get3A_6, %get3A_11 : vector<2000x128xf32>
    %get3A_12 = arith.constant 0 : index
    %get3A_13 = arith.constant 0 : index
    %get3A_14 = vector.load %arg2[%get3A_12, %get3A_13] : memref<2000x128xf32, #tpu.memory_space<vmem>>, vector<2000x128xf32>
    %add3A_15 = arith.addf %add3A, %get3A_14 : vector<2000x128xf32>
    %mul3A = vector.broadcast %get3A_1 : vector<2000x1xf32> to vector<2000x128xf32>
    %mul3A_16 = arith.mulf %mul3A, %add3A_15 : vector<2000x128xf32>
    %get3A_17 = arith.constant 0 : index
    %get3A_18 = arith.constant 0 : index
    %get3A_19 = vector.load %arg4[%get3A_17, %get3A_18] : memref<1x128xf32, #tpu.memory_space<vmem>>, vector<1x128xf32>
    %add3A_20 = vector.broadcast %get3A_19 : vector<1x128xf32> to vector<2000x128xf32>
    %add3A_21 = arith.addf %mul3A_16, %add3A_20 : vector<2000x128xf32>
    %slice3A = vector.extract_strided_slice %add3A_21 {offsets = [0, 0], sizes = [2000, 64], strides = [1, 1]} : vector<2000x128xf32> to vector<2000x64xf32>
    %slice3A_22 = vector.extract_strided_slice %add3A_21 {offsets = [0, 64], sizes = [2000, 64], strides = [1, 1]} : vector<2000x128xf32> to vector<2000x64xf32>
    %mul3A_23 = arith.constant 5.000000e-01 : f32
    %mul3A_24 = vector.broadcast %mul3A_23 : f32 to vector<2000x64xf32>
    %mul3A_25 = arith.mulf %mul3A_24, %slice3A_22 : vector<2000x64xf32>
    %exp3A = math.exp %mul3A_25 : vector<2000x64xf32>
    %get3A_26 = arith.constant 0 : index
    %get3A_27 = arith.constant 0 : index
    %get3A_28 = vector.load %arg5[%get3A_26, %get3A_27] : memref<2000x64xf32, #tpu.memory_space<vmem>>, vector<2000x64xf32>
    %mul3A_29 = arith.mulf %get3A_28, %exp3A : vector<2000x64xf32>
    %add3A_30 = arith.addf %slice3A, %mul3A_29 : vector<2000x64xf32>
    %get3A_31 = arith.constant 0 : index
    %get3A_32 = arith.constant 0 : index
    %get3A_33 = vector.load %arg6[%get3A_31, %get3A_32] : memref<64x128xf32, #tpu.memory_space<vmem>>, vector<64x128xf32>
    %dot_general3A = arith.constant dense<0.000000e+00> : vector<2000x128xf32>
    %dot_general3A_34 = tpu.matmul %add3A_30, %get3A_33, %dot_general3A {dimension_numbers = #tpu.dot_dimension_numbers<[1], [0], [0], [1], [0, 0, 1, 1], [], []>, transpose_lhs_hint = false} : vector<2000x64xf32>, vector<64x128xf32>, vector<2000x128xf32> -> vector<2000x128xf32>
    %get3A_35 = arith.constant 0 : index
    %get3A_36 = arith.constant 0 : index
    %get3A_37 = vector.load %arg7[%get3A_35, %get3A_36] : memref<1x128xf32, #tpu.memory_space<vmem>>, vector<1x128xf32>
    %add3A_38 = vector.broadcast %get3A_37 : vector<1x128xf32> to vector<2000x128xf32>
    %add3A_39 = arith.addf %dot_general3A_34, %add3A_38 : vector<2000x128xf32>
    %max3A = arith.constant 0.000000e+00 : f32
    %max3A_40 = vector.broadcast %max3A : f32 to vector<2000x128xf32>
    %max3A_41 = arith.maximumf %add3A_39, %max3A_40 : vector<2000x128xf32>
    %get3A_42 = arith.constant 0 : index
    %get3A_43 = arith.constant 0 : index
    %get3A_44 = arith.constant 0 : index
    %get3A_45 = vector.load %arg8[%get3A_42, %get3A_43, %get3A_44] : memref<3x128x128xf32, #tpu.memory_space<vmem>>, vector<1x128x128xf32>
    %get3A_46 = vector.shape_cast %get3A_45 : vector<1x128x128xf32> to vector<128x128xf32>
    %dot_general3A_47 = arith.constant dense<0.000000e+00> : vector<2000x128xf32>
    %dot_general3A_48 = tpu.matmul %max3A_41, %get3A_46, %dot_general3A_47 {dimension_numbers = #tpu.dot_dimension_numbers<[1], [0], [0], [1], [0, 0, 1, 1], [], []>, transpose_lhs_hint = false} : vector<2000x128xf32>, vector<128x128xf32>, vector<2000x128xf32> -> vector<2000x128xf32>
    %get3A_49 = arith.constant 0 : index
    %get3A_50 = arith.constant 0 : index
    %get3A_51 = arith.constant 0 : index
    %get3A_52 = vector.load %arg9[%get3A_49, %get3A_50, %get3A_51] : memref<3x1x128xf32, #tpu.memory_space<vmem>>, vector<1x1x128xf32>
    %get3A_53 = vector.shape_cast %get3A_52 : vector<1x1x128xf32> to vector<1x128xf32>
    %add3A_54 = vector.broadcast %get3A_53 : vector<1x128xf32> to vector<2000x128xf32>
    %add3A_55 = arith.addf %dot_general3A_48, %add3A_54 : vector<2000x128xf32>
    %reshape3A = vector.shape_cast %add3A_55 : vector<2000x128xf32> to vector<200x1280xf32>
    %swap3A = arith.constant 0 : index
    %swap3A_56 = arith.constant 0 : index
    %swap3A_57 = arith.constant 0 : index
    %swap3A_58 = vector.load %arg10[%swap3A, %swap3A_56, %swap3A_57] : memref<3x200x1280xf32, #tpu.memory_space<vmem>>, vector<1x200x1280xf32>
    %swap3A_59 = vector.shape_cast %swap3A_58 : vector<1x200x1280xf32> to vector<200x1280xf32>
    %swap3A_60 = vector.shape_cast %reshape3A : vector<200x1280xf32> to vector<1x200x1280xf32>
    tpu.vector_store %arg10[%swap3A, %swap3A_56, %swap3A_57], %swap3A_60 {strides = array<i32>} : memref<3x200x1280xf32, #tpu.memory_space<vmem>>, vector<1x200x1280xf32>,
    %get3A_61 = arith.constant 1 : index
    %get3A_62 = arith.constant 0 : index
    %get3A_63 = arith.constant 0 : index
    %get3A_64 = vector.load %arg8[%get3A_61, %get3A_62, %get3A_63] : memref<3x128x128xf32, #tpu.memory_space<vmem>>, vector<1x128x128xf32>
    %get3A_65 = vector.shape_cast %get3A_64 : vector<1x128x128xf32> to vector<128x128xf32>
    %dot_general3A_66 = arith.constant dense<0.000000e+00> : vector<2000x128xf32>
    %dot_general3A_67 = tpu.matmul %max3A_41, %get3A_65, %dot_general3A_66 {dimension_numbers = #tpu.dot_dimension_numbers<[1], [0], [0], [1], [0, 0, 1, 1], [], []>, transpose_lhs_hint = false} : vector<2000x128xf32>, vector<128x128xf32>, vector<2000x128xf32> -> vector<2000x128xf32>
    %get3A_68 = arith.constant 1 : index
    %get3A_69 = arith.constant 0 : index
    %get3A_70 = arith.constant 0 : index
    %get3A_71 = vector.load %arg9[%get3A_68, %get3A_69, %get3A_70] : memref<3x1x128xf32, #tpu.memory_space<vmem>>, vector<1x1x128xf32>
    %get3A_72 = vector.shape_cast %get3A_71 : vector<1x1x128xf32> to vector<1x128xf32>
    %add3A_73 = vector.broadcast %get3A_72 : vector<1x128xf32> to vector<2000x128xf32>
    %add3A_74 = arith.addf %dot_general3A_67, %add3A_73 : vector<2000x128xf32>
    %reshape3A_75 = vector.shape_cast %add3A_74 : vector<2000x128xf32> to vector<200x1280xf32>
    %swap3A_76 = arith.constant 1 : index
    %swap3A_77 = arith.constant 0 : index
    %swap3A_78 = arith.constant 0 : index
    %swap3A_79 = vector.load %arg10[%swap3A_76, %swap3A_77, %swap3A_78] : memref<3x200x1280xf32, #tpu.memory_space<vmem>>, vector<1x200x1280xf32>
    %swap3A_80 = vector.shape_cast %swap3A_79 : vector<1x200x1280xf32> to vector<200x1280xf32>
    %swap3A_81 = vector.shape_cast %reshape3A_75 : vector<200x1280xf32> to vector<1x200x1280xf32>
    tpu.vector_store %arg10[%swap3A_76, %swap3A_77, %swap3A_78], %swap3A_81 {strides = array<i32>} : memref<3x200x1280xf32, #tpu.memory_space<vmem>>, vector<1x200x1280xf32>,
    %get3A_82 = arith.constant 2 : index
    %get3A_83 = arith.constant 0 : index
    %get3A_84 = arith.constant 0 : index
    %get3A_85 = vector.load %arg8[%get3A_82, %get3A_83, %get3A_84] : memref<3x128x128xf32, #tpu.memory_space<vmem>>, vector<1x128x128xf32>
    %get3A_86 = vector.shape_cast %get3A_85 : vector<1x128x128xf32> to vector<128x128xf32>
    %dot_general3A_87 = arith.constant dense<0.000000e+00> : vector<2000x128xf32>
    %dot_general3A_88 = tpu.matmul %max3A_41, %get3A_86, %dot_general3A_87 {dimension_numbers = #tpu.dot_dimension_numbers<[1], [0], [0], [1], [0, 0, 1, 1], [], []>, transpose_lhs_hint = false} : vector<2000x128xf32>, vector<128x128xf32>, vector<2000x128xf32> -> vector<2000x128xf32>
    %get3A_89 = arith.constant 2 : index
    %get3A_90 = arith.constant 0 : index
    %get3A_91 = arith.constant 0 : index
    %get3A_92 = vector.load %arg9[%get3A_89, %get3A_90, %get3A_91] : memref<3x1x128xf32, #tpu.memory_space<vmem>>, vector<1x1x128xf32>
    %get3A_93 = vector.shape_cast %get3A_92 : vector<1x1x128xf32> to vector<1x128xf32>
    %add3A_94 = vector.broadcast %get3A_93 : vector<1x128xf32> to vector<2000x128xf32>
    %add3A_95 = arith.addf %dot_general3A_88, %add3A_94 : vector<2000x128xf32>
    %reshape3A_96 = vector.shape_cast %add3A_95 : vector<2000x128xf32> to vector<200x1280xf32>
    %swap3A_97 = arith.constant 2 : index
    %swap3A_98 = arith.constant 0 : index
    %swap3A_99 = arith.constant 0 : index
    %swap3A_100 = vector.load %arg10[%swap3A_97, %swap3A_98, %swap3A_99] : memref<3x200x1280xf32, #tpu.memory_space<vmem>>, vector<1x200x1280xf32>
    %swap3A_101 = vector.shape_cast %swap3A_100 : vector<1x200x1280xf32> to vector<200x1280xf32>
    %swap3A_102 = vector.shape_cast %reshape3A_96 : vector<200x1280xf32> to vector<1x200x1280xf32>
    tpu.vector_store %arg10[%swap3A_97, %swap3A_98, %swap3A_99], %swap3A_102 {strides = array<i32>} : memref<3x200x1280xf32, #tpu.memory_space<vmem>>, vector<1x200x1280xf32>,
    %swap3A_103 = arith.constant 0 : index
    %swap3A_104 = arith.constant 0 : index
    %swap3A_105 = vector.load %arg11[%swap3A_103, %swap3A_104] : memref<2000x64xf32, #tpu.memory_space<vmem>>, vector<2000x64xf32>
    tpu.vector_store %arg11[%swap3A_103, %swap3A_104], %slice3A {strides = array<i32>} : memref<2000x64xf32, #tpu.memory_space<vmem>>, vector<2000x64xf32>,
    %swap3A_106 = arith.constant 0 : index
    %swap3A_107 = arith.constant 0 : index
    %swap3A_108 = vector.load %arg12[%swap3A_106, %swap3A_107] : memref<2000x64xf32, #tpu.memory_space<vmem>>, vector<2000x64xf32>
    tpu.vector_store %arg12[%swap3A_106, %swap3A_107], %slice3A_22 {strides = array<i32>} : memref<2000x64xf32, #tpu.memory_space<vmem>>, vector<2000x64xf32>,
    return
  }
  func.func @transform_0(%arg0: i32) -> (i32, i32, i32) {
    %c0_i32 = arith.constant 0 : i32
    %c0_i32_0 = arith.constant 0 : i32
    %c0_i32_1 = arith.constant 0 : i32
    return %c0_i32, %arg0, %c0_i32_0 : i32, i32, i32
  }
  func.func @transform_1(%arg0: i32) -> (i32, i32) {
    %c0_i32 = arith.constant 0 : i32
    %c0_i32_0 = arith.constant 0 : i32
    return %arg0, %c0_i32 : i32, i32
  }
  func.func @transform_2(%arg0: i32) -> (i32, i32) {
    %c0_i32 = arith.constant 0 : i32
    %c0_i32_0 = arith.constant 0 : i32
    return %arg0, %c0_i32 : i32, i32
  }
  func.func @transform_3(%arg0: i32) -> (i32, i32) {
    %c0_i32 = arith.constant 0 : i32
    %c0_i32_0 = arith.constant 0 : i32
    %c0_i32_1 = arith.constant 0 : i32
    return %c0_i32, %c0_i32_0 : i32, i32
  }
  func.func @transform_4(%arg0: i32) -> (i32, i32) {
    %c0_i32 = arith.constant 0 : i32
    %c0_i32_0 = arith.constant 0 : i32
    return %arg0, %c0_i32 : i32, i32
  }
  func.func @transform_5(%arg0: i32) -> (i32, i32) {
    %c0_i32 = arith.constant 0 : i32
    %c0_i32_0 = arith.constant 0 : i32
    %c0_i32_1 = arith.constant 0 : i32
    return %c0_i32, %c0_i32_0 : i32, i32
  }
  func.func @transform_6(%arg0: i32) -> (i32, i32) {
    %c0_i32 = arith.constant 0 : i32
    %c0_i32_0 = arith.constant 0 : i32
    %c0_i32_1 = arith.constant 0 : i32
    return %c0_i32, %c0_i32_0 : i32, i32
  }
  func.func @transform_7(%arg0: i32) -> (i32, i32, i32) {
    %c0_i32 = arith.constant 0 : i32
    %c0_i32_0 = arith.constant 0 : i32
    %c0_i32_1 = arith.constant 0 : i32
    %c0_i32_2 = arith.constant 0 : i32
    return %c0_i32, %c0_i32_0, %c0_i32_1 : i32, i32, i32
  }
  func.func @transform_8(%arg0: i32) -> (i32, i32, i32) {
    %c0_i32 = arith.constant 0 : i32
    %c0_i32_0 = arith.constant 0 : i32
    %c0_i32_1 = arith.constant 0 : i32
    %c0_i32_2 = arith.constant 0 : i32
    return %c0_i32, %c0_i32_0, %c0_i32_1 : i32, i32, i32
  }
  func.func @transform_9(%arg0: i32) -> (i32, i32, i32) {
    %c0_i32 = arith.constant 0 : i32
    %c0_i32_0 = arith.constant 0 : i32
    %c0_i32_1 = arith.constant 0 : i32
    return %c0_i32, %arg0, %c0_i32_0 : i32, i32, i32
  }
  func.func @transform_10(%arg0: i32) -> (i32, i32) {
    %c0_i32 = arith.constant 0 : i32
    %c0_i32_0 = arith.constant 0 : i32
    return %arg0, %c0_i32 : i32, i32
  }
  func.func @transform_11(%arg0: i32) -> (i32, i32) {
    %c0_i32 = arith.constant 0 : i32
    %c0_i32_0 = arith.constant 0 : i32
    return %arg0, %c0_i32 : i32, i32
  }
}

</mosaic_0001>

<sc_bundles>
// kernel: kernel.12.cloned.1.call-start
scs
__scs_entry_jumppad:
0x0: {  	(pc) =	sbr.rel $0x88, $3  }
0x1: {  	(tag) =	ssettag $0x0;
	lr =	simm.s32 $0x1  }
0x2: {  	[smem:$0x3F97] =	sst lr;
	_ =	strace $0xD0000000  }
0x3: {  	_ = 	snop  }
0x4: {  	_ = 	snop  }
0x5: {  	_ = 	snop  }
0x6: {  	_ = 	snop  }
0x7: {  	_ = 	snop  }
__scs_overlays_trampoline_lowered:
0x8: {  	[smem:$0x3FA6] =	sst s0  }
0x9: {  	[smem:$0x3FA7] =	sst s1  }
0xa: {  	[smem:$0x3FA8] =	sst s2  }
0xb: {  	[smem:$0x3FA9] =	sst s3  }
0xc: {  	[smem:$0x3FAA] =	sst s4  }
0xd: {  	[smem:$0x3FAB] =	sst s5  }
0xe: {  	[smem:$0x3FAC] =	sst s6  }
0xf: {  	[smem:$0x3FAD] =	sst s7  }
0x10: {  	[smem:$0x3FAE] =	sst s8  }
0x11: {  	[smem:$0x3FAF] =	sst s9;
	s0 =	simm.s32 @!p0 $0x0  }
0x12: {  	s1 =	sld [smem:$0x3F95];
	s0 =	simm.s32 @p0 $0x1  }
0x13: {  	[smem:$0x3FB0] =	sst s0;
	s0 =	simm.s32 @!p1 $0x0  }
0x14: {  	s2 =	sld [smem:$0x3F94];
	s0 =	simm.s32 @p1 $0x1  }
0x15: {  	[smem:$0x3FB1] =	sst s0;
	s0 =	simm.s32 @!p2 $0x0  }
0x16: {  	s3 =	sld [smem:$0x3FDB];
	s0 =	simm.s32 @p2 $0x1  }
0x17: {  	s4 =	simm.s32 $0x1BF5;
	[smem:$0x3FB3] =	sst s0  }
0x18: {  	s0 =	sld [smem:$0x3F96];
	_ =	swait.ge [sflag:s4], $0x0  }
0x19: {  	s7 =	sld [smem:$0x3F97]  }
0x1a: {  	s8 =	sadd.s32 $0xFFFFE003, lr  }
0x1b: {  	s9 =	sadd.s32 $0xFFFFFEF7, lr;
	s5 =	simm.s32 $0xFFFFFFFF;
	p2 =	slt.u32 s8, $0xFFFFF086  }
0x1c: {  	p1 =	slt.u32 s9, $0xF7A;
	s5 =	simm.s32 @!p2 $0x0  }
0x1d: {  	s5 =	simm.s32 @p1 $0x1;
	p0 =	seq.s32 s7, s2  }
0x1e: {  	s7 =	smul.u32 @!p0 $0xF7A, s2;
	p2 =	seq.s32 @!p0 s5, $0x0  }
0x1f: {  	s9 =	smul.u32 $0xF7A, s1;
	s8 =	simm.s32 @!p0 $0x1BF5;
	p2 =	por !p2, p0  }
0x20: {  	[sflag:s8] =	ssyncset.s32 @!p0 $0xFFFFF086;
	s6 =	sadd.s32 @!p0 s3, s7;
	s7 =	simm.s32 @!p0 $0x108  }
0x21: {  	s3 =	sadd.s32 s3, s9;
	s6 =	sadd.s32 @!p0 $0x88, s6;
	s7 =	simm.s32 @p2 $0x1082  }
0x22: {  	[simem:s7], [sflag:s8] =	dma.local @!p0 [hbm:s6], $0xF7A  }
0x23: {  	s9 =	sor.u32 $0xD0000000, s2;
	s6 =	simm.s32 $0x108;
	_ =	swait.ge @!p0 [sflag:s8], $0x0  }
0x24: {  	s3 =	sadd.s32 $0x88, s3;
	s6 =	simm.s32 @!p1 $0x1082;
	[sflag:s4] =	ssyncset.s32 $0xFFFFF086  }
0x25: {  	[simem:s6], [sflag:s4] =	dma.local [hbm:s3], $0xF7A  }
0x26: {  	[smem:$0x3F97] =	sst s1;
	(tag) =	ssettag s2;
	_ =	strace s9  }
0x27: {  	s1 =	sld [smem:$0x3FA7]  }
0x28: {  	s2 =	sld [smem:$0x3FA8]  }
0x29: {  	s4 =	sld [smem:$0x3FAA]  }
0x2a: {  	p0 =	seq.s32 s5, $0x0;
	s5 =	sld [smem:$0x3FAB]  }
0x2b: {  	s6 =	sld [smem:$0x3FAC]  }
0x2c: {  	s7 =	sld [smem:$0x3FAD]  }
0x2d: {  	s3 =	simm.s32 $0x108;
	s8 =	sld [smem:$0x3FAE]  }
0x2e: {  	s3 =	simm.s32 @!p0 $0x1082;
	s9 =	sld [smem:$0x3FAF]  }
0x2f: {  	lr =	sadd.s32 s0, s3;
	s0 =	sld [smem:$0x3FA6]  }
0x30: {  	s3 =	sld [smem:$0x3FA9]  }
0x31: {  	[smem:$0x3FB2] =	sst s10  }
0x32: {  	s10 =	sld [smem:$0x3FB0];
	_ =	sdelay $0x3  }
0x33: {  	p0 =	seq.s32 s10, $0x1;
	s10 =	sld [smem:$0x3FB2];
	_ =	sdelay $0x3  }
0x34: {  	[smem:$0x3FB2] =	sst s10  }
0x35: {  	s10 =	sld [smem:$0x3FB1];
	_ =	sdelay $0x3  }
0x36: {  	p1 =	seq.s32 s10, $0x1;
	s10 =	sld [smem:$0x3FB2];
	_ =	sdelay $0x3  }
0x37: {  	[smem:$0x3FB2] =	sst s10  }
0x38: {  	s10 =	sld [smem:$0x3FB3]  }
0x39: {  	_ = 	snop;
	(pc) =	sbr.ind lr, $3  }
0x3a: {  	_ = 	snop  }
0x3b: {  	_ = 	snop  }
0x3c: {  	p2 =	seq.s32 s10, $0x1;
	s10 =	sld [smem:$0x3FB2]  }
0x3d: {  	_ =	shalt  }
0x3e: {  	_ =	shalt  }
0x3f: {  	_ =	shalt  }
0x40: {  	_ =	shalt  }
0x41: {  	_ =	shalt  }
0x42: {  	_ =	shalt  }
0x43: {  	_ =	shalt  }
0x44: {  	_ =	shalt  }
0x45: {  	_ =	shalt  }
0x46: {  	_ =	shalt  }
0x47: {  	_ =	shalt  }
0x48: {  	_ =	shalt  }
0x49: {  	_ =	shalt  }
0x4a: {  	_ =	shalt  }
0x4b: {  	_ =	shalt  }
0x4c: {  	_ =	shalt  }
0x4d: {  	_ =	shalt  }
0x4e: {  	_ =	shalt  }
0x4f: {  	_ =	shalt  }
0x50: {  	_ =	shalt  }
0x51: {  	_ =	shalt  }
0x52: {  	_ =	shalt  }
0x53: {  	_ =	shalt  }
0x54: {  	_ =	shalt  }
0x55: {  	_ =	shalt  }
0x56: {  	_ =	shalt  }
0x57: {  	_ =	shalt  }
0x58: {  	_ =	shalt  }
0x59: {  	_ =	shalt  }
0x5a: {  	_ =	shalt  }
0x5b: {  	_ =	shalt  }
0x5c: {  	_ =	shalt  }
0x5d: {  	_ =	shalt  }
0x5e: {  	_ =	shalt  }
0x5f: {  	_ =	shalt  }
0x60: {  	_ =	shalt  }
0x61: {  	_ =	shalt  }
0x62: {  	_ =	shalt  }
0x63: {  	_ =	shalt  }
0x64: {  	_ =	shalt  }
0x65: {  	_ =	shalt  }
0x66: {  	_ =	shalt  }
0x67: {  	_ =	shalt  }
0x68: {  	_ =	shalt  }
0x69: {  	_ =	shalt  }
0x6a: {  	_ =	shalt  }
0x6b: {  	_ =	shalt  }
0x6c: {  	_ =	shalt  }
0x6d: {  	_ =	shalt  }
0x6e: {  	_ =	shalt  }
0x6f: {  	_ =	shalt  }
0x70: {  	_ =	shalt  }
0x71: {  	_ =	shalt  }
0x72: {  	_ =	shalt  }
0x73: {  	_ =	shalt  }
0x74: {  	_ =	shalt  }
0x75: {  	_ =	shalt  }
0x76: {  	_ =	shalt  }
0x77: {  	_ =	shalt  }
0x78: {  	_ =	shalt  }
0x79: {  	_ =	shalt  }
0x7a: {  	_ =	shalt  }
0x7b: {  	_ =	shalt  }
0x7c: {  	_ =	shalt  }
0x7d: {  	_ =	shalt  }
0x7e: {  	_ =	shalt  }
0x7f: {  	_ =	shalt  }
0x80: {  	_ =	shalt  }
0x81: {  	_ =	shalt  }
0x82: {  	_ =	shalt  }
0x83: {  	_ =	shalt  }
0x84: {  	_ =	shalt  }
0x85: {  	_ =	shalt  }
0x86: {  	_ =	shalt  }
0x87: {  	_ =	shalt  }
.Lfunc_end0:
.L_simem_size_0:
called_computation.1_lowered:
.L_overlay_start_0:
0x88: {  	s2 =	sld [smem:$0x3FD9]  }
0x89: {  	s3 =	sld [smem:$0x3FFE];
	_ =	sdelay $0x1  }
0x8a: {  	s1 =	srdreg.scid  }
0x8b: {  	s0 =	sand.u32 $0x1, s1  }
0x8c: {  	s14 =	sshll.u32 s0, $0xA;
	s2 =	sadd.s32 s3, s2  }
0x8d: {  	s2 =	sadd.s32 s2, s14  }
0x8e: {  	[smem:$0x3FBE] =	sst s2  }
0x8f: {  	_ = 	snop  }
0x90: {  	s2 =	sld [smem:$0x3FD0];
	_ =	sdelay $0x2  }
0x91: {  	s15 =	simm.s32 $0xA;
	s4 =	simm.s32 $0x10  }
0x92: {  	[smem:s4], [sflag:s15] =	dma.local [hbm:s2], $0x1  }
0x93: {  	_ =	swait.eq [sflag:s15], $0x1  }
0x94: {  	[sflag:s15] =	ssyncset.done $0x0  }
0x95: {  	[sflag:s15] =	ssyncadd.s32 $0xFFFFFFFF  }
0x96: {  	s16 =	sld [smem:$0x10];
	(tm) =	ssettm $0x1  }
0x97: {  	s17 =	sld [smem:$0x3FFB];
	_ =	sdelay $0x3  }
0x98: {  	_ =	strace s17  }
0x99: {  	s3 =	sld [smem:$0x3FFC];
	_ =	sdelay $0x3  }
0x9a: {  	_ =	strace s3  }
0x9b: {  	s3 =	sld [smem:$0x3FFD];
	_ =	sdelay $0x3  }
0x9c: {  	_ =	strace s3  }
0x9d: {  	_ =	strace $0x8FFFFFFF  }
0x9e: {  	s18 =	sld [smem:$0x3FDB];
	_ =	sdelay $0x1  }
0x9f: {  	s19 =	simm.s32 $_scs_section_size  }
0xa0: {  	s5 =	simm.s32 $_size__tile_overlayer_lowered;
	s6 =	simm.s32 $_tile_overlayer_lowered  }
0xa1: {  	s22 =	simm.s32 $0x1BFF;
	s21 =	sshll.u32 s6, $0x1;
	s3 =	sadd.s32 s19, s18  }
0xa2: {  	s7 =	simm.s32 $0x0;
	s20 =	sshll.u32 s5, $0x1;
	s5 =	sadd.s32 s21, s3  }
0xa3: {  	[timem:s7], [sflag:s22] =	dma.local [hbm:s5], s20  }
0xa4: {  	_ =	swait.ge [sflag:s22], s20  }
0xa5: {  	s4 =	ssub.s32 $0x0, s20;
	[sflag:s22] =	ssyncset.done $0x0  }
0xa6: {  	[sflag:s22] =	ssyncadd.s32 s4;
	_ =	sdelay $0x1  }
0xa7: {  	s23 =	simm.s32 $0x1B8B  }
0xa8: {  	_ =	swait.ge [sflag:s23], $0x1  }
0xa9: {  	[sflag:s23] =	ssyncset.done $0x0  }
0xaa: {  	s25 =	simm.s32 $0x1B8E;
	s24 =	sld [smem:$0x3FFE];
	[sflag:s23] =	ssyncadd.s32 $0xFFFFFFFF  }
0xab: {  	s26 =	simm.s32 $execute0_lowered;
	[smem:$0x3FD2] =	sst s25  }
0xac: {  	s5 =	sshll.u32 s26, $0x1;
	_ =	strace $0x80000049;
	[dreg:$0x1] =	wrdreg $0xFFFFFFFF  }
0xad: {  	s28 =	simm.s32 $_size_execute0_lowered;
	s3 =	sadd.s32 s3, s5;
	[dreg:$0x0] =	wrdreg $0x0  }
0xae: {  	s5 =	sshll.u32 s28, $0x1;
	[dreg:$0x2] =	wrdreg s3  }
0xaf: {  	[dreg:$0x3] =	wrdreg s5  }
0xb0: {  	[dreg:$0x4] =	wrdreg $0xC0  }
0xb1: {  	_ =	task [dreg:s7], $0x5FFFF  }
0xb2: {  	[dreg:$0x1] =	wrdreg $0xFFFFFFFF  }
0xb3: {  	[dreg:$0x0] =	wrdreg $0x60  }
0xb4: {  	[dreg:$0x2] =	wrdreg s24  }
0xb5: {  	[dreg:$0x3] =	wrdreg s16  }
0xb6: {  	[dreg:$0x4] =	wrdreg $0xA8000  }
0xb7: {  	[dreg:$0x5] =	wrdreg $0x9  }
0xb8: {  	_ =	task.clear_ibuf [dreg:s7], $0x6FFFF;
	_ =	strace $0x90000049  }
0xb9: {  	s29 =	simm.s32 $0x9;
	_ =	strace $0x8000004B  }
0xba: {  	_ =	swait.ge [sflag:s29], $0x1  }
0xbb: {  	[sflag:s29] =	ssyncadd.s32 $0xFFFFFFFF  }
0xbc: {  	_ =	strace $0x9000004B  }
0xbd: {  	_ =	sfence  }
0xbe: {  	s30 =	sld [smem:$0x0];
	_ =	sdelay $0x2  }
0xbf: {  	s31 =	sshll.u32 s1, $0xD;
	s1 =	sshrl.u32 s1, $0x2  }
0xc0: {  	s3 =	sand.u32 $0x4000, s31;
	s1 =	sadd.s32 s1, s30  }
0xc1: {  	s0 =	sor.u32 s3, s0;
	s1 =	sshll.u32 s1, $0x11  }
0xc2: {  	s0 =	sor.u32 s1, s0  }
0xc3: {  	s0 =	sadd.s32 $0x8F2B, s0  }
0xc4: {  	[sflag:s0] =	ssyncadd.remote.s32 $0x1  }
0xc5: {  	_ =	sfence.sel $0xFFFF  }
0xc6: {  	[dreg:$0x0] =	wrdreg $0xFFFFFFFF;
	(pc) =	sbr.abs _section_cstart, $3  }
0xc7: {  	[dreg:$0x1] =	wrdreg $0xFFFFFFFF  }
0xc8: {  	_ =	task.clear_ibuf [dreg:s7], $0x2FFFF;
	_ =	strace $0x9FFFFFFF  }
0xc9: {  	(tm) =	ssettm $0x7FFFFFFF  }
tec
execute0_lowered:
.L_overlay_start_1:
0x0: {  	(tag) =	ssettag $0x1  }
0x1: {  	s1 =	rddreg [dreg:$0x0]  }
0x2: {  	s2 =	srdreg.scid;
	s0 =	stileid.u32  }
0x3: {  	s8 =	rddreg [dreg:$0x1];
	s14 =	simm.s32 $0x5;
	s15 =	simm.s32 $0x1400  }
0x4: {  	s16 =	simm.s32 $0x2800;
	s17 =	simm.s32 $0x40;
	s18 =	simm.s32 $0x4800  }
0x5: {  	s19 =	simm.s32 $0x80;
	s20 =	simm.s32 $0x6800;
	s21 =	simm.s32 $0xC0  }
0x6: {  	s22 =	simm.s32 $0x8800;
	s23 =	simm.s32 $0x1;
	s24 =	simm.s32 $0x2  }
0x7: {  	s25 =	simm.s32 $0x3;
	s26 =	simm.s32 $0x4;
	s28 =	simm.s32 $0x2700  }
0x8: {  	s29 =	simm.s32 $0x2780;
	s30 =	simm.s32 $0x0;
	s4 =	sand.u32 $0x1, s2  }
0x9: {  	s3 =	sshll.u32 s0, $0x1;
	s2 =	rddreg [dreg:$0x2];
	s9 =	smul.u32 $0x14000, s0  }
0xa: {  	s11 =	smul.u32 $0x50000, s0;
	s5 =	sor.u32 s4, s3;
	s3 =	simm.s32 $0x0  }
0xb: {  	s6 =	smul.u32 $0x140000, s4;
	s7 =	ssub.s32 $0x2, s4;
	s4 =	sadd.s32 $0x35000, s1  }
0xc: {  	s5 =	smul.u32 $0x280, s5;
	[smem:$0x7FF] =	sst s3;
	s10 =	sshrl.u32 s7, $0x1  }
0xd: {  	s31 =	sshrl.u32 s11, $0x2;
	_ =	strace $0x8000004A;
	s10 =	ssub.s32 s7, s10  }
0xe: {  	s6 =	sadd.s32 s9, s6;
	s7 =	sadd.s32 s31, s2;
	s1 =	sadd.s32 s5, s1  }
0xf: {  	s9 =	sshrl.u32 s6, $0x3;
	s11 =	sadd.s32 $0x8000, s7;
	s12 =	sadd.s32 $0xC000, s7  }
0x10: {  	s13 =	sadd.s32 $0x10000, s7;
	s5 =	sadd.s32 $0x3000, s1;
	s6 =	sadd.s32 $0x8000, s1  }
0x11: {  	v0 =	vimm.f32 $0.0e+00;
	s8 =	sadd.s32 s8, s9;
	s9 =	smax.u32 s10, $0x1;
	s10 =	sadd.s32 $0x4000, s7  }
.LBB2_1:
0x12: {  	[tilespmem:s3], [sflag:$0x5] =	stream.linear.gather [hbm4b:s5+s3], $0x1400, $0x38;
	[tilespmem:$0x1E800] =	vst v63  }
0x13: {  	_ =	swait.ge [sflag:s14], $0x1400  }
0x14: {  	[sflag:s14] =	ssyncset.done $0x0  }
0x15: {  	[sflag:s14] =	ssyncadd.s32 $0xFFFFEC00  }
0x16: {  	[tilespmem:s15], [sflag:$0x5] =	stream.linear.gather [hbm4b:s6+s3], $0x1400, $0x38;
	[tilespmem:$0x1E800] =	vst v63  }
0x17: {  	_ =	swait.ge [sflag:s14], $0x1400  }
0x18: {  	[sflag:s14] =	ssyncset.done $0x0  }
0x19: {  	s31 =	simm.s32 $0x0;
	s1 =	simm.s32 $0x200;
	[sflag:s14] =	ssyncadd.s32 $0xFFFFEC00  }
.LBB2_2:
0x1a: {  	p0 =	sne.s32 s1, $0xFE00;
	[tilespmem:s31+$0x2870] =	vst v0  }
0x1b: {  	[tilespmem:s31+$0x2800] =	vst v0  }
0x1c: {  	[tilespmem:s31+$0x2810] =	vst v0  }
.Ltmp0:
0x1d: {  	[tilespmem:s31+$0x2820] =	vst v0;
	(pc) =	sbr.rel @p0 .LBB2_2-.Ltmp0, $4  }
0x1e: {  	[tilespmem:s31+$0x2830] =	vst v0  }
0x1f: {  	[tilespmem:s31+$0x2840] =	vst v0  }
0x20: {  	[tilespmem:s31+$0x2850] =	vst v0  }
0x21: {  	[tilespmem:s31+$0x2860] =	vst v0;
	s31 =	sshra.s32 s1, $0x2;
	s1 =	sadd.s32 $0x200, s1  }
0x22: {  	[tilespmem:s31+$0x2870] =	vst v0  }
0x23: {  	[tilespmem:s31+$0x2800] =	vst v0  }
0x24: {  	[tilespmem:s31+$0x2810] =	vst v0  }
0x25: {  	[tilespmem:s31+$0x2820] =	vst v0  }
0x26: {  	[tilespmem:s31+$0x2830] =	vst v0  }
0x27: {  	[tilespmem:s31+$0x2840] =	vst v0  }
0x28: {  	[tilespmem:s31+$0x2850] =	vst v0  }
0x29: {  	[tilespmem:s31+$0x2860] =	vst v0  }
0x2a: {  	[spmem:s7] =	stream.linear.scatter [tilespmem:s16], [sflag:$0x5], $0x4000, $0x38;
	[tilespmem:$0x1E800] =	vst v63  }
0x2b: {  	_ =	swait.ge [sflag:s14], $0x4000  }
0x2c: {  	[sflag:s14] =	ssyncset.done $0x0  }
0x2d: {  	[sflag:s14] =	ssyncadd.s32 $0xFFFFC000  }
0x2e: {  	[spmem:s10] =	stream.linear.scatter [tilespmem:s16], [sflag:$0x5], $0x4000, $0x38;
	[tilespmem:$0x1E800] =	vst v63  }
0x2f: {  	_ =	swait.ge [sflag:s14], $0x4000  }
0x30: {  	[sflag:s14] =	ssyncset.done $0x0  }
0x31: {  	[sflag:s14] =	ssyncadd.s32 $0xFFFFC000  }
0x32: {  	[spmem:s11] =	stream.linear.scatter [tilespmem:s16], [sflag:$0x5], $0x4000, $0x38;
	[tilespmem:$0x1E800] =	vst v63  }
0x33: {  	_ =	swait.ge [sflag:s14], $0x4000  }
0x34: {  	[sflag:s14] =	ssyncset.done $0x0  }
0x35: {  	[sflag:s14] =	ssyncadd.s32 $0xFFFFC000  }
0x36: {  	[spmem:s12] =	stream.linear.scatter [tilespmem:s16], [sflag:$0x5], $0x4000, $0x38;
	[tilespmem:$0x1E800] =	vst v63  }
0x37: {  	_ =	swait.ge [sflag:s14], $0x4000  }
0x38: {  	[sflag:s14] =	ssyncset.done $0x0  }
0x39: {  	[sflag:s14] =	ssyncadd.s32 $0xFFFFC000  }
0x3a: {  	[spmem:s13] =	stream.linear.scatter [tilespmem:s16], [sflag:$0x5], $0x4000, $0x38;
	[tilespmem:$0x1E800] =	vst v63  }
0x3b: {  	_ =	swait.ge [sflag:s14], $0x4000  }
0x3c: {  	[sflag:s14] =	ssyncset.done $0x0  }
0x3d: {  	[sflag:s14] =	ssyncadd.s32 $0xFFFFC000  }
0x3e: {  	s1 =	simm.s32 $0x0;
	[bflag:$0x0] =	sbarrier.arrive $0xFFFF  }
0x3f: {  	[tilespmem:s16], [sflag:$0x1] =	stream.indirect.gather [hbm4b:s4+s17], $0x80, s1, s17, $0xb8;
	[tilespmem:$0x1E800] =	vst v63  }
0x40: {  	_ = 	snop  }
0x41: {  	[tilespmem:s18], [sflag:$0x2] =	stream.indirect.gather [hbm4b:s4+s17], $0x80, s17, s17, $0xb8;
	[tilespmem:$0x1E800] =	vst v63  }
0x42: {  	_ = 	snop  }
0x43: {  	[tilespmem:s20], [sflag:$0x3] =	stream.indirect.gather [hbm4b:s4+s17], $0x80, s19, s17, $0xb8;
	[tilespmem:$0x1E800] =	vst v63  }
0x44: {  	_ = 	snop  }
0x45: {  	[tilespmem:s22], [sflag:$0x4] =	stream.indirect.gather [hbm4b:s4+s17], $0x80, s21, s17, $0xb8;
	[tilespmem:$0x1E800] =	vst v63  }
0x46: {  	_ =	swait.ge [sflag:s23], $0x2000  }
0x47: {  	[sflag:s23] =	ssyncset.done $0x0  }
0x48: {  	[sflag:s23] =	ssyncadd.s32 $0xFFFFE000  }
0x49: {  	_ =	swait.ge [sflag:s24], $0x2000  }
0x4a: {  	[sflag:s24] =	ssyncset.done $0x0  }
0x4b: {  	s0 =	simm.s32 $0x1400;
	[sflag:s24] =	ssyncadd.s32 $0xFFFFE000  }
0x4c: {  	[spmem:s2] =	stream.indirect.scatter.add.f32 [tilespmem:s16], [sflag:$0x5], $0x80, s0, s19, $0xb8;
	[tilespmem:$0x1E800] =	vst v63  }
0x4d: {  	_ =	swait.ge [sflag:s14], $0x4000  }
0x4e: {  	[sflag:s14] =	ssyncset.done $0x0  }
0x4f: {  	s0 =	simm.s32 $0x100;
	[sflag:s14] =	ssyncadd.s32 $0xFFFFC000  }
0x50: {  	[tilespmem:s16], [sflag:$0x1] =	stream.indirect.gather [hbm4b:s4+s17], $0x80, s0, s17, $0xb8;
	[tilespmem:$0x1E800] =	vst v63  }
0x51: {  	s0 =	simm.s32 $0x140  }
0x52: {  	[tilespmem:s18], [sflag:$0x2] =	stream.indirect.gather [hbm4b:s4+s17], $0x80, s0, s17, $0xb8;
	[tilespmem:$0x1E800] =	vst v63  }
0x53: {  	_ =	swait.ge [sflag:s25], $0x2000  }
0x54: {  	[sflag:s25] =	ssyncset.done $0x0  }
0x55: {  	[sflag:s25] =	ssyncadd.s32 $0xFFFFE000  }
0x56: {  	_ =	swait.ge [sflag:s26], $0x2000  }
0x57: {  	[sflag:s26] =	ssyncset.done $0x0  }
0x58: {  	s0 =	simm.s32 $0x1480;
	[sflag:s26] =	ssyncadd.s32 $0xFFFFE000  }
0x59: {  	[spmem:s2] =	stream.indirect.scatter.add.f32 [tilespmem:s20], [sflag:$0x5], $0x80, s0, s19, $0xb8;
	[tilespmem:$0x1E800] =	vst v63  }
0x5a: {  	_ =	swait.ge [sflag:s14], $0x4000  }
0x5b: {  	s31 =	simm.s32 $0x400;
	[sflag:s14] =	ssyncset.done $0x0  }
0x5c: {  	s1 =	simm.s32 $0x1C0;
	s0 =	simm.s32 $0x180;
	[sflag:s14] =	ssyncadd.s32 $0xFFFFC000  }
0x5d: {  	[tilespmem:s20], [sflag:$0x3] =	stream.indirect.gather [hbm4b:s4+s17], $0x80, s0, s17, $0xb8;
	[tilespmem:$0x1E800] =	vst v63  }
.LBB2_4:
0x5e: {  	[tilespmem:s22], [sflag:$0x4] =	stream.indirect.gather [hbm4b:s4+s17], $0x80, s1, s17, $0xb8;
	[tilespmem:$0x1E800] =	vst v63  }
0x5f: {  	s1 =	smov.u32 s31  }
0x60: {  	p0 =	sne.s32 s31, $0x4800;
	s31 =	sadd.s32 $0x400, s31;
	_ =	swait.ge [sflag:s23], $0x2000  }
0x61: {  	[sflag:s23] =	ssyncset.done $0x0  }
0x62: {  	[sflag:s23] =	ssyncadd.s32 $0xFFFFE000  }
0x63: {  	_ =	swait.ge [sflag:s24], $0x2000  }
0x64: {  	s1 =	sshra.s32 s1, $0x2;
	[sflag:s24] =	ssyncset.done $0x0  }
0x65: {  	s0 =	sadd.s32 $0x1400, s1;
	[sflag:s24] =	ssyncadd.s32 $0xFFFFE000  }
0x66: {  	[spmem:s2] =	stream.indirect.scatter.add.f32 [tilespmem:s16], [sflag:$0x5], $0x80, s0, s19, $0xb8;
	[tilespmem:$0x1E800] =	vst v63  }
0x67: {  	_ =	swait.ge [sflag:s14], $0x4000  }
0x68: {  	[sflag:s14] =	ssyncset.done $0x0  }
0x69: {  	s0 =	sadd.s32 $0x100, s1;
	[sflag:s14] =	ssyncadd.s32 $0xFFFFC000  }
0x6a: {  	[tilespmem:s16], [sflag:$0x1] =	stream.indirect.gather [hbm4b:s4+s17], $0x80, s0, s17, $0xb8;
	[tilespmem:$0x1E800] =	vst v63  }
0x6b: {  	s0 =	sadd.s32 $0x140, s1  }
0x6c: {  	[tilespmem:s18], [sflag:$0x2] =	stream.indirect.gather [hbm4b:s4+s17], $0x80, s0, s17, $0xb8;
	[tilespmem:$0x1E800] =	vst v63  }
0x6d: {  	_ =	swait.ge [sflag:s25], $0x2000  }
0x6e: {  	[sflag:s25] =	ssyncset.done $0x0  }
0x6f: {  	[sflag:s25] =	ssyncadd.s32 $0xFFFFE000  }
0x70: {  	_ =	swait.ge [sflag:s26], $0x2000  }
0x71: {  	[sflag:s26] =	ssyncset.done $0x0  }
0x72: {  	s0 =	sadd.s32 $0x1480, s1;
	[sflag:s26] =	ssyncadd.s32 $0xFFFFE000  }
0x73: {  	[spmem:s2] =	stream.indirect.scatter.add.f32 [tilespmem:s20], [sflag:$0x5], $0x80, s0, s19, $0xb8;
	[tilespmem:$0x1E800] =	vst v63  }
.Ltmp1:
0x74: {  	_ =	swait.ge [sflag:s14], $0x4000;
	(pc) =	sbr.rel @p0 .LBB2_4-.Ltmp1, $4  }
0x75: {  	[sflag:s14] =	ssyncset.done $0x0  }
0x76: {  	s0 =	sadd.s32 $0x180, s1;
	[sflag:s14] =	ssyncadd.s32 $0xFFFFC000  }
0x77: {  	[tilespmem:s20], [sflag:$0x3] =	stream.indirect.gather [hbm4b:s4+s17], $0x80, s0, s17, $0xb8;
	[tilespmem:$0x1E800] =	vst v63  }
0x78: {  	s1 =	sadd.s32 $0x1C0, s1  }
0x79: {  	[tilespmem:s22], [sflag:$0x4] =	stream.indirect.gather [hbm4b:s4+s17], $0x80, s1, s17, $0xb8;
	[tilespmem:$0x1E800] =	vst v63  }
0x7a: {  	_ =	swait.ge [sflag:s23], $0x2000  }
0x7b: {  	[sflag:s23] =	ssyncset.done $0x0  }
0x7c: {  	[sflag:s23] =	ssyncadd.s32 $0xFFFFE000  }
0x7d: {  	_ =	swait.ge [sflag:s24], $0x2000  }
0x7e: {  	[sflag:s24] =	ssyncset.done $0x0  }
0x7f: {  	[sflag:s24] =	ssyncadd.s32 $0xFFFFE000  }
0x80: {  	[spmem:s2] =	stream.indirect.scatter.add.f32 [tilespmem:s16], [sflag:$0x5], $0x80, s28, s19, $0xb8;
	[tilespmem:$0x1E800] =	vst v63  }
0x81: {  	_ =	swait.ge [sflag:s14], $0x4000  }
0x82: {  	[sflag:s14] =	ssyncset.done $0x0  }
0x83: {  	[sflag:s14] =	ssyncadd.s32 $0xFFFFC000  }
0x84: {  	_ =	swait.ge [sflag:s25], $0x2000  }
0x85: {  	[sflag:s25] =	ssyncset.done $0x0  }
0x86: {  	[sflag:s25] =	ssyncadd.s32 $0xFFFFE000  }
0x87: {  	_ =	swait.ge [sflag:s26], $0x2000  }
0x88: {  	[sflag:s26] =	ssyncset.done $0x0  }
0x89: {  	[sflag:s26] =	ssyncadd.s32 $0xFFFFE000  }
0x8a: {  	[spmem:s2] =	stream.indirect.scatter.add.f32 [tilespmem:s20], [sflag:$0x5], $0x80, s29, s19, $0xb8;
	[tilespmem:$0x1E800] =	vst v63  }
0x8b: {  	s0 =	stileid.u32;
	_ =	swait.ge [sflag:s14], $0x4000  }
0x8c: {  	s31 =	sshrl.u32 s7, $0x3;
	s30 =	sadd.s32 $0x1, s30;
	[sflag:s14] =	ssyncset.done $0x0  }
0x8d: {  	s0 =	sshll.u32 s0, $0x6;
	p0 =	sne.s32 s30, s9;
	[sflag:s14] =	ssyncadd.s32 $0xFFFFC000  }
.Ltmp2:
0x8e: {  	s0 =	sor.u32 $0x1C05, s0;
	[bflag:$0x0] =	sbarrier.arrive $0xFFFF;
	(pc) =	sbr.rel @p0 .LBB2_1-.Ltmp2, $4  }
0x8f: {  	[hbm:s8], [sflag:s0] =	dma.local [spmem:s31], $0x2800  }
0x90: {  	_ =	swait.ge [sflag:s14], $0x2800  }
0x91: {  	[sflag:s14] =	ssyncset.done $0x0  }
0x92: {  	[sflag:s14] =	ssyncadd.s32 $0xFFFFD800  }
0x93: {  	_ =	sfence.sel $0x180000  }
0x94: {  	[bflag:$0x0] =	sbarrier.arrive $0xFFFF  }
0x95: {  	_ =	strace $0x9000004A  }
0x96: {  	s0 =	stileid.u32;
	[bflag:$0x2] =	sbarrier.arrive $0xFFFF  }
0x97: {  	p0 =	sne.s32 s0, $0x0;
	s0 =	rddreg [dreg:$0x3]  }
0x98: {  	s0 =	sadd.s32 @!p0 $0x100000, s0  }
0x99: {  	[sflag:s0] =	ssyncadd.tile.s32 @!p0 $0x1;
	_ =	shalt  }
.Lfunc_end2:
_tile_overlayer_lowered:
.L_overlay_start_2:
0x9a: {  	(tag) =	ssettag $0x2  }
0x9b: {  	s0 =	rddreg [dreg:$0x0];
	s2 =	stileid.u32  }
0x9c: {  	s1 =	rddreg [dreg:$0x1];
	p0 =	sne.s32 s2, $0x0  }
0x9d: {  	s3 =	rddreg [dreg:$0x2];
	[bflag:$0x3] =	sbarrier.arrive $0xFFFF;
	s2 =	simm.s32 @!p0 $0x1C05  }
0x9e: {  	[timem:s3], [sflag:s2] =	dma.local @!p0 [hbm:s0], s1  }
0x9f: {  	s0 =	simm.s32 @!p0 $0x5  }
0xa0: {  	_ =	swait.ge @!p0 [sflag:s0], s1  }
0xa1: {  	s1 =	ssub.s32 @!p0 $0x0, s1;
	[sflag:s0] =	ssyncset.done @!p0 $0x0  }
0xa2: {  	[sflag:s0] =	ssyncadd.s32 @!p0 s1  }
0xa3: {  	[bflag:$0x3] =	sbarrier.arrive $0xFFFF  }
0xa4: {  	_ =	shalt  }

// kernel: kernel.15.cloned.1.call-start
scs
__scs_entry_jumppad:
0x0: {  	(pc) =	sbr.rel $0x88, $3  }
0x1: {  	(tag) =	ssettag $0x0;
	lr =	simm.s32 $0x1  }
0x2: {  	[smem:$0x3F97] =	sst lr;
	_ =	strace $0xD0000000  }
0x3: {  	_ = 	snop  }
0x4: {  	_ = 	snop  }
0x5: {  	_ = 	snop  }
0x6: {  	_ = 	snop  }
0x7: {  	_ = 	snop  }
__scs_overlays_trampoline_lowered:
0x8: {  	[smem:$0x3FA6] =	sst s0  }
0x9: {  	[smem:$0x3FA7] =	sst s1  }
0xa: {  	[smem:$0x3FA8] =	sst s2  }
0xb: {  	[smem:$0x3FA9] =	sst s3  }
0xc: {  	[smem:$0x3FAA] =	sst s4  }
0xd: {  	[smem:$0x3FAB] =	sst s5  }
0xe: {  	[smem:$0x3FAC] =	sst s6  }
0xf: {  	[smem:$0x3FAD] =	sst s7  }
0x10: {  	[smem:$0x3FAE] =	sst s8  }
0x11: {  	[smem:$0x3FAF] =	sst s9;
	s0 =	simm.s32 @!p0 $0x0  }
0x12: {  	s1 =	sld [smem:$0x3F95];
	s0 =	simm.s32 @p0 $0x1  }
0x13: {  	[smem:$0x3FB0] =	sst s0;
	s0 =	simm.s32 @!p1 $0x0  }
0x14: {  	s2 =	sld [smem:$0x3F94];
	s0 =	simm.s32 @p1 $0x1  }
0x15: {  	[smem:$0x3FB1] =	sst s0;
	s0 =	simm.s32 @!p2 $0x0  }
0x16: {  	s3 =	sld [smem:$0x3FDB];
	s0 =	simm.s32 @p2 $0x1  }
0x17: {  	s4 =	simm.s32 $0x1BF5;
	[smem:$0x3FB3] =	sst s0  }
0x18: {  	s0 =	sld [smem:$0x3F96];
	_ =	swait.ge [sflag:s4], $0x0  }
0x19: {  	s7 =	sld [smem:$0x3F97]  }
0x1a: {  	s8 =	sadd.s32 $0xFFFFE003, lr  }
0x1b: {  	s9 =	sadd.s32 $0xFFFFFEF7, lr;
	s5 =	simm.s32 $0xFFFFFFFF;
	p2 =	slt.u32 s8, $0xFFFFF086  }
0x1c: {  	p1 =	slt.u32 s9, $0xF7A;
	s5 =	simm.s32 @!p2 $0x0  }
0x1d: {  	s5 =	simm.s32 @p1 $0x1;
	p0 =	seq.s32 s7, s2  }
0x1e: {  	s7 =	smul.u32 @!p0 $0xF7A, s2;
	p2 =	seq.s32 @!p0 s5, $0x0  }
0x1f: {  	s9 =	smul.u32 $0xF7A, s1;
	s8 =	simm.s32 @!p0 $0x1BF5;
	p2 =	por !p2, p0  }
0x20: {  	[sflag:s8] =	ssyncset.s32 @!p0 $0xFFFFF086;
	s6 =	sadd.s32 @!p0 s3, s7;
	s7 =	simm.s32 @!p0 $0x108  }
0x21: {  	s3 =	sadd.s32 s3, s9;
	s6 =	sadd.s32 @!p0 $0x88, s6;
	s7 =	simm.s32 @p2 $0x1082  }
0x22: {  	[simem:s7], [sflag:s8] =	dma.local @!p0 [hbm:s6], $0xF7A  }
0x23: {  	s9 =	sor.u32 $0xD0000000, s2;
	s6 =	simm.s32 $0x108;
	_ =	swait.ge @!p0 [sflag:s8], $0x0  }
0x24: {  	s3 =	sadd.s32 $0x88, s3;
	s6 =	simm.s32 @!p1 $0x1082;
	[sflag:s4] =	ssyncset.s32 $0xFFFFF086  }
0x25: {  	[simem:s6], [sflag:s4] =	dma.local [hbm:s3], $0xF7A  }
0x26: {  	[smem:$0x3F97] =	sst s1;
	(tag) =	ssettag s2;
	_ =	strace s9  }
0x27: {  	s1 =	sld [smem:$0x3FA7]  }
0x28: {  	s2 =	sld [smem:$0x3FA8]  }
0x29: {  	s4 =	sld [smem:$0x3FAA]  }
0x2a: {  	p0 =	seq.s32 s5, $0x0;
	s5 =	sld [smem:$0x3FAB]  }
0x2b: {  	s6 =	sld [smem:$0x3FAC]  }
0x2c: {  	s7 =	sld [smem:$0x3FAD]  }
0x2d: {  	s3 =	simm.s32 $0x108;
	s8 =	sld [smem:$0x3FAE]  }
0x2e: {  	s3 =	simm.s32 @!p0 $0x1082;
	s9 =	sld [smem:$0x3FAF]  }
0x2f: {  	lr =	sadd.s32 s0, s3;
	s0 =	sld [smem:$0x3FA6]  }
0x30: {  	s3 =	sld [smem:$0x3FA9]  }
0x31: {  	[smem:$0x3FB2] =	sst s10  }
0x32: {  	s10 =	sld [smem:$0x3FB0];
	_ =	sdelay $0x3  }
0x33: {  	p0 =	seq.s32 s10, $0x1;
	s10 =	sld [smem:$0x3FB2];
	_ =	sdelay $0x3  }
0x34: {  	[smem:$0x3FB2] =	sst s10  }
0x35: {  	s10 =	sld [smem:$0x3FB1];
	_ =	sdelay $0x3  }
0x36: {  	p1 =	seq.s32 s10, $0x1;
	s10 =	sld [smem:$0x3FB2];
	_ =	sdelay $0x3  }
0x37: {  	[smem:$0x3FB2] =	sst s10  }
0x38: {  	s10 =	sld [smem:$0x3FB3]  }
0x39: {  	_ = 	snop;
	(pc) =	sbr.ind lr, $3  }
0x3a: {  	_ = 	snop  }
0x3b: {  	_ = 	snop  }
0x3c: {  	p2 =	seq.s32 s10, $0x1;
	s10 =	sld [smem:$0x3FB2]  }
0x3d: {  	_ =	shalt  }
0x3e: {  	_ =	shalt  }
0x3f: {  	_ =	shalt  }
0x40: {  	_ =	shalt  }
0x41: {  	_ =	shalt  }
0x42: {  	_ =	shalt  }
0x43: {  	_ =	shalt  }
0x44: {  	_ =	shalt  }
0x45: {  	_ =	shalt  }
0x46: {  	_ =	shalt  }
0x47: {  	_ =	shalt  }
0x48: {  	_ =	shalt  }
0x49: {  	_ =	shalt  }
0x4a: {  	_ =	shalt  }
0x4b: {  	_ =	shalt  }
0x4c: {  	_ =	shalt  }
0x4d: {  	_ =	shalt  }
0x4e: {  	_ =	shalt  }
0x4f: {  	_ =	shalt  }
0x50: {  	_ =	shalt  }
0x51: {  	_ =	shalt  }
0x52: {  	_ =	shalt  }
0x53: {  	_ =	shalt  }
0x54: {  	_ =	shalt  }
0x55: {  	_ =	shalt  }
0x56: {  	_ =	shalt  }
0x57: {  	_ =	shalt  }
0x58: {  	_ =	shalt  }
0x59: {  	_ =	shalt  }
0x5a: {  	_ =	shalt  }
0x5b: {  	_ =	shalt  }
0x5c: {  	_ =	shalt  }
0x5d: {  	_ =	shalt  }
0x5e: {  	_ =	shalt  }
0x5f: {  	_ =	shalt  }
0x60: {  	_ =	shalt  }
0x61: {  	_ =	shalt  }
0x62: {  	_ =	shalt  }
0x63: {  	_ =	shalt  }
0x64: {  	_ =	shalt  }
0x65: {  	_ =	shalt  }
0x66: {  	_ =	shalt  }
0x67: {  	_ =	shalt  }
0x68: {  	_ =	shalt  }
0x69: {  	_ =	shalt  }
0x6a: {  	_ =	shalt  }
0x6b: {  	_ =	shalt  }
0x6c: {  	_ =	shalt  }
0x6d: {  	_ =	shalt  }
0x6e: {  	_ =	shalt  }
0x6f: {  	_ =	shalt  }
0x70: {  	_ =	shalt  }
0x71: {  	_ =	shalt  }
0x72: {  	_ =	shalt  }
0x73: {  	_ =	shalt  }
0x74: {  	_ =	shalt  }
0x75: {  	_ =	shalt  }
0x76: {  	_ =	shalt  }
0x77: {  	_ =	shalt  }
0x78: {  	_ =	shalt  }
0x79: {  	_ =	shalt  }
0x7a: {  	_ =	shalt  }
0x7b: {  	_ =	shalt  }
0x7c: {  	_ =	shalt  }
0x7d: {  	_ =	shalt  }
0x7e: {  	_ =	shalt  }
0x7f: {  	_ =	shalt  }
0x80: {  	_ =	shalt  }
0x81: {  	_ =	shalt  }
0x82: {  	_ =	shalt  }
0x83: {  	_ =	shalt  }
0x84: {  	_ =	shalt  }
0x85: {  	_ =	shalt  }
0x86: {  	_ =	shalt  }
0x87: {  	_ =	shalt  }
.Lfunc_end0:
.L_simem_size_0:
called_computation.2_lowered:
.L_overlay_start_0:
0x88: {  	s2 =	sld [smem:$0x3FD9]  }
0x89: {  	s3 =	sld [smem:$0x3FFE];
	_ =	sdelay $0x1  }
0x8a: {  	s1 =	srdreg.scid  }
0x8b: {  	s0 =	sand.u32 $0x1, s1  }
0x8c: {  	s14 =	sshll.u32 s0, $0xA;
	s2 =	sadd.s32 s3, s2  }
0x8d: {  	s2 =	sadd.s32 s2, s14  }
0x8e: {  	[smem:$0x3FBE] =	sst s2  }
0x8f: {  	_ = 	snop  }
0x90: {  	s2 =	sld [smem:$0x3FD0];
	_ =	sdelay $0x2  }
0x91: {  	s15 =	simm.s32 $0xA;
	s4 =	simm.s32 $0x10  }
0x92: {  	[smem:s4], [sflag:s15] =	dma.local [hbm:s2], $0x1  }
0x93: {  	_ =	swait.eq [sflag:s15], $0x1  }
0x94: {  	[sflag:s15] =	ssyncset.done $0x0  }
0x95: {  	[sflag:s15] =	ssyncadd.s32 $0xFFFFFFFF  }
0x96: {  	s16 =	sld [smem:$0x10];
	(tm) =	ssettm $0x1  }
0x97: {  	s17 =	sld [smem:$0x3FFB];
	_ =	sdelay $0x3  }
0x98: {  	_ =	strace s17  }
0x99: {  	s3 =	sld [smem:$0x3FFC];
	_ =	sdelay $0x3  }
0x9a: {  	_ =	strace s3  }
0x9b: {  	s3 =	sld [smem:$0x3FFD];
	_ =	sdelay $0x3  }
0x9c: {  	_ =	strace s3  }
0x9d: {  	_ =	strace $0x8FFFFFFF  }
0x9e: {  	s18 =	sld [smem:$0x3FDB];
	_ =	sdelay $0x1  }
0x9f: {  	s19 =	simm.s32 $_scs_section_size  }
0xa0: {  	s5 =	simm.s32 $_size__tile_overlayer_lowered;
	s6 =	simm.s32 $_tile_overlayer_lowered  }
0xa1: {  	s22 =	simm.s32 $0x1BFF;
	s21 =	sshll.u32 s6, $0x1;
	s3 =	sadd.s32 s19, s18  }
0xa2: {  	s7 =	simm.s32 $0x0;
	s20 =	sshll.u32 s5, $0x1;
	s5 =	sadd.s32 s21, s3  }
0xa3: {  	[timem:s7], [sflag:s22] =	dma.local [hbm:s5], s20  }
0xa4: {  	_ =	swait.ge [sflag:s22], s20  }
0xa5: {  	s4 =	ssub.s32 $0x0, s20;
	[sflag:s22] =	ssyncset.done $0x0  }
0xa6: {  	[sflag:s22] =	ssyncadd.s32 s4;
	_ =	sdelay $0x1  }
0xa7: {  	s23 =	simm.s32 $0x1B8B  }
0xa8: {  	_ =	swait.ge [sflag:s23], $0x1  }
0xa9: {  	[sflag:s23] =	ssyncset.done $0x0  }
0xaa: {  	s25 =	simm.s32 $0x1B8E;
	s24 =	sld [smem:$0x3FFE];
	[sflag:s23] =	ssyncadd.s32 $0xFFFFFFFF  }
0xab: {  	s26 =	simm.s32 $execute0_lowered;
	[smem:$0x3FD2] =	sst s25  }
0xac: {  	s5 =	sshll.u32 s26, $0x1;
	_ =	strace $0x8000004C;
	[dreg:$0x1] =	wrdreg $0xFFFFFFFF  }
0xad: {  	s28 =	simm.s32 $_size_execute0_lowered;
	s3 =	sadd.s32 s3, s5;
	[dreg:$0x0] =	wrdreg $0x0  }
0xae: {  	s5 =	sshll.u32 s28, $0x1;
	[dreg:$0x2] =	wrdreg s3  }
0xaf: {  	[dreg:$0x3] =	wrdreg s5  }
0xb0: {  	[dreg:$0x4] =	wrdreg $0xC0  }
0xb1: {  	_ =	task [dreg:s7], $0x5FFFF  }
0xb2: {  	[dreg:$0x1] =	wrdreg $0xFFFFFFFF  }
0xb3: {  	[dreg:$0x0] =	wrdreg $0x60  }
0xb4: {  	[dreg:$0x2] =	wrdreg s16  }
0xb5: {  	[dreg:$0x3] =	wrdreg s24  }
0xb6: {  	[dreg:$0x4] =	wrdreg $0xA8000  }
0xb7: {  	[dreg:$0x5] =	wrdreg $0x9  }
0xb8: {  	_ =	task.clear_ibuf [dreg:s7], $0x6FFFF;
	_ =	strace $0x9000004C  }
0xb9: {  	s29 =	simm.s32 $0x9;
	_ =	strace $0x8000004E  }
0xba: {  	_ =	swait.ge [sflag:s29], $0x1  }
0xbb: {  	[sflag:s29] =	ssyncadd.s32 $0xFFFFFFFF  }
0xbc: {  	_ =	strace $0x9000004E  }
0xbd: {  	_ =	sfence  }
0xbe: {  	s30 =	sld [smem:$0x0];
	_ =	sdelay $0x2  }
0xbf: {  	s31 =	sshll.u32 s1, $0xD;
	s1 =	sshrl.u32 s1, $0x2  }
0xc0: {  	s3 =	sand.u32 $0x4000, s31;
	s1 =	sadd.s32 s1, s30  }
0xc1: {  	s0 =	sor.u32 s3, s0;
	s1 =	sshll.u32 s1, $0x11  }
0xc2: {  	s0 =	sor.u32 s1, s0  }
0xc3: {  	s0 =	sadd.s32 $0x8F2B, s0  }
0xc4: {  	[sflag:s0] =	ssyncadd.remote.s32 $0x1  }
0xc5: {  	_ =	sfence.sel $0xFFFF  }
0xc6: {  	[dreg:$0x0] =	wrdreg $0xFFFFFFFF;
	(pc) =	sbr.abs _section_cstart, $3  }
0xc7: {  	[dreg:$0x1] =	wrdreg $0xFFFFFFFF  }
0xc8: {  	_ =	task.clear_ibuf [dreg:s7], $0x2FFFF;
	_ =	strace $0x9FFFFFFF  }
0xc9: {  	(tm) =	ssettm $0x7FFFFFFF  }
tec
execute0_lowered:
.L_overlay_start_1:
0x0: {  	(tag) =	ssettag $0x1  }
0x1: {  	s1 =	rddreg [dreg:$0x0]  }
0x2: {  	s0 =	rddreg [dreg:$0x1]  }
0x3: {  	s3 =	rddreg [dreg:$0x2]  }
0x4: {  	s2 =	srdreg.scid;
	s25 =	stileid.u32;
	s4 =	simm.s32 $0x0  }
0x5: {  	s14 =	simm.s32 $0x5;
	s15 =	simm.s32 $0x1400;
	s16 =	simm.s32 $0x2800  }
0x6: {  	s17 =	simm.s32 $0x40;
	s18 =	simm.s32 $0x4800;
	s19 =	simm.s32 $0x80  }
0x7: {  	s20 =	simm.s32 $0x6800;
	s21 =	simm.s32 $0xC0;
	s22 =	simm.s32 $0x8800  }
0x8: {  	s23 =	simm.s32 $0x1;
	s24 =	simm.s32 $0x2;
	s28 =	simm.s32 $0x2700  }
0x9: {  	s29 =	simm.s32 $0x2780;
	s30 =	simm.s32 $0x0;
	s8 =	smul.u32 $0x14000, s25  }
0xa: {  	s5 =	sand.u32 $0x1, s2;
	s7 =	sshll.u32 s25, $0x1;
	s26 =	smul.u32 $0x50000, s25  }
0xb: {  	[smem:$0x7FF] =	sst s4;
	s25 =	simm.s32 $0x3;
	s6 =	smul.u32 $0x140000, s5  }
0xc: {  	s7 =	sor.u32 s5, s7;
	_ =	strace $0x8000004D;
	s5 =	ssub.s32 $0x2, s5  }
0xd: {  	s7 =	smul.u32 $0x280, s7;
	s31 =	sshrl.u32 s5, $0x1;
	s6 =	sadd.s32 s8, s6  }
0xe: {  	s9 =	ssub.s32 s5, s31;
	s8 =	sshrl.u32 s26, $0x2;
	s6 =	sshrl.u32 s6, $0x3  }
0xf: {  	s26 =	simm.s32 $0x4;
	s7 =	sadd.s32 s7, s0;
	s0 =	sadd.s32 s6, s0  }
0x10: {  	s5 =	sadd.s32 $0x3000, s7;
	s6 =	sadd.s32 $0x8000, s7;
	s7 =	sadd.s32 s8, s3  }
0x11: {  	s9 =	smax.u32 s9, $0x1;
	s8 =	sadd.s32 $0x35000, s0;
	s10 =	sadd.s32 $0x4000, s7  }
0x12: {  	v0 =	vimm.f32 $0.0e+00;
	s11 =	sadd.s32 $0x8000, s7;
	s12 =	sadd.s32 $0xC000, s7;
	s13 =	sadd.s32 $0x10000, s7  }
.LBB2_1:
0x13: {  	[tilespmem:s4], [sflag:$0x5] =	stream.linear.gather [hbm4b:s5+s4], $0x1400, $0x38;
	[tilespmem:$0x1E800] =	vst v63  }
0x14: {  	_ =	swait.ge [sflag:s14], $0x1400  }
0x15: {  	[sflag:s14] =	ssyncset.done $0x0  }
0x16: {  	[sflag:s14] =	ssyncadd.s32 $0xFFFFEC00  }
0x17: {  	[tilespmem:s15], [sflag:$0x5] =	stream.linear.gather [hbm4b:s6+s4], $0x1400, $0x38;
	[tilespmem:$0x1E800] =	vst v63  }
0x18: {  	_ =	swait.ge [sflag:s14], $0x1400  }
0x19: {  	[sflag:s14] =	ssyncset.done $0x0  }
0x1a: {  	s31 =	simm.s32 $0x0;
	s0 =	simm.s32 $0x200;
	[sflag:s14] =	ssyncadd.s32 $0xFFFFEC00  }
.LBB2_2:
0x1b: {  	p0 =	sne.s32 s0, $0xFE00;
	[tilespmem:s31+$0x2870] =	vst v0  }
0x1c: {  	[tilespmem:s31+$0x2800] =	vst v0  }
0x1d: {  	[tilespmem:s31+$0x2810] =	vst v0  }
.Ltmp0:
0x1e: {  	[tilespmem:s31+$0x2820] =	vst v0;
	(pc) =	sbr.rel @p0 .LBB2_2-.Ltmp0, $4  }
0x1f: {  	[tilespmem:s31+$0x2830] =	vst v0  }
0x20: {  	[tilespmem:s31+$0x2840] =	vst v0  }
0x21: {  	[tilespmem:s31+$0x2850] =	vst v0  }
0x22: {  	[tilespmem:s31+$0x2860] =	vst v0;
	s31 =	sshra.s32 s0, $0x2;
	s0 =	sadd.s32 $0x200, s0  }
0x23: {  	[tilespmem:s31+$0x2870] =	vst v0  }
0x24: {  	[tilespmem:s31+$0x2800] =	vst v0  }
0x25: {  	[tilespmem:s31+$0x2810] =	vst v0  }
0x26: {  	[tilespmem:s31+$0x2820] =	vst v0  }
0x27: {  	[tilespmem:s31+$0x2830] =	vst v0  }
0x28: {  	[tilespmem:s31+$0x2840] =	vst v0  }
0x29: {  	[tilespmem:s31+$0x2850] =	vst v0  }
0x2a: {  	[tilespmem:s31+$0x2860] =	vst v0  }
0x2b: {  	[spmem:s7] =	stream.linear.scatter [tilespmem:s16], [sflag:$0x5], $0x4000, $0x38;
	[tilespmem:$0x1E800] =	vst v63  }
0x2c: {  	_ =	swait.ge [sflag:s14], $0x4000  }
0x2d: {  	[sflag:s14] =	ssyncset.done $0x0  }
0x2e: {  	[sflag:s14] =	ssyncadd.s32 $0xFFFFC000  }
0x2f: {  	[spmem:s10] =	stream.linear.scatter [tilespmem:s16], [sflag:$0x5], $0x4000, $0x38;
	[tilespmem:$0x1E800] =	vst v63  }
0x30: {  	_ =	swait.ge [sflag:s14], $0x4000  }
0x31: {  	[sflag:s14] =	ssyncset.done $0x0  }
0x32: {  	[sflag:s14] =	ssyncadd.s32 $0xFFFFC000  }
0x33: {  	[spmem:s11] =	stream.linear.scatter [tilespmem:s16], [sflag:$0x5], $0x4000, $0x38;
	[tilespmem:$0x1E800] =	vst v63  }
0x34: {  	_ =	swait.ge [sflag:s14], $0x4000  }
0x35: {  	[sflag:s14] =	ssyncset.done $0x0  }
0x36: {  	[sflag:s14] =	ssyncadd.s32 $0xFFFFC000  }
0x37: {  	[spmem:s12] =	stream.linear.scatter [tilespmem:s16], [sflag:$0x5], $0x4000, $0x38;
	[tilespmem:$0x1E800] =	vst v63  }
0x38: {  	_ =	swait.ge [sflag:s14], $0x4000  }
0x39: {  	[sflag:s14] =	ssyncset.done $0x0  }
0x3a: {  	[sflag:s14] =	ssyncadd.s32 $0xFFFFC000  }
0x3b: {  	[spmem:s13] =	stream.linear.scatter [tilespmem:s16], [sflag:$0x5], $0x4000, $0x38;
	[tilespmem:$0x1E800] =	vst v63  }
0x3c: {  	_ =	swait.ge [sflag:s14], $0x4000  }
0x3d: {  	[sflag:s14] =	ssyncset.done $0x0  }
0x3e: {  	[sflag:s14] =	ssyncadd.s32 $0xFFFFC000  }
0x3f: {  	s0 =	simm.s32 $0x0;
	[bflag:$0x0] =	sbarrier.arrive $0xFFFF  }
0x40: {  	[tilespmem:s16], [sflag:$0x1] =	stream.indirect.gather [hbm4b:s1+s17], $0x80, s0, s17, $0xb8;
	[tilespmem:$0x1E800] =	vst v63  }
0x41: {  	_ = 	snop  }
0x42: {  	[tilespmem:s18], [sflag:$0x2] =	stream.indirect.gather [hbm4b:s1+s17], $0x80, s17, s17, $0xb8;
	[tilespmem:$0x1E800] =	vst v63  }
0x43: {  	_ = 	snop  }
0x44: {  	[tilespmem:s20], [sflag:$0x3] =	stream.indirect.gather [hbm4b:s1+s17], $0x80, s19, s17, $0xb8;
	[tilespmem:$0x1E800] =	vst v63  }
0x45: {  	_ = 	snop  }
0x46: {  	[tilespmem:s22], [sflag:$0x4] =	stream.indirect.gather [hbm4b:s1+s17], $0x80, s21, s17, $0xb8;
	[tilespmem:$0x1E800] =	vst v63  }
0x47: {  	_ =	swait.ge [sflag:s23], $0x2000  }
0x48: {  	[sflag:s23] =	ssyncset.done $0x0  }
0x49: {  	[sflag:s23] =	ssyncadd.s32 $0xFFFFE000  }
0x4a: {  	_ =	swait.ge [sflag:s24], $0x2000  }
0x4b: {  	[sflag:s24] =	ssyncset.done $0x0  }
0x4c: {  	s2 =	simm.s32 $0x1400;
	[sflag:s24] =	ssyncadd.s32 $0xFFFFE000  }
0x4d: {  	[spmem:s3] =	stream.indirect.scatter.add.f32 [tilespmem:s16], [sflag:$0x5], $0x80, s2, s19, $0xb8;
	[tilespmem:$0x1E800] =	vst v63  }
0x4e: {  	_ =	swait.ge [sflag:s14], $0x4000  }
0x4f: {  	[sflag:s14] =	ssyncset.done $0x0  }
0x50: {  	s2 =	simm.s32 $0x100;
	[sflag:s14] =	ssyncadd.s32 $0xFFFFC000  }
0x51: {  	[tilespmem:s16], [sflag:$0x1] =	stream.indirect.gather [hbm4b:s1+s17], $0x80, s2, s17, $0xb8;
	[tilespmem:$0x1E800] =	vst v63  }
0x52: {  	s2 =	simm.s32 $0x140  }
0x53: {  	[tilespmem:s18], [sflag:$0x2] =	stream.indirect.gather [hbm4b:s1+s17], $0x80, s2, s17, $0xb8;
	[tilespmem:$0x1E800] =	vst v63  }
0x54: {  	_ =	swait.ge [sflag:s25], $0x2000  }
0x55: {  	[sflag:s25] =	ssyncset.done $0x0  }
0x56: {  	[sflag:s25] =	ssyncadd.s32 $0xFFFFE000  }
0x57: {  	_ =	swait.ge [sflag:s26], $0x2000  }
0x58: {  	[sflag:s26] =	ssyncset.done $0x0  }
0x59: {  	s2 =	simm.s32 $0x1480;
	[sflag:s26] =	ssyncadd.s32 $0xFFFFE000  }
0x5a: {  	[spmem:s3] =	stream.indirect.scatter.add.f32 [tilespmem:s20], [sflag:$0x5], $0x80, s2, s19, $0xb8;
	[tilespmem:$0x1E800] =	vst v63  }
0x5b: {  	_ =	swait.ge [sflag:s14], $0x4000  }
0x5c: {  	s31 =	simm.s32 $0x400;
	[sflag:s14] =	ssyncset.done $0x0  }
0x5d: {  	s0 =	simm.s32 $0x1C0;
	s2 =	simm.s32 $0x180;
	[sflag:s14] =	ssyncadd.s32 $0xFFFFC000  }
0x5e: {  	[tilespmem:s20], [sflag:$0x3] =	stream.indirect.gather [hbm4b:s1+s17], $0x80, s2, s17, $0xb8;
	[tilespmem:$0x1E800] =	vst v63  }
.LBB2_4:
0x5f: {  	[tilespmem:s22], [sflag:$0x4] =	stream.indirect.gather [hbm4b:s1+s17], $0x80, s0, s17, $0xb8;
	[tilespmem:$0x1E800] =	vst v63  }
0x60: {  	s0 =	smov.u32 s31  }
0x61: {  	p0 =	sne.s32 s31, $0x4800;
	s31 =	sadd.s32 $0x400, s31;
	_ =	swait.ge [sflag:s23], $0x2000  }
0x62: {  	[sflag:s23] =	ssyncset.done $0x0  }
0x63: {  	[sflag:s23] =	ssyncadd.s32 $0xFFFFE000  }
0x64: {  	_ =	swait.ge [sflag:s24], $0x2000  }
0x65: {  	s0 =	sshra.s32 s0, $0x2;
	[sflag:s24] =	ssyncset.done $0x0  }
0x66: {  	s2 =	sadd.s32 $0x1400, s0;
	[sflag:s24] =	ssyncadd.s32 $0xFFFFE000  }
0x67: {  	[spmem:s3] =	stream.indirect.scatter.add.f32 [tilespmem:s16], [sflag:$0x5], $0x80, s2, s19, $0xb8;
	[tilespmem:$0x1E800] =	vst v63  }
0x68: {  	_ =	swait.ge [sflag:s14], $0x4000  }
0x69: {  	[sflag:s14] =	ssyncset.done $0x0  }
0x6a: {  	s2 =	sadd.s32 $0x100, s0;
	[sflag:s14] =	ssyncadd.s32 $0xFFFFC000  }
0x6b: {  	[tilespmem:s16], [sflag:$0x1] =	stream.indirect.gather [hbm4b:s1+s17], $0x80, s2, s17, $0xb8;
	[tilespmem:$0x1E800] =	vst v63  }
0x6c: {  	s2 =	sadd.s32 $0x140, s0  }
0x6d: {  	[tilespmem:s18], [sflag:$0x2] =	stream.indirect.gather [hbm4b:s1+s17], $0x80, s2, s17, $0xb8;
	[tilespmem:$0x1E800] =	vst v63  }
0x6e: {  	_ =	swait.ge [sflag:s25], $0x2000  }
0x6f: {  	[sflag:s25] =	ssyncset.done $0x0  }
0x70: {  	[sflag:s25] =	ssyncadd.s32 $0xFFFFE000  }
0x71: {  	_ =	swait.ge [sflag:s26], $0x2000  }
0x72: {  	[sflag:s26] =	ssyncset.done $0x0  }
0x73: {  	s2 =	sadd.s32 $0x1480, s0;
	[sflag:s26] =	ssyncadd.s32 $0xFFFFE000  }
0x74: {  	[spmem:s3] =	stream.indirect.scatter.add.f32 [tilespmem:s20], [sflag:$0x5], $0x80, s2, s19, $0xb8;
	[tilespmem:$0x1E800] =	vst v63  }
.Ltmp1:
0x75: {  	_ =	swait.ge [sflag:s14], $0x4000;
	(pc) =	sbr.rel @p0 .LBB2_4-.Ltmp1, $4  }
0x76: {  	[sflag:s14] =	ssyncset.done $0x0  }
0x77: {  	s2 =	sadd.s32 $0x180, s0;
	[sflag:s14] =	ssyncadd.s32 $0xFFFFC000  }
0x78: {  	[tilespmem:s20], [sflag:$0x3] =	stream.indirect.gather [hbm4b:s1+s17], $0x80, s2, s17, $0xb8;
	[tilespmem:$0x1E800] =	vst v63  }
0x79: {  	s0 =	sadd.s32 $0x1C0, s0  }
0x7a: {  	[tilespmem:s22], [sflag:$0x4] =	stream.indirect.gather [hbm4b:s1+s17], $0x80, s0, s17, $0xb8;
	[tilespmem:$0x1E800] =	vst v63  }
0x7b: {  	_ =	swait.ge [sflag:s23], $0x2000  }
0x7c: {  	[sflag:s23] =	ssyncset.done $0x0  }
0x7d: {  	[sflag:s23] =	ssyncadd.s32 $0xFFFFE000  }
0x7e: {  	_ =	swait.ge [sflag:s24], $0x2000  }
0x7f: {  	[sflag:s24] =	ssyncset.done $0x0  }
0x80: {  	[sflag:s24] =	ssyncadd.s32 $0xFFFFE000  }
0x81: {  	[spmem:s3] =	stream.indirect.scatter.add.f32 [tilespmem:s16], [sflag:$0x5], $0x80, s28, s19, $0xb8;
	[tilespmem:$0x1E800] =	vst v63  }
0x82: {  	_ =	swait.ge [sflag:s14], $0x4000  }
0x83: {  	[sflag:s14] =	ssyncset.done $0x0  }
0x84: {  	[sflag:s14] =	ssyncadd.s32 $0xFFFFC000  }
0x85: {  	_ =	swait.ge [sflag:s25], $0x2000  }
0x86: {  	[sflag:s25] =	ssyncset.done $0x0  }
0x87: {  	[sflag:s25] =	ssyncadd.s32 $0xFFFFE000  }
0x88: {  	_ =	swait.ge [sflag:s26], $0x2000  }
0x89: {  	[sflag:s26] =	ssyncset.done $0x0  }
0x8a: {  	[sflag:s26] =	ssyncadd.s32 $0xFFFFE000  }
0x8b: {  	[spmem:s3] =	stream.indirect.scatter.add.f32 [tilespmem:s20], [sflag:$0x5], $0x80, s29, s19, $0xb8;
	[tilespmem:$0x1E800] =	vst v63  }
0x8c: {  	s31 =	stileid.u32;
	_ =	swait.ge [sflag:s14], $0x4000  }
0x8d: {  	s2 =	sshrl.u32 s7, $0x3;
	s30 =	sadd.s32 $0x1, s30;
	[sflag:s14] =	ssyncset.done $0x0  }
0x8e: {  	s0 =	sshll.u32 s31, $0x6;
	p0 =	sne.s32 s30, s9;
	[sflag:s14] =	ssyncadd.s32 $0xFFFFC000  }
.Ltmp2:
0x8f: {  	s0 =	sor.u32 $0x1C05, s0;
	[bflag:$0x0] =	sbarrier.arrive $0xFFFF;
	(pc) =	sbr.rel @p0 .LBB2_1-.Ltmp2, $4  }
0x90: {  	[hbm:s8], [sflag:s0] =	dma.local [spmem:s2], $0x2800  }
0x91: {  	_ =	swait.ge [sflag:s14], $0x2800  }
0x92: {  	[sflag:s14] =	ssyncset.done $0x0  }
0x93: {  	[sflag:s14] =	ssyncadd.s32 $0xFFFFD800  }
0x94: {  	_ =	sfence.sel $0x180000  }
0x95: {  	[bflag:$0x0] =	sbarrier.arrive $0xFFFF  }
0x96: {  	_ =	strace $0x9000004D  }
0x97: {  	s0 =	stileid.u32;
	[bflag:$0x2] =	sbarrier.arrive $0xFFFF  }
0x98: {  	p0 =	sne.s32 s0, $0x0;
	s0 =	rddreg [dreg:$0x3]  }
0x99: {  	s0 =	sadd.s32 @!p0 $0x100000, s0  }
0x9a: {  	[sflag:s0] =	ssyncadd.tile.s32 @!p0 $0x1;
	_ =	shalt  }
.Lfunc_end2:
_tile_overlayer_lowered:
.L_overlay_start_2:
0x9b: {  	(tag) =	ssettag $0x2  }
0x9c: {  	s0 =	rddreg [dreg:$0x0];
	s2 =	stileid.u32  }
0x9d: {  	s1 =	rddreg [dreg:$0x1];
	p0 =	sne.s32 s2, $0x0  }
0x9e: {  	s3 =	rddreg [dreg:$0x2];
	[bflag:$0x3] =	sbarrier.arrive $0xFFFF;
	s2 =	simm.s32 @!p0 $0x1C05  }
0x9f: {  	[timem:s3], [sflag:s2] =	dma.local @!p0 [hbm:s0], s1  }
0xa0: {  	s0 =	simm.s32 @!p0 $0x5  }
0xa1: {  	_ =	swait.ge @!p0 [sflag:s0], s1  }
0xa2: {  	s1 =	ssub.s32 @!p0 $0x0, s1;
	[sflag:s0] =	ssyncset.done @!p0 $0x0  }
0xa3: {  	[sflag:s0] =	ssyncadd.s32 @!p0 s1  }
0xa4: {  	[bflag:$0x3] =	sbarrier.arrive $0xFFFF  }
0xa5: {  	_ =	shalt  }

// kernel: kernel.9.cloned.1.call-start
scs
__scs_entry_jumppad:
0x0: {  	(pc) =	sbr.rel $0x88, $3  }
0x1: {  	(tag) =	ssettag $0x0;
	lr =	simm.s32 $0x1  }
0x2: {  	[smem:$0x3F97] =	sst lr;
	_ =	strace $0xD0000000  }
0x3: {  	_ = 	snop  }
0x4: {  	_ = 	snop  }
0x5: {  	_ = 	snop  }
0x6: {  	_ = 	snop  }
0x7: {  	_ = 	snop  }
__scs_overlays_trampoline_lowered:
0x8: {  	[smem:$0x3FA6] =	sst s0  }
0x9: {  	[smem:$0x3FA7] =	sst s1  }
0xa: {  	[smem:$0x3FA8] =	sst s2  }
0xb: {  	[smem:$0x3FA9] =	sst s3  }
0xc: {  	[smem:$0x3FAA] =	sst s4  }
0xd: {  	[smem:$0x3FAB] =	sst s5  }
0xe: {  	[smem:$0x3FAC] =	sst s6  }
0xf: {  	[smem:$0x3FAD] =	sst s7  }
0x10: {  	[smem:$0x3FAE] =	sst s8  }
0x11: {  	[smem:$0x3FAF] =	sst s9;
	s0 =	simm.s32 @!p0 $0x0  }
0x12: {  	s1 =	sld [smem:$0x3F95];
	s0 =	simm.s32 @p0 $0x1  }
0x13: {  	[smem:$0x3FB0] =	sst s0;
	s0 =	simm.s32 @!p1 $0x0  }
0x14: {  	s2 =	sld [smem:$0x3F94];
	s0 =	simm.s32 @p1 $0x1  }
0x15: {  	[smem:$0x3FB1] =	sst s0;
	s0 =	simm.s32 @!p2 $0x0  }
0x16: {  	s3 =	sld [smem:$0x3FDB];
	s0 =	simm.s32 @p2 $0x1  }
0x17: {  	s4 =	simm.s32 $0x1BF5;
	[smem:$0x3FB3] =	sst s0  }
0x18: {  	s0 =	sld [smem:$0x3F96];
	_ =	swait.ge [sflag:s4], $0x0  }
0x19: {  	s7 =	sld [smem:$0x3F97]  }
0x1a: {  	s8 =	sadd.s32 $0xFFFFE003, lr  }
0x1b: {  	s9 =	sadd.s32 $0xFFFFFEF7, lr;
	s5 =	simm.s32 $0xFFFFFFFF;
	p2 =	slt.u32 s8, $0xFFFFF086  }
0x1c: {  	p1 =	slt.u32 s9, $0xF7A;
	s5 =	simm.s32 @!p2 $0x0  }
0x1d: {  	s5 =	simm.s32 @p1 $0x1;
	p0 =	seq.s32 s7, s2  }
0x1e: {  	s7 =	smul.u32 @!p0 $0xF7A, s2;
	p2 =	seq.s32 @!p0 s5, $0x0  }
0x1f: {  	s9 =	smul.u32 $0xF7A, s1;
	s8 =	simm.s32 @!p0 $0x1BF5;
	p2 =	por !p2, p0  }
0x20: {  	[sflag:s8] =	ssyncset.s32 @!p0 $0xFFFFF086;
	s6 =	sadd.s32 @!p0 s3, s7;
	s7 =	simm.s32 @!p0 $0x108  }
0x21: {  	s3 =	sadd.s32 s3, s9;
	s6 =	sadd.s32 @!p0 $0x88, s6;
	s7 =	simm.s32 @p2 $0x1082  }
0x22: {  	[simem:s7], [sflag:s8] =	dma.local @!p0 [hbm:s6], $0xF7A  }
0x23: {  	s9 =	sor.u32 $0xD0000000, s2;
	s6 =	simm.s32 $0x108;
	_ =	swait.ge @!p0 [sflag:s8], $0x0  }
0x24: {  	s3 =	sadd.s32 $0x88, s3;
	s6 =	simm.s32 @!p1 $0x1082;
	[sflag:s4] =	ssyncset.s32 $0xFFFFF086  }
0x25: {  	[simem:s6], [sflag:s4] =	dma.local [hbm:s3], $0xF7A  }
0x26: {  	[smem:$0x3F97] =	sst s1;
	(tag) =	ssettag s2;
	_ =	strace s9  }
0x27: {  	s1 =	sld [smem:$0x3FA7]  }
0x28: {  	s2 =	sld [smem:$0x3FA8]  }
0x29: {  	s4 =	sld [smem:$0x3FAA]  }
0x2a: {  	p0 =	seq.s32 s5, $0x0;
	s5 =	sld [smem:$0x3FAB]  }
0x2b: {  	s6 =	sld [smem:$0x3FAC]  }
0x2c: {  	s7 =	sld [smem:$0x3FAD]  }
0x2d: {  	s3 =	simm.s32 $0x108;
	s8 =	sld [smem:$0x3FAE]  }
0x2e: {  	s3 =	simm.s32 @!p0 $0x1082;
	s9 =	sld [smem:$0x3FAF]  }
0x2f: {  	lr =	sadd.s32 s0, s3;
	s0 =	sld [smem:$0x3FA6]  }
0x30: {  	s3 =	sld [smem:$0x3FA9]  }
0x31: {  	[smem:$0x3FB2] =	sst s10  }
0x32: {  	s10 =	sld [smem:$0x3FB0];
	_ =	sdelay $0x3  }
0x33: {  	p0 =	seq.s32 s10, $0x1;
	s10 =	sld [smem:$0x3FB2];
	_ =	sdelay $0x3  }
0x34: {  	[smem:$0x3FB2] =	sst s10  }
0x35: {  	s10 =	sld [smem:$0x3FB1];
	_ =	sdelay $0x3  }
0x36: {  	p1 =	seq.s32 s10, $0x1;
	s10 =	sld [smem:$0x3FB2];
	_ =	sdelay $0x3  }
0x37: {  	[smem:$0x3FB2] =	sst s10  }
0x38: {  	s10 =	sld [smem:$0x3FB3]  }
0x39: {  	_ = 	snop;
	(pc) =	sbr.ind lr, $3  }
0x3a: {  	_ = 	snop  }
0x3b: {  	_ = 	snop  }
0x3c: {  	p2 =	seq.s32 s10, $0x1;
	s10 =	sld [smem:$0x3FB2]  }
0x3d: {  	_ =	shalt  }
0x3e: {  	_ =	shalt  }
0x3f: {  	_ =	shalt  }
0x40: {  	_ =	shalt  }
0x41: {  	_ =	shalt  }
0x42: {  	_ =	shalt  }
0x43: {  	_ =	shalt  }
0x44: {  	_ =	shalt  }
0x45: {  	_ =	shalt  }
0x46: {  	_ =	shalt  }
0x47: {  	_ =	shalt  }
0x48: {  	_ =	shalt  }
0x49: {  	_ =	shalt  }
0x4a: {  	_ =	shalt  }
0x4b: {  	_ =	shalt  }
0x4c: {  	_ =	shalt  }
0x4d: {  	_ =	shalt  }
0x4e: {  	_ =	shalt  }
0x4f: {  	_ =	shalt  }
0x50: {  	_ =	shalt  }
0x51: {  	_ =	shalt  }
0x52: {  	_ =	shalt  }
0x53: {  	_ =	shalt  }
0x54: {  	_ =	shalt  }
0x55: {  	_ =	shalt  }
0x56: {  	_ =	shalt  }
0x57: {  	_ =	shalt  }
0x58: {  	_ =	shalt  }
0x59: {  	_ =	shalt  }
0x5a: {  	_ =	shalt  }
0x5b: {  	_ =	shalt  }
0x5c: {  	_ =	shalt  }
0x5d: {  	_ =	shalt  }
0x5e: {  	_ =	shalt  }
0x5f: {  	_ =	shalt  }
0x60: {  	_ =	shalt  }
0x61: {  	_ =	shalt  }
0x62: {  	_ =	shalt  }
0x63: {  	_ =	shalt  }
0x64: {  	_ =	shalt  }
0x65: {  	_ =	shalt  }
0x66: {  	_ =	shalt  }
0x67: {  	_ =	shalt  }
0x68: {  	_ =	shalt  }
0x69: {  	_ =	shalt  }
0x6a: {  	_ =	shalt  }
0x6b: {  	_ =	shalt  }
0x6c: {  	_ =	shalt  }
0x6d: {  	_ =	shalt  }
0x6e: {  	_ =	shalt  }
0x6f: {  	_ =	shalt  }
0x70: {  	_ =	shalt  }
0x71: {  	_ =	shalt  }
0x72: {  	_ =	shalt  }
0x73: {  	_ =	shalt  }
0x74: {  	_ =	shalt  }
0x75: {  	_ =	shalt  }
0x76: {  	_ =	shalt  }
0x77: {  	_ =	shalt  }
0x78: {  	_ =	shalt  }
0x79: {  	_ =	shalt  }
0x7a: {  	_ =	shalt  }
0x7b: {  	_ =	shalt  }
0x7c: {  	_ =	shalt  }
0x7d: {  	_ =	shalt  }
0x7e: {  	_ =	shalt  }
0x7f: {  	_ =	shalt  }
0x80: {  	_ =	shalt  }
0x81: {  	_ =	shalt  }
0x82: {  	_ =	shalt  }
0x83: {  	_ =	shalt  }
0x84: {  	_ =	shalt  }
0x85: {  	_ =	shalt  }
0x86: {  	_ =	shalt  }
0x87: {  	_ =	shalt  }
.Lfunc_end0:
.L_simem_size_0:
called_computation_lowered:
.L_overlay_start_0:
0x88: {  	s2 =	sld [smem:$0x3FD9]  }
0x89: {  	s3 =	sld [smem:$0x3FFE];
	_ =	sdelay $0x1  }
0x8a: {  	s1 =	srdreg.scid  }
0x8b: {  	s0 =	sand.u32 $0x1, s1  }
0x8c: {  	s14 =	sshll.u32 s0, $0xA;
	s2 =	sadd.s32 s3, s2  }
0x8d: {  	s2 =	sadd.s32 s2, s14  }
0x8e: {  	[smem:$0x3FBE] =	sst s2  }
0x8f: {  	_ = 	snop  }
0x90: {  	s2 =	sld [smem:$0x3FD0];
	_ =	sdelay $0x2  }
0x91: {  	s15 =	simm.s32 $0xA;
	s4 =	simm.s32 $0x10  }
0x92: {  	[smem:s4], [sflag:s15] =	dma.local [hbm:s2], $0x1  }
0x93: {  	_ =	swait.eq [sflag:s15], $0x1  }
0x94: {  	[sflag:s15] =	ssyncset.done $0x0  }
0x95: {  	s16 =	sld [smem:$0x11];
	[sflag:s15] =	ssyncadd.s32 $0xFFFFFFFF  }
0x96: {  	s17 =	sld [smem:$0x12];
	(tm) =	ssettm $0x1  }
0x97: {  	s18 =	sld [smem:$0x3FFB];
	_ =	sdelay $0x3  }
0x98: {  	_ =	strace s18  }
0x99: {  	s4 =	sld [smem:$0x3FFC];
	_ =	sdelay $0x3  }
0x9a: {  	_ =	strace s4  }
0x9b: {  	s4 =	sld [smem:$0x3FFD];
	_ =	sdelay $0x3  }
0x9c: {  	_ =	strace s4  }
0x9d: {  	_ =	strace $0x8FFFFFFF  }
0x9e: {  	s19 =	sld [smem:$0x3FDB];
	_ =	sdelay $0x1  }
0x9f: {  	s5 =	simm.s32 $_scs_section_size  }
0xa0: {  	s6 =	simm.s32 $_size__tile_overlayer_lowered;
	s7 =	simm.s32 $_tile_overlayer_lowered  }
0xa1: {  	s22 =	simm.s32 $0x1BFF;
	s21 =	sshll.u32 s7, $0x1;
	s4 =	sadd.s32 s5, s19  }
0xa2: {  	s8 =	simm.s32 $0x0;
	s20 =	sshll.u32 s6, $0x1;
	s6 =	sadd.s32 s21, s4  }
0xa3: {  	[timem:s8], [sflag:s22] =	dma.local [hbm:s6], s20  }
0xa4: {  	_ =	swait.ge [sflag:s22], s20  }
0xa5: {  	s5 =	ssub.s32 $0x0, s20;
	[sflag:s22] =	ssyncset.done $0x0  }
0xa6: {  	[sflag:s22] =	ssyncadd.s32 s5;
	_ =	sdelay $0x1  }
0xa7: {  	s23 =	simm.s32 $0x1B8B  }
0xa8: {  	_ =	swait.ge [sflag:s23], $0x1  }
0xa9: {  	[sflag:s23] =	ssyncset.done $0x0  }
0xaa: {  	s25 =	simm.s32 $0x1B8E;
	s24 =	sld [smem:$0x3FFE];
	[sflag:s23] =	ssyncadd.s32 $0xFFFFFFFF  }
0xab: {  	s26 =	simm.s32 $execute0_lowered;
	[smem:$0x3FD2] =	sst s25  }
0xac: {  	s6 =	sshll.u32 s26, $0x1;
	_ =	strace $0x80000046;
	[dreg:$0x1] =	wrdreg $0xFFFFFFFF  }
0xad: {  	s28 =	simm.s32 $_size_execute0_lowered;
	s4 =	sadd.s32 s4, s6;
	[dreg:$0x0] =	wrdreg $0x0  }
0xae: {  	s6 =	sshll.u32 s28, $0x1;
	[dreg:$0x2] =	wrdreg s4  }
0xaf: {  	[dreg:$0x3] =	wrdreg s6  }
0xb0: {  	[dreg:$0x4] =	wrdreg $0xC0  }
0xb1: {  	_ =	task [dreg:s8], $0x5FFFF  }
0xb2: {  	[dreg:$0x1] =	wrdreg $0xFFFFFFFF  }
0xb3: {  	[dreg:$0x0] =	wrdreg $0x60  }
0xb4: {  	[dreg:$0x2] =	wrdreg s16  }
0xb5: {  	[dreg:$0x3] =	wrdreg s17  }
0xb6: {  	[dreg:$0x4] =	wrdreg s24  }
0xb7: {  	[dreg:$0x5] =	wrdreg $0x9  }
0xb8: {  	_ =	task.clear_ibuf [dreg:s8], $0x6FFFF;
	_ =	strace $0x90000046  }
0xb9: {  	s29 =	simm.s32 $0x9;
	_ =	strace $0x80000048  }
0xba: {  	_ =	swait.ge [sflag:s29], $0x1  }
0xbb: {  	[sflag:s29] =	ssyncadd.s32 $0xFFFFFFFF  }
0xbc: {  	_ =	strace $0x90000048  }
0xbd: {  	_ =	sfence  }
0xbe: {  	s30 =	sld [smem:$0x0];
	_ =	sdelay $0x2  }
0xbf: {  	s31 =	sshll.u32 s1, $0xD;
	s1 =	sshrl.u32 s1, $0x2  }
0xc0: {  	s3 =	sand.u32 $0x4000, s31;
	s1 =	sadd.s32 s1, s30  }
0xc1: {  	s0 =	sor.u32 s3, s0;
	s1 =	sshll.u32 s1, $0x11  }
0xc2: {  	s0 =	sor.u32 s1, s0  }
0xc3: {  	s0 =	sadd.s32 $0x8F2B, s0  }
0xc4: {  	[sflag:s0] =	ssyncadd.remote.s32 $0x1  }
0xc5: {  	_ =	sfence.sel $0xFFFF  }
0xc6: {  	[dreg:$0x0] =	wrdreg $0xFFFFFFFF;
	(pc) =	sbr.abs _section_cstart, $3  }
0xc7: {  	[dreg:$0x1] =	wrdreg $0xFFFFFFFF  }
0xc8: {  	_ =	task.clear_ibuf [dreg:s8], $0x2FFFF;
	_ =	strace $0x9FFFFFFF  }
0xc9: {  	(tm) =	ssettm $0x7FFFFFFF  }
tec
execute0_lowered:
.L_overlay_start_1:
0x0: {  	(tag) =	ssettag $0x1  }
0x1: {  	s3 =	rddreg [dreg:$0x0];
	s1 =	srdreg.scid  }
0x2: {  	s0 =	stileid.u32;
	s5 =	rddreg [dreg:$0x1]  }
0x3: {  	s6 =	rddreg [dreg:$0x2];
	s2 =	simm.s32 $0x0;
	s11 =	simm.s32 $0x2800  }
0x4: {  	s12 =	simm.s32 $0x80;
	s13 =	simm.s32 $0x400;
	s14 =	simm.s32 $0x0  }
0x5: {  	s4 =	sand.u32 $0x1, s1;
	s28 =	sshll.u32 s0, $0x1;
	s10 =	sshrl.u32 s0, $0x2  }
0x6: {  	[smem:$0x7FF] =	sst s2;
	s7 =	sor.u32 s4, s28;
	s10 =	smul.u32 $0x14000, s10  }
0x7: {  	s1 =	rddreg [dreg:$0x3];
	_ =	strace $0x80000047;
	s8 =	smul.u32 $0x280, s7  }
0x8: {  	s4 =	ssub.s32 $0x2, s4;
	s9 =	smul.u32 $0x1388, s7;
	s7 =	sshll.u32 s7, $0x7  }
0x9: {  	s31 =	sshrl.u32 s4, $0x1;
	s29 =	sand.u32 $0x380, s7;
	s8 =	sadd.s32 s8, s6  }
0xa: {  	s30 =	sshrl.u32 s9, $0x3;
	s6 =	sor.u32 s10, s29;
	s9 =	ssub.s32 s4, s31  }
0xb: {  	s10 =	simm.s32 $0x1400;
	s3 =	sadd.s32 s3, s30;
	s6 =	sshrl.u32 s6, $0x3  }
0xc: {  	v0 =	vimm.s32 $0x0;
	s7 =	sadd.s32 $0x8000, s8;
	s4 =	sadd.s32 $0x4E20, s3;
	s5 =	sadd.s32 s5, s6  }
0xd: {  	v1 =	vimm.s32 $0x2710;
	v2 =	vimm.f32 $0.0e+00;
	v3 =	vimm.f32 $1.000000000e+00;
	s6 =	sadd.s32 $0x3000, s8;
	s8 =	smax.u32 s9, $0x1;
	s9 =	simm.s32 $0x1  }
.LBB2_1:
0xe: {  	[tilespmem:$0x1380] =	vst v0  }
0xf: {  	[tilespmem:$0x2780] =	vst v1  }
0x10: {  	[tilespmem:$0x1390] =	vst v0  }
0x11: {  	[tilespmem:$0x2790] =	vst v1  }
0x12: {  	[tilespmem:$0x13A0] =	vst v0  }
0x13: {  	[tilespmem:$0x27A0] =	vst v1  }
0x14: {  	[tilespmem:$0x13B0] =	vst v0  }
0x15: {  	[tilespmem:$0x27B0] =	vst v1  }
0x16: {  	[tilespmem:$0x13C0] =	vst v0  }
0x17: {  	[tilespmem:$0x27C0] =	vst v1  }
0x18: {  	[tilespmem:$0x13D0] =	vst v0  }
0x19: {  	[tilespmem:$0x27D0] =	vst v1  }
0x1a: {  	[tilespmem:$0x13E0] =	vst v0  }
0x1b: {  	[tilespmem:$0x27E0] =	vst v1  }
0x1c: {  	[tilespmem:$0x13F0] =	vst v0  }
0x1d: {  	[tilespmem:$0x27F0] =	vst v1  }
0x1e: {  	[tilespmem:s2], [sflag:$0x1] =	stream.linear.gather [hbm4b:s3+s2], $0x1388, $0x38;
	[tilespmem:$0x5000] =	vst v63  }
0x1f: {  	_ =	swait.ge [sflag:s9], $0x1388  }
0x20: {  	[sflag:s9] =	ssyncset.done $0x0  }
0x21: {  	[sflag:s9] =	ssyncadd.s32 $0xFFFFEC78  }
0x22: {  	[tilespmem:s10], [sflag:$0x1] =	stream.linear.gather [hbm4b:s4+s2], $0x1388, $0x38;
	[tilespmem:$0x5000] =	vst v63  }
0x23: {  	_ =	swait.ge [sflag:s9], $0x1388  }
0x24: {  	[sflag:s9] =	ssyncset.done $0x0  }
0x25: {  	s15 =	simm.s32 $0x0;
	[sflag:s9] =	ssyncadd.s32 $0xFFFFEC78  }
.LBB2_2:
0x26: {  	p0 =	sne.s32 s15, $0x9FC0  }
.Ltmp0:
0x27: {  	_ = 	snop;
	(pc) =	sbr.rel @p0 .LBB2_2-.Ltmp0, $3  }
0x28: {  	_ =	sdelay $0x1  }
0x29: {  	s16 =	sshra.s32 s15, $0x2  }
0x2a: {  	s15 =	sadd.s32 $0x40, s15;
	[tilespmem:s16+$0x2800] =	vst v2  }
0x2b: {  	s16 =	simm.s32 $0x0;
	s15 =	simm.s32 $0x40  }
.LBB2_4:
0x2c: {  	p0 =	sne.s32 s15, $0x4FC0;
	v4 =	vld [tilespmem:s16+$0x1400];
	_ =	sdelay $0x3  }
.Ltmp1:
0x2d: {  	(pc) =	sbr.rel @p0 .LBB2_4-.Ltmp1, $2  }
0x2e: {  	_ =	sdelay $0x2  }
0x2f: {  	s16 =	sshra.s32 s15, $0x2;
	s15 =	sadd.s32 $0x40, s15;
	[tilespmem:v4+s11+$0x0] =	vst.idx.add.f32.msk $0xffff, v3  }
0x30: {  	v4 =	vld [tilespmem:s16+$0x1400];
	_ =	sdelay $0x7  }
0x31: {  	[tilespmem:v4+s11+$0x0] =	vst.idx.add.f32.msk $0xffff, v3  }
0x32: {  	[hbm4b:s5+s12] =	stream.strided.scatter [tilespmem:s11], [sflag:$0x1], $0x2800, s13, s12, $0x38;
	[tilespmem:$0x5000] =	vst v63  }
0x33: {  	_ =	swait.ge [sflag:s9], $0x2800  }
0x34: {  	[sflag:s9] =	ssyncset.done $0x0  }
0x35: {  	[sflag:s9] =	ssyncadd.s32 $0xFFFFD800  }
0x36: {  	[hbm4b:s6+s2] =	stream.linear.scatter [tilespmem:s2], [sflag:$0x1], $0x1400, $0x38;
	[tilespmem:$0x5000] =	vst v63  }
0x37: {  	s14 =	sadd.s32 $0x1, s14;
	_ =	swait.ge [sflag:s9], $0x1400  }
0x38: {  	p0 =	sne.s32 s14, s8;
	[sflag:s9] =	ssyncset.done $0x0  }
.Ltmp2:
0x39: {  	[sflag:s9] =	ssyncadd.s32 $0xFFFFEC00;
	(pc) =	sbr.rel @p0 .LBB2_1-.Ltmp2, $4  }
0x3a: {  	[hbm4b:s7+s2] =	stream.linear.scatter [tilespmem:s10], [sflag:$0x1], $0x1400, $0x38;
	[tilespmem:$0x5000] =	vst v63  }
0x3b: {  	_ =	swait.ge [sflag:s9], $0x1400  }
0x3c: {  	[sflag:s9] =	ssyncset.done $0x0  }
0x3d: {  	[sflag:s9] =	ssyncadd.s32 $0xFFFFEC00  }
0x3e: {  	_ =	sfence.sel $0x180000  }
0x3f: {  	[bflag:$0x0] =	sbarrier.arrive $0xFFFF  }
0x40: {  	p0 =	sne.s32 s0, $0x0;
	_ =	strace $0x90000047  }
0x41: {  	s0 =	sadd.s32 @!p0 $0x100000, s1;
	[bflag:$0x2] =	sbarrier.arrive $0xFFFF  }
0x42: {  	[sflag:s0] =	ssyncadd.tile.s32 @!p0 $0x1;
	_ =	shalt  }
.Lfunc_end2:
_tile_overlayer_lowered:
.L_overlay_start_2:
0x43: {  	(tag) =	ssettag $0x2  }
0x44: {  	s0 =	rddreg [dreg:$0x0];
	s2 =	stileid.u32  }
0x45: {  	s1 =	rddreg [dreg:$0x1];
	p0 =	sne.s32 s2, $0x0  }
0x46: {  	s3 =	rddreg [dreg:$0x2];
	[bflag:$0x3] =	sbarrier.arrive $0xFFFF;
	s2 =	simm.s32 @!p0 $0x1C01  }
0x47: {  	[timem:s3], [sflag:s2] =	dma.local @!p0 [hbm:s0], s1  }
0x48: {  	s0 =	simm.s32 @!p0 $0x1  }
0x49: {  	_ =	swait.ge @!p0 [sflag:s0], s1  }
0x4a: {  	s1 =	ssub.s32 @!p0 $0x0, s1;
	[sflag:s0] =	ssyncset.done @!p0 $0x0  }
0x4b: {  	[sflag:s0] =	ssyncadd.s32 @!p0 s1  }
0x4c: {  	[bflag:$0x3] =	sbarrier.arrive $0xFFFF  }
0x4d: {  	_ =	shalt  }

</sc_bundles>
